<compile_context>
chip_gen: v7x
topology: tpu7x:2x2x1
jax: 0.10.2.dev20260603
libtpu: 0.0.44.dev20260713+nightly
codegen_flags: <defaults>
</compile_context>

<pallas_src>
import functools

import jax
import jax.numpy as jnp
from jax import lax
from jax.experimental import pallas as pl
from jax.experimental.pallas import tpu as pltpu
from jax.experimental.pallas import tpu_sc as plsc

BATCH = 16384
EMBED_DIM = 16
NC = 2
NS = 16
NW = NC * NS
BPW = BATCH // NW
IDXC = 128
NJ = BPW // IDXC
L = 16
UNROLL = 8


def _sc_body(uid_hbm, pid_hbm, nid_hbm, uemb_hbm, iemb_hbm, ubias_hbm,
             ibias_hbm, gb_hbm, pos_out, neg_out,
             uid_v, pid_v, nid_v, ue_v, iep_v, ien_v, ub_v, ibp_v, ibn_v,
             gb_v, outp_v, outn_v, sem):
    wid = lax.axis_index("s") * NC + lax.axis_index("c")
    base = wid * BPW

    s0 = wid // 2
    s1 = (wid % 2) * NJ
    pltpu.sync_copy(uid_hbm.at[s0, pl.ds(s1, NJ)], uid_v)
    pltpu.sync_copy(pid_hbm.at[s0, pl.ds(s1, NJ)], pid_v)
    pltpu.sync_copy(nid_hbm.at[s0, pl.ds(s1, NJ)], nid_v)
    pltpu.sync_copy(gb_hbm, gb_v)

    copies = []
    for j in range(NJ):
        rows = pl.ds(j * IDXC, IDXC)
        copies.append(pltpu.async_copy(uemb_hbm.at[uid_v.at[j]], ue_v.at[rows], sem))
        copies.append(pltpu.async_copy(iemb_hbm.at[pid_v.at[j]], iep_v.at[rows], sem))
        copies.append(pltpu.async_copy(iemb_hbm.at[nid_v.at[j]], ien_v.at[rows], sem))
        copies.append(pltpu.async_copy(ubias_hbm.at[uid_v.at[j]], ub_v.at[rows], sem))
        copies.append(pltpu.async_copy(ibias_hbm.at[pid_v.at[j]], ibp_v.at[rows], sem))
        copies.append(pltpu.async_copy(ibias_hbm.at[nid_v.at[j]], ibn_v.at[rows], sem))
    for c in copies:
        c.wait()

    def dot_body(i, carry):
        for k in range(UNROLL):
            e = i * UNROLL + k
            ue = ue_v[e]
            iep_v[e] = plsc.cumsum(ue * iep_v[e])
            ien_v[e] = plsc.cumsum(ue * ien_v[e])
        return carry

    lax.fori_loop(0, BPW // UNROLL, dot_body, 0)

    lane = lax.iota(jnp.int32, L)
    col15 = jnp.full((L,), EMBED_DIM - 1, jnp.int32)
    gb = gb_v[...]
    for c in range(BPW // L):
        s = pl.ds(c * L, L)
        rows = lane + (c * L)
        dp = plsc.load_gather(iep_v, [rows, col15])
        dn = plsc.load_gather(ien_v, [rows, col15])
        ub = ub_v[s] + gb
        outp_v[s] = dp + (ub + ibp_v[s])
        outn_v[s] = dn + (ub + ibn_v[s])

    pltpu.sync_copy(outp_v, pos_out.at[pl.ds(base, BPW)])
    pltpu.sync_copy(outn_v, neg_out.at[pl.ds(base, BPW)])


_sc_call = pl.kernel(
    _sc_body,
    out_type=(
        jax.ShapeDtypeStruct((BATCH,), jnp.float32),
        jax.ShapeDtypeStruct((BATCH,), jnp.float32),
    ),
    mesh=plsc.VectorSubcoreMesh(core_axis_name="c", subcore_axis_name="s",
                                num_cores=NC, num_subcores=NS),
    compiler_params=pltpu.CompilerParams(needs_layout_passes=False,
                                         use_tc_tiling_on_sc=False),
    scratch_types=[
        pltpu.VMEM((NJ, IDXC), jnp.int32),
        pltpu.VMEM((NJ, IDXC), jnp.int32),
        pltpu.VMEM((NJ, IDXC), jnp.int32),
        pltpu.VMEM((BPW, EMBED_DIM), jnp.float32),
        pltpu.VMEM((BPW, EMBED_DIM), jnp.float32),
        pltpu.VMEM((BPW, EMBED_DIM), jnp.float32),
        pltpu.VMEM((BPW,), jnp.float32),
        pltpu.VMEM((BPW,), jnp.float32),
        pltpu.VMEM((BPW,), jnp.float32),
        pltpu.VMEM((L,), jnp.float32),
        pltpu.VMEM((BPW,), jnp.float32),
        pltpu.VMEM((BPW,), jnp.float32),
        pltpu.SemaphoreType.DMA,
    ],
)


def kernel(user_ids, pos_item_ids, neg_item_ids, user_emb, item_emb,
           user_bias, item_bias, global_bias):
    uid = user_ids.astype(jnp.int32).reshape(BATCH // 1024, 8, 128)
    pid = pos_item_ids.astype(jnp.int32).reshape(BATCH // 1024, 8, 128)
    nid = neg_item_ids.astype(jnp.int32).reshape(BATCH // 1024, 8, 128)
    ub = jnp.sum(user_bias, axis=1)
    ib = jnp.sum(item_bias, axis=1)
    gb = jnp.broadcast_to(global_bias, (L,))
    return _sc_call(uid, pid, nid, user_emb, item_emb, ub, ib, gb)

# --- scband reference (transcript-rebuilt; emitter-appended) ---
"""Pipeline reference for scband-bprmf-55035710931361 (READ-ONLY COPY).

The authoritative reference and input builder live on the scoring server;
editing this copy changes nothing except your own understanding.
"""

import jax, jax.numpy as jnp
import numpy as np

NUM_USERS = 1000000
NUM_ITEMS = 1000000
EMBED_DIM = 16
BATCH = 16384


def setup_inputs(seed: int = 0) -> dict:
    key = jax.random.key(seed)
    ks = jax.random.split(key, 8)
    user_ids = jax.random.randint(ks[0], (BATCH,), 0, NUM_USERS, dtype=jnp.int64 if jax.config.jax_enable_x64 else jnp.int32)
    pos_item_ids = jax.random.randint(ks[1], (BATCH,), 0, NUM_ITEMS, dtype=user_ids.dtype)
    neg_item_ids = jax.random.randint(ks[2], (BATCH,), 0, NUM_ITEMS, dtype=user_ids.dtype)
    # xavier_uniform for embeddings: bound = sqrt(6 / (fan_in + fan_out))
    bu = float(np.sqrt(6.0 / (NUM_USERS + EMBED_DIM)))
    bi = float(np.sqrt(6.0 / (NUM_ITEMS + EMBED_DIM)))
    user_emb = jax.random.uniform(ks[3], (NUM_USERS, EMBED_DIM), dtype=jnp.float32, minval=-bu, maxval=bu)
    item_emb = jax.random.uniform(ks[4], (NUM_ITEMS, EMBED_DIM), dtype=jnp.float32, minval=-bi, maxval=bi)
    user_bias = 0.01 * jax.random.normal(ks[5], (NUM_USERS, 1), dtype=jnp.float32)
    item_bias = 0.01 * jax.random.normal(ks[6], (NUM_ITEMS, 1), dtype=jnp.float32)
    global_bias = jnp.zeros((1,), dtype=jnp.float32)
    return {
        'user_ids': user_ids,
        'pos_item_ids': pos_item_ids,
        'neg_item_ids': neg_item_ids,
        'user_emb': user_emb,
        'item_emb': item_emb,
        'user_bias': user_bias,
        'item_bias': item_bias,
        'global_bias': global_bias,
    }


def reference(user_ids, pos_item_ids, neg_item_ids, user_emb, item_emb, user_bias, item_bias, global_bias):
    def _score(u_ids, i_ids):
        ue = jnp.take(user_emb, u_ids, axis=0)
        ie = jnp.take(item_emb, i_ids, axis=0)
        interaction = jnp.sum(ue * ie, axis=-1)
        ub = jnp.take(user_bias, u_ids, axis=0)[..., 0]
        ib = jnp.take(item_bias, i_ids, axis=0)[..., 0]
        return global_bias[0] + ub + ib + interaction

    pos_scores = _score(user_ids, pos_item_ids)
    neg_scores = _score(user_ids, neg_item_ids)
    return (pos_scores, neg_scores)

if __name__ == "__main__":
    import jax
    _d = setup_inputs()
    print(jax.jit(kernel)(*tuple(_d.values())))

</pallas_src>

<mosaic_0001>
#map = affine_map<(d0, d1) -> (0, 0, 0)>
#map1 = affine_map<(d0, d1) -> (0, 0)>
#map2 = affine_map<(d0, d1) -> (0)>
module attributes {stable_mosaic.version = 14 : i64} {
  func.func @_sc_body(%arg0: i32, %arg1: i32, %arg2: memref<16x8x128xi32, #tpu.memory_space<hbm>>, %arg3: memref<16x8x128xi32, #tpu.memory_space<hbm>>, %arg4: memref<16x8x128xi32, #tpu.memory_space<hbm>>, %arg5: memref<1000000x16xf32, #tpu.memory_space<hbm>>, %arg6: memref<1000000x16xf32, #tpu.memory_space<hbm>>, %arg7: memref<1000000xf32, #tpu.memory_space<hbm>>, %arg8: memref<1000000xf32, #tpu.memory_space<hbm>>, %arg9: memref<16xf32, #tpu.memory_space<hbm>>, %arg10: memref<16384xf32, #tpu.memory_space<hbm>>, %arg11: memref<16384xf32, #tpu.memory_space<hbm>>, %arg12: memref<4x128xi32, #tpu.memory_space<vmem>>, %arg13: memref<4x128xi32, #tpu.memory_space<vmem>>, %arg14: memref<4x128xi32, #tpu.memory_space<vmem>>, %arg15: memref<512x16xf32, #tpu.memory_space<vmem>>, %arg16: memref<512x16xf32, #tpu.memory_space<vmem>>, %arg17: memref<512x16xf32, #tpu.memory_space<vmem>>, %arg18: memref<512xf32, #tpu.memory_space<vmem>>, %arg19: memref<512xf32, #tpu.memory_space<vmem>>, %arg20: memref<512xf32, #tpu.memory_space<vmem>>, %arg21: memref<16xf32, #tpu.memory_space<vmem>>, %arg22: memref<512xf32, #tpu.memory_space<vmem>>, %arg23: memref<512xf32, #tpu.memory_space<vmem>>, %arg24: memref<!tpu.dma_semaphore, #tpu.memory_space<semaphore_mem>>) attributes {dimension_semantics = [#tpu.dimension_semantics<core_parallel>, #tpu.dimension_semantics<subcore_parallel>], iteration_bounds = array<i64: 2, 16>, scalar_prefetch = 0 : i64, scratch_operands = 13 : i64, tpu.core_type = #tpu.core_type<sc_vector_subcore>, window_params = [{transform_indices = #map}, {transform_indices = #map}, {transform_indices = #map}, {transform_indices = #map1}, {transform_indices = #map1}, {transform_indices = #map2}, {transform_indices = #map2}, {transform_indices = #map2}, {transform_indices = #map2}, {transform_indices = #map2}]} {
    %mul3A = arith.constant 2 : i32
    %mul3A_0 = arith.muli %arg1, %mul3A : i32
    %add3A = arith.addi %mul3A_0, %arg0 : i32
    %mul3A_1 = arith.constant 512 : i32
    %mul3A_2 = arith.muli %add3A, %mul3A_1 : i32
    %jit3A = arith.constant 2 : i32
    %div3A = arith.divsi %add3A, %jit3A : i32
    %sign3A = arith.constant 0 : i32
    %sign3A_3 = arith.cmpi sgt, %add3A, %sign3A : i32
    %sign3A_4 = arith.extui %sign3A_3 : i1 to i32
    %sign3A_5 = arith.constant 0 : i32
    %sign3A_6 = arith.cmpi slt, %add3A, %sign3A_5 : i32
    %sign3A_7 = arith.extui %sign3A_6 : i1 to i32
    %sign3A_8 = arith.subi %sign3A_4, %sign3A_7 : i32
    %sign3A_9 = arith.constant 0 : i32
    %sign3A_10 = arith.cmpi sgt, %jit3A, %sign3A_9 : i32
    %sign3A_11 = arith.extui %sign3A_10 : i1 to i32
    %sign3A_12 = arith.constant 0 : i32
    %sign3A_13 = arith.cmpi slt, %jit3A, %sign3A_12 : i32
    %sign3A_14 = arith.extui %sign3A_13 : i1 to i32
    %sign3A_15 = arith.subi %sign3A_11, %sign3A_14 : i32
    %ne3A = arith.cmpi ne, %sign3A_8, %sign3A_15 : i32
    %rem3A = arith.remsi %add3A, %jit3A : i32
    %ne3A_16 = arith.constant 0 : i32
    %ne3A_17 = arith.cmpi ne, %rem3A, %ne3A_16 : i32
    %and3A = arith.andi %ne3A, %ne3A_17 : i1
    %sub3A = arith.constant 1 : i32
    %sub3A_18 = arith.subi %div3A, %sub3A : i32
    %select_n3A = arith.select %and3A, %sub3A_18, %div3A : i32
    %jit3A_19 = arith.constant 2 : i32
    %eq3A = arith.constant 0 : i32
    %eq3A_20 = arith.cmpi eq, %jit3A_19, %eq3A : i32
    %jit3A_21 = arith.constant 1 : i32
    %select_n3A_22 = arith.select %eq3A_20, %jit3A_21, %jit3A_19 : i32
    %rem3A_23 = arith.remsi %add3A, %select_n3A_22 : i32
    %ne3A_24 = arith.constant 0 : i32
    %ne3A_25 = arith.cmpi ne, %rem3A_23, %ne3A_24 : i32
    %lt3A = arith.constant 0 : i32
    %lt3A_26 = arith.cmpi slt, %rem3A_23, %lt3A : i32
    %lt3A_27 = arith.constant 0 : i32
    %lt3A_28 = arith.cmpi slt, %select_n3A_22, %lt3A_27 : i32
    %ne3A_29 = arith.xori %lt3A_26, %lt3A_28 : i1
    %and3A_30 = arith.andi %ne3A_29, %ne3A_25 : i1
    %add3A_31 = arith.addi %rem3A_23, %select_n3A_22 : i32
    %select_n3A_32 = arith.select %and3A_30, %add3A_31, %rem3A_23 : i32
    %mul3A_33 = arith.constant 4 : i32
    %mul3A_34 = arith.muli %select_n3A_32, %mul3A_33 : i32
    "tpu.region"() ({
      %run_scoped3A = tpu.sem_alloc : memref<!tpu.dma_semaphore, #tpu.memory_space<semaphore_mem>>
      %dma_start3A_1110 = arith.constant 0 : i32
      %dma_start3A_1111 = tpu.memref_slice %arg2[%select_n3A, %mul3A_34, %dma_start3A_1110] : memref<16x8x128xi32, #tpu.memory_space<hbm>> -> memref<1x4x128xi32, #tpu.memory_space<hbm>>
      %dma_start3A_1112 = tpu.memref_squeeze %dma_start3A_1111 : memref<1x4x128xi32, #tpu.memory_space<hbm>> -> memref<4x128xi32, #tpu.memory_space<hbm>>
      %dma_start3A_1113 = arith.constant 0 : i32
      %dma_start3A_1114 = tpu.memref_slice %arg2[%select_n3A, %mul3A_34, %dma_start3A_1113] : memref<16x8x128xi32, #tpu.memory_space<hbm>> -> memref<1x4x128xi32, #tpu.memory_space<hbm>>
      %dma_start3A_1115 = tpu.memref_squeeze %dma_start3A_1114 : memref<1x4x128xi32, #tpu.memory_space<hbm>> -> memref<4x128xi32, #tpu.memory_space<hbm>>
      tpu.enqueue_dma source(%dma_start3A_1115 : memref<4x128xi32, #tpu.memory_space<hbm>>) target(%arg12 : memref<4x128xi32, #tpu.memory_space<vmem>>) target_semaphore(%run_scoped3A : memref<!tpu.dma_semaphore, #tpu.memory_space<semaphore_mem>>)
      %dma_wait3A_1116 = arith.constant 0 : i32
      %dma_wait3A_1117 = tpu.memref_slice %arg2[%select_n3A, %mul3A_34, %dma_wait3A_1116] : memref<16x8x128xi32, #tpu.memory_space<hbm>> -> memref<1x4x128xi32, #tpu.memory_space<hbm>>
      %dma_wait3A_1118 = tpu.memref_squeeze %dma_wait3A_1117 : memref<1x4x128xi32, #tpu.memory_space<hbm>> -> memref<4x128xi32, #tpu.memory_space<hbm>>
      %dma_wait3A_1119 = arith.constant 0 : i32
      %dma_wait3A_1120 = tpu.memref_slice %arg2[%select_n3A, %mul3A_34, %dma_wait3A_1119] : memref<16x8x128xi32, #tpu.memory_space<hbm>> -> memref<1x4x128xi32, #tpu.memory_space<hbm>>
      %dma_wait3A_1121 = tpu.memref_squeeze %dma_wait3A_1120 : memref<1x4x128xi32, #tpu.memory_space<hbm>> -> memref<4x128xi32, #tpu.memory_space<hbm>>
      tpu.wait_dma2 semaphore(%run_scoped3A : memref<!tpu.dma_semaphore, #tpu.memory_space<semaphore_mem>>) src(%dma_wait3A_1121 : memref<4x128xi32, #tpu.memory_space<hbm>>) dst(%arg12 : memref<4x128xi32, #tpu.memory_space<vmem>>)
      tpu.yield
    }) : () -> ()
    "tpu.region"() ({
      %run_scoped3A = tpu.sem_alloc : memref<!tpu.dma_semaphore, #tpu.memory_space<semaphore_mem>>
      %dma_start3A_1110 = arith.constant 0 : i32
      %dma_start3A_1111 = tpu.memref_slice %arg3[%select_n3A, %mul3A_34, %dma_start3A_1110] : memref<16x8x128xi32, #tpu.memory_space<hbm>> -> memref<1x4x128xi32, #tpu.memory_space<hbm>>
      %dma_start3A_1112 = tpu.memref_squeeze %dma_start3A_1111 : memref<1x4x128xi32, #tpu.memory_space<hbm>> -> memref<4x128xi32, #tpu.memory_space<hbm>>
      %dma_start3A_1113 = arith.constant 0 : i32
      %dma_start3A_1114 = tpu.memref_slice %arg3[%select_n3A, %mul3A_34, %dma_start3A_1113] : memref<16x8x128xi32, #tpu.memory_space<hbm>> -> memref<1x4x128xi32, #tpu.memory_space<hbm>>
      %dma_start3A_1115 = tpu.memref_squeeze %dma_start3A_1114 : memref<1x4x128xi32, #tpu.memory_space<hbm>> -> memref<4x128xi32, #tpu.memory_space<hbm>>
      tpu.enqueue_dma source(%dma_start3A_1115 : memref<4x128xi32, #tpu.memory_space<hbm>>) target(%arg13 : memref<4x128xi32, #tpu.memory_space<vmem>>) target_semaphore(%run_scoped3A : memref<!tpu.dma_semaphore, #tpu.memory_space<semaphore_mem>>)
      %dma_wait3A_1116 = arith.constant 0 : i32
      %dma_wait3A_1117 = tpu.memref_slice %arg3[%select_n3A, %mul3A_34, %dma_wait3A_1116] : memref<16x8x128xi32, #tpu.memory_space<hbm>> -> memref<1x4x128xi32, #tpu.memory_space<hbm>>
      %dma_wait3A_1118 = tpu.memref_squeeze %dma_wait3A_1117 : memref<1x4x128xi32, #tpu.memory_space<hbm>> -> memref<4x128xi32, #tpu.memory_space<hbm>>
      %dma_wait3A_1119 = arith.constant 0 : i32
      %dma_wait3A_1120 = tpu.memref_slice %arg3[%select_n3A, %mul3A_34, %dma_wait3A_1119] : memref<16x8x128xi32, #tpu.memory_space<hbm>> -> memref<1x4x128xi32, #tpu.memory_space<hbm>>
      %dma_wait3A_1121 = tpu.memref_squeeze %dma_wait3A_1120 : memref<1x4x128xi32, #tpu.memory_space<hbm>> -> memref<4x128xi32, #tpu.memory_space<hbm>>
      tpu.wait_dma2 semaphore(%run_scoped3A : memref<!tpu.dma_semaphore, #tpu.memory_space<semaphore_mem>>) src(%dma_wait3A_1121 : memref<4x128xi32, #tpu.memory_space<hbm>>) dst(%arg13 : memref<4x128xi32, #tpu.memory_space<vmem>>)
      tpu.yield
    }) : () -> ()
    "tpu.region"() ({
      %run_scoped3A = tpu.sem_alloc : memref<!tpu.dma_semaphore, #tpu.memory_space<semaphore_mem>>
      %dma_start3A_1110 = arith.constant 0 : i32
      %dma_start3A_1111 = tpu.memref_slice %arg4[%select_n3A, %mul3A_34, %dma_start3A_1110] : memref<16x8x128xi32, #tpu.memory_space<hbm>> -> memref<1x4x128xi32, #tpu.memory_space<hbm>>
      %dma_start3A_1112 = tpu.memref_squeeze %dma_start3A_1111 : memref<1x4x128xi32, #tpu.memory_space<hbm>> -> memref<4x128xi32, #tpu.memory_space<hbm>>
      %dma_start3A_1113 = arith.constant 0 : i32
      %dma_start3A_1114 = tpu.memref_slice %arg4[%select_n3A, %mul3A_34, %dma_start3A_1113] : memref<16x8x128xi32, #tpu.memory_space<hbm>> -> memref<1x4x128xi32, #tpu.memory_space<hbm>>
      %dma_start3A_1115 = tpu.memref_squeeze %dma_start3A_1114 : memref<1x4x128xi32, #tpu.memory_space<hbm>> -> memref<4x128xi32, #tpu.memory_space<hbm>>
      tpu.enqueue_dma source(%dma_start3A_1115 : memref<4x128xi32, #tpu.memory_space<hbm>>) target(%arg14 : memref<4x128xi32, #tpu.memory_space<vmem>>) target_semaphore(%run_scoped3A : memref<!tpu.dma_semaphore, #tpu.memory_space<semaphore_mem>>)
      %dma_wait3A_1116 = arith.constant 0 : i32
      %dma_wait3A_1117 = tpu.memref_slice %arg4[%select_n3A, %mul3A_34, %dma_wait3A_1116] : memref<16x8x128xi32, #tpu.memory_space<hbm>> -> memref<1x4x128xi32, #tpu.memory_space<hbm>>
      %dma_wait3A_1118 = tpu.memref_squeeze %dma_wait3A_1117 : memref<1x4x128xi32, #tpu.memory_space<hbm>> -> memref<4x128xi32, #tpu.memory_space<hbm>>
      %dma_wait3A_1119 = arith.constant 0 : i32
      %dma_wait3A_1120 = tpu.memref_slice %arg4[%select_n3A, %mul3A_34, %dma_wait3A_1119] : memref<16x8x128xi32, #tpu.memory_space<hbm>> -> memref<1x4x128xi32, #tpu.memory_space<hbm>>
      %dma_wait3A_1121 = tpu.memref_squeeze %dma_wait3A_1120 : memref<1x4x128xi32, #tpu.memory_space<hbm>> -> memref<4x128xi32, #tpu.memory_space<hbm>>
      tpu.wait_dma2 semaphore(%run_scoped3A : memref<!tpu.dma_semaphore, #tpu.memory_space<semaphore_mem>>) src(%dma_wait3A_1121 : memref<4x128xi32, #tpu.memory_space<hbm>>) dst(%arg14 : memref<4x128xi32, #tpu.memory_space<vmem>>)
      tpu.yield
    }) : () -> ()
    "tpu.region"() ({
      %run_scoped3A = tpu.sem_alloc : memref<!tpu.dma_semaphore, #tpu.memory_space<semaphore_mem>>
      tpu.enqueue_dma source(%arg9 : memref<16xf32, #tpu.memory_space<hbm>>) target(%arg21 : memref<16xf32, #tpu.memory_space<vmem>>) target_semaphore(%run_scoped3A : memref<!tpu.dma_semaphore, #tpu.memory_space<semaphore_mem>>)
      tpu.wait_dma2 semaphore(%run_scoped3A : memref<!tpu.dma_semaphore, #tpu.memory_space<semaphore_mem>>) src(%arg9 : memref<16xf32, #tpu.memory_space<hbm>>) dst(%arg21 : memref<16xf32, #tpu.memory_space<vmem>>)
      tpu.yield
    }) : () -> ()
    %dma_start3A = arith.constant 0 : i32
    %dma_start3A_35 = arith.constant 0 : i32
    %dma_start3A_36 = arith.constant 0 : i32
    %dma_start3A_37 = tpu.memref_slice %arg15[%dma_start3A_35, %dma_start3A_36] : memref<512x16xf32, #tpu.memory_space<vmem>> -> memref<128x16xf32, #tpu.memory_space<vmem>>
    %dma_start3A_38 = arith.constant 0 : i32
    %dma_start3A_39 = tpu.memref_slice %arg12[%dma_start3A, %dma_start3A_38] : memref<4x128xi32, #tpu.memory_space<vmem>> -> memref<1x128xi32, #tpu.memory_space<vmem>>
    %dma_start3A_40 = tpu.memref_squeeze %dma_start3A_39 : memref<1x128xi32, #tpu.memory_space<vmem>> -> memref<128xi32, #tpu.memory_space<vmem>>
    %dma_start3A_41 = arith.constant 0 : i32
    %dma_start3A_42 = arith.constant 0 : i32
    %dma_start3A_43 = tpu.memref_slice %arg5[%dma_start3A_41, %dma_start3A_42] : memref<1000000x16xf32, #tpu.memory_space<hbm>> -> memref<1000000x16xf32, #tpu.memory_space<hbm>>
    tpu.enqueue_indirect_dma source(%dma_start3A_43 : memref<1000000x16xf32, #tpu.memory_space<hbm>>) target(%dma_start3A_37 : memref<128x16xf32, #tpu.memory_space<vmem>>) offsets(%dma_start3A_40 : memref<128xi32, #tpu.memory_space<vmem>>) semaphore(%arg24 : memref<!tpu.dma_semaphore, #tpu.memory_space<semaphore_mem>>)
    %dma_start3A_44 = arith.constant 0 : i32
    %dma_start3A_45 = arith.constant 0 : i32
    %dma_start3A_46 = arith.constant 0 : i32
    %dma_start3A_47 = tpu.memref_slice %arg16[%dma_start3A_45, %dma_start3A_46] : memref<512x16xf32, #tpu.memory_space<vmem>> -> memref<128x16xf32, #tpu.memory_space<vmem>>
    %dma_start3A_48 = arith.constant 0 : i32
    %dma_start3A_49 = tpu.memref_slice %arg13[%dma_start3A_44, %dma_start3A_48] : memref<4x128xi32, #tpu.memory_space<vmem>> -> memref<1x128xi32, #tpu.memory_space<vmem>>
    %dma_start3A_50 = tpu.memref_squeeze %dma_start3A_49 : memref<1x128xi32, #tpu.memory_space<vmem>> -> memref<128xi32, #tpu.memory_space<vmem>>
    %dma_start3A_51 = arith.constant 0 : i32
    %dma_start3A_52 = arith.constant 0 : i32
    %dma_start3A_53 = tpu.memref_slice %arg6[%dma_start3A_51, %dma_start3A_52] : memref<1000000x16xf32, #tpu.memory_space<hbm>> -> memref<1000000x16xf32, #tpu.memory_space<hbm>>
    tpu.enqueue_indirect_dma source(%dma_start3A_53 : memref<1000000x16xf32, #tpu.memory_space<hbm>>) target(%dma_start3A_47 : memref<128x16xf32, #tpu.memory_space<vmem>>) offsets(%dma_start3A_50 : memref<128xi32, #tpu.memory_space<vmem>>) semaphore(%arg24 : memref<!tpu.dma_semaphore, #tpu.memory_space<semaphore_mem>>)
    %dma_start3A_54 = arith.constant 0 : i32
    %dma_start3A_55 = arith.constant 0 : i32
    %dma_start3A_56 = arith.constant 0 : i32
    %dma_start3A_57 = tpu.memref_slice %arg17[%dma_start3A_55, %dma_start3A_56] : memref<512x16xf32, #tpu.memory_space<vmem>> -> memref<128x16xf32, #tpu.memory_space<vmem>>
    %dma_start3A_58 = arith.constant 0 : i32
    %dma_start3A_59 = tpu.memref_slice %arg14[%dma_start3A_54, %dma_start3A_58] : memref<4x128xi32, #tpu.memory_space<vmem>> -> memref<1x128xi32, #tpu.memory_space<vmem>>
    %dma_start3A_60 = tpu.memref_squeeze %dma_start3A_59 : memref<1x128xi32, #tpu.memory_space<vmem>> -> memref<128xi32, #tpu.memory_space<vmem>>
    %dma_start3A_61 = arith.constant 0 : i32
    %dma_start3A_62 = arith.constant 0 : i32
    %dma_start3A_63 = tpu.memref_slice %arg6[%dma_start3A_61, %dma_start3A_62] : memref<1000000x16xf32, #tpu.memory_space<hbm>> -> memref<1000000x16xf32, #tpu.memory_space<hbm>>
    tpu.enqueue_indirect_dma source(%dma_start3A_63 : memref<1000000x16xf32, #tpu.memory_space<hbm>>) target(%dma_start3A_57 : memref<128x16xf32, #tpu.memory_space<vmem>>) offsets(%dma_start3A_60 : memref<128xi32, #tpu.memory_space<vmem>>) semaphore(%arg24 : memref<!tpu.dma_semaphore, #tpu.memory_space<semaphore_mem>>)
    %dma_start3A_64 = arith.constant 0 : i32
    %dma_start3A_65 = arith.constant 0 : i32
    %dma_start3A_66 = tpu.memref_slice %arg18[%dma_start3A_65] : memref<512xf32, #tpu.memory_space<vmem>> -> memref<128xf32, #tpu.memory_space<vmem>>
    %dma_start3A_67 = arith.constant 0 : i32
    %dma_start3A_68 = tpu.memref_slice %arg12[%dma_start3A_64, %dma_start3A_67] : memref<4x128xi32, #tpu.memory_space<vmem>> -> memref<1x128xi32, #tpu.memory_space<vmem>>
    %dma_start3A_69 = tpu.memref_squeeze %dma_start3A_68 : memref<1x128xi32, #tpu.memory_space<vmem>> -> memref<128xi32, #tpu.memory_space<vmem>>
    %dma_start3A_70 = arith.constant 0 : i32
    %dma_start3A_71 = tpu.memref_slice %arg7[%dma_start3A_70] : memref<1000000xf32, #tpu.memory_space<hbm>> -> memref<1000000xf32, #tpu.memory_space<hbm>>
    tpu.enqueue_indirect_dma source(%dma_start3A_71 : memref<1000000xf32, #tpu.memory_space<hbm>>) target(%dma_start3A_66 : memref<128xf32, #tpu.memory_space<vmem>>) offsets(%dma_start3A_69 : memref<128xi32, #tpu.memory_space<vmem>>) semaphore(%arg24 : memref<!tpu.dma_semaphore, #tpu.memory_space<semaphore_mem>>)
    %dma_start3A_72 = arith.constant 0 : i32
    %dma_start3A_73 = arith.constant 0 : i32
    %dma_start3A_74 = tpu.memref_slice %arg19[%dma_start3A_73] : memref<512xf32, #tpu.memory_space<vmem>> -> memref<128xf32, #tpu.memory_space<vmem>>
    %dma_start3A_75 = arith.constant 0 : i32
    %dma_start3A_76 = tpu.memref_slice %arg13[%dma_start3A_72, %dma_start3A_75] : memref<4x128xi32, #tpu.memory_space<vmem>> -> memref<1x128xi32, #tpu.memory_space<vmem>>
    %dma_start3A_77 = tpu.memref_squeeze %dma_start3A_76 : memref<1x128xi32, #tpu.memory_space<vmem>> -> memref<128xi32, #tpu.memory_space<vmem>>
    %dma_start3A_78 = arith.constant 0 : i32
    %dma_start3A_79 = tpu.memref_slice %arg8[%dma_start3A_78] : memref<1000000xf32, #tpu.memory_space<hbm>> -> memref<1000000xf32, #tpu.memory_space<hbm>>
    tpu.enqueue_indirect_dma source(%dma_start3A_79 : memref<1000000xf32, #tpu.memory_space<hbm>>) target(%dma_start3A_74 : memref<128xf32, #tpu.memory_space<vmem>>) offsets(%dma_start3A_77 : memref<128xi32, #tpu.memory_space<vmem>>) semaphore(%arg24 : memref<!tpu.dma_semaphore, #tpu.memory_space<semaphore_mem>>)
    %dma_start3A_80 = arith.constant 0 : i32
    %dma_start3A_81 = arith.constant 0 : i32
    %dma_start3A_82 = tpu.memref_slice %arg20[%dma_start3A_81] : memref<512xf32, #tpu.memory_space<vmem>> -> memref<128xf32, #tpu.memory_space<vmem>>
    %dma_start3A_83 = arith.constant 0 : i32
    %dma_start3A_84 = tpu.memref_slice %arg14[%dma_start3A_80, %dma_start3A_83] : memref<4x128xi32, #tpu.memory_space<vmem>> -> memref<1x128xi32, #tpu.memory_space<vmem>>
    %dma_start3A_85 = tpu.memref_squeeze %dma_start3A_84 : memref<1x128xi32, #tpu.memory_space<vmem>> -> memref<128xi32, #tpu.memory_space<vmem>>
    %dma_start3A_86 = arith.constant 0 : i32
    %dma_start3A_87 = tpu.memref_slice %arg8[%dma_start3A_86] : memref<1000000xf32, #tpu.memory_space<hbm>> -> memref<1000000xf32, #tpu.memory_space<hbm>>
    tpu.enqueue_indirect_dma source(%dma_start3A_87 : memref<1000000xf32, #tpu.memory_space<hbm>>) target(%dma_start3A_82 : memref<128xf32, #tpu.memory_space<vmem>>) offsets(%dma_start3A_85 : memref<128xi32, #tpu.memory_space<vmem>>) semaphore(%arg24 : memref<!tpu.dma_semaphore, #tpu.memory_space<semaphore_mem>>)
    %dma_start3A_88 = arith.constant 1 : i32
    %dma_start3A_89 = arith.constant 128 : i32
    %dma_start3A_90 = arith.constant 0 : i32
    %dma_start3A_91 = tpu.memref_slice %arg15[%dma_start3A_89, %dma_start3A_90] : memref<512x16xf32, #tpu.memory_space<vmem>> -> memref<128x16xf32, #tpu.memory_space<vmem>>
    %dma_start3A_92 = arith.constant 0 : i32
    %dma_start3A_93 = tpu.memref_slice %arg12[%dma_start3A_88, %dma_start3A_92] : memref<4x128xi32, #tpu.memory_space<vmem>> -> memref<1x128xi32, #tpu.memory_space<vmem>>
    %dma_start3A_94 = tpu.memref_squeeze %dma_start3A_93 : memref<1x128xi32, #tpu.memory_space<vmem>> -> memref<128xi32, #tpu.memory_space<vmem>>
    %dma_start3A_95 = arith.constant 0 : i32
    %dma_start3A_96 = arith.constant 0 : i32
    %dma_start3A_97 = tpu.memref_slice %arg5[%dma_start3A_95, %dma_start3A_96] : memref<1000000x16xf32, #tpu.memory_space<hbm>> -> memref<1000000x16xf32, #tpu.memory_space<hbm>>
    tpu.enqueue_indirect_dma source(%dma_start3A_97 : memref<1000000x16xf32, #tpu.memory_space<hbm>>) target(%dma_start3A_91 : memref<128x16xf32, #tpu.memory_space<vmem>>) offsets(%dma_start3A_94 : memref<128xi32, #tpu.memory_space<vmem>>) semaphore(%arg24 : memref<!tpu.dma_semaphore, #tpu.memory_space<semaphore_mem>>)
    %dma_start3A_98 = arith.constant 1 : i32
    %dma_start3A_99 = arith.constant 128 : i32
    %dma_start3A_100 = arith.constant 0 : i32
    %dma_start3A_101 = tpu.memref_slice %arg16[%dma_start3A_99, %dma_start3A_100] : memref<512x16xf32, #tpu.memory_space<vmem>> -> memref<128x16xf32, #tpu.memory_space<vmem>>
    %dma_start3A_102 = arith.constant 0 : i32
    %dma_start3A_103 = tpu.memref_slice %arg13[%dma_start3A_98, %dma_start3A_102] : memref<4x128xi32, #tpu.memory_space<vmem>> -> memref<1x128xi32, #tpu.memory_space<vmem>>
    %dma_start3A_104 = tpu.memref_squeeze %dma_start3A_103 : memref<1x128xi32, #tpu.memory_space<vmem>> -> memref<128xi32, #tpu.memory_space<vmem>>
    %dma_start3A_105 = arith.constant 0 : i32
    %dma_start3A_106 = arith.constant 0 : i32
    %dma_start3A_107 = tpu.memref_slice %arg6[%dma_start3A_105, %dma_start3A_106] : memref<1000000x16xf32, #tpu.memory_space<hbm>> -> memref<1000000x16xf32, #tpu.memory_space<hbm>>
    tpu.enqueue_indirect_dma source(%dma_start3A_107 : memref<1000000x16xf32, #tpu.memory_space<hbm>>) target(%dma_start3A_101 : memref<128x16xf32, #tpu.memory_space<vmem>>) offsets(%dma_start3A_104 : memref<128xi32, #tpu.memory_space<vmem>>) semaphore(%arg24 : memref<!tpu.dma_semaphore, #tpu.memory_space<semaphore_mem>>)
    %dma_start3A_108 = arith.constant 1 : i32
    %dma_start3A_109 = arith.constant 128 : i32
    %dma_start3A_110 = arith.constant 0 : i32
    %dma_start3A_111 = tpu.memref_slice %arg17[%dma_start3A_109, %dma_start3A_110] : memref<512x16xf32, #tpu.memory_space<vmem>> -> memref<128x16xf32, #tpu.memory_space<vmem>>
    %dma_start3A_112 = arith.constant 0 : i32
    %dma_start3A_113 = tpu.memref_slice %arg14[%dma_start3A_108, %dma_start3A_112] : memref<4x128xi32, #tpu.memory_space<vmem>> -> memref<1x128xi32, #tpu.memory_space<vmem>>
    %dma_start3A_114 = tpu.memref_squeeze %dma_start3A_113 : memref<1x128xi32, #tpu.memory_space<vmem>> -> memref<128xi32, #tpu.memory_space<vmem>>
    %dma_start3A_115 = arith.constant 0 : i32
    %dma_start3A_116 = arith.constant 0 : i32
    %dma_start3A_117 = tpu.memref_slice %arg6[%dma_start3A_115, %dma_start3A_116] : memref<1000000x16xf32, #tpu.memory_space<hbm>> -> memref<1000000x16xf32, #tpu.memory_space<hbm>>
    tpu.enqueue_indirect_dma source(%dma_start3A_117 : memref<1000000x16xf32, #tpu.memory_space<hbm>>) target(%dma_start3A_111 : memref<128x16xf32, #tpu.memory_space<vmem>>) offsets(%dma_start3A_114 : memref<128xi32, #tpu.memory_space<vmem>>) semaphore(%arg24 : memref<!tpu.dma_semaphore, #tpu.memory_space<semaphore_mem>>)
    %dma_start3A_118 = arith.constant 1 : i32
    %dma_start3A_119 = arith.constant 128 : i32
    %dma_start3A_120 = tpu.memref_slice %arg18[%dma_start3A_119] : memref<512xf32, #tpu.memory_space<vmem>> -> memref<128xf32, #tpu.memory_space<vmem>>
    %dma_start3A_121 = arith.constant 0 : i32
    %dma_start3A_122 = tpu.memref_slice %arg12[%dma_start3A_118, %dma_start3A_121] : memref<4x128xi32, #tpu.memory_space<vmem>> -> memref<1x128xi32, #tpu.memory_space<vmem>>
    %dma_start3A_123 = tpu.memref_squeeze %dma_start3A_122 : memref<1x128xi32, #tpu.memory_space<vmem>> -> memref<128xi32, #tpu.memory_space<vmem>>
    %dma_start3A_124 = arith.constant 0 : i32
    %dma_start3A_125 = tpu.memref_slice %arg7[%dma_start3A_124] : memref<1000000xf32, #tpu.memory_space<hbm>> -> memref<1000000xf32, #tpu.memory_space<hbm>>
    tpu.enqueue_indirect_dma source(%dma_start3A_125 : memref<1000000xf32, #tpu.memory_space<hbm>>) target(%dma_start3A_120 : memref<128xf32, #tpu.memory_space<vmem>>) offsets(%dma_start3A_123 : memref<128xi32, #tpu.memory_space<vmem>>) semaphore(%arg24 : memref<!tpu.dma_semaphore, #tpu.memory_space<semaphore_mem>>)
    %dma_start3A_126 = arith.constant 1 : i32
    %dma_start3A_127 = arith.constant 128 : i32
    %dma_start3A_128 = tpu.memref_slice %arg19[%dma_start3A_127] : memref<512xf32, #tpu.memory_space<vmem>> -> memref<128xf32, #tpu.memory_space<vmem>>
    %dma_start3A_129 = arith.constant 0 : i32
    %dma_start3A_130 = tpu.memref_slice %arg13[%dma_start3A_126, %dma_start3A_129] : memref<4x128xi32, #tpu.memory_space<vmem>> -> memref<1x128xi32, #tpu.memory_space<vmem>>
    %dma_start3A_131 = tpu.memref_squeeze %dma_start3A_130 : memref<1x128xi32, #tpu.memory_space<vmem>> -> memref<128xi32, #tpu.memory_space<vmem>>
    %dma_start3A_132 = arith.constant 0 : i32
    %dma_start3A_133 = tpu.memref_slice %arg8[%dma_start3A_132] : memref<1000000xf32, #tpu.memory_space<hbm>> -> memref<1000000xf32, #tpu.memory_space<hbm>>
    tpu.enqueue_indirect_dma source(%dma_start3A_133 : memref<1000000xf32, #tpu.memory_space<hbm>>) target(%dma_start3A_128 : memref<128xf32, #tpu.memory_space<vmem>>) offsets(%dma_start3A_131 : memref<128xi32, #tpu.memory_space<vmem>>) semaphore(%arg24 : memref<!tpu.dma_semaphore, #tpu.memory_space<semaphore_mem>>)
    %dma_start3A_134 = arith.constant 1 : i32
    %dma_start3A_135 = arith.constant 128 : i32
    %dma_start3A_136 = tpu.memref_slice %arg20[%dma_start3A_135] : memref<512xf32, #tpu.memory_space<vmem>> -> memref<128xf32, #tpu.memory_space<vmem>>
    %dma_start3A_137 = arith.constant 0 : i32
    %dma_start3A_138 = tpu.memref_slice %arg14[%dma_start3A_134, %dma_start3A_137] : memref<4x128xi32, #tpu.memory_space<vmem>> -> memref<1x128xi32, #tpu.memory_space<vmem>>
    %dma_start3A_139 = tpu.memref_squeeze %dma_start3A_138 : memref<1x128xi32, #tpu.memory_space<vmem>> -> memref<128xi32, #tpu.memory_space<vmem>>
    %dma_start3A_140 = arith.constant 0 : i32
    %dma_start3A_141 = tpu.memref_slice %arg8[%dma_start3A_140] : memref<1000000xf32, #tpu.memory_space<hbm>> -> memref<1000000xf32, #tpu.memory_space<hbm>>
    tpu.enqueue_indirect_dma source(%dma_start3A_141 : memref<1000000xf32, #tpu.memory_space<hbm>>) target(%dma_start3A_136 : memref<128xf32, #tpu.memory_space<vmem>>) offsets(%dma_start3A_139 : memref<128xi32, #tpu.memory_space<vmem>>) semaphore(%arg24 : memref<!tpu.dma_semaphore, #tpu.memory_space<semaphore_mem>>)
    %dma_start3A_142 = arith.constant 2 : i32
    %dma_start3A_143 = arith.constant 256 : i32
    %dma_start3A_144 = arith.constant 0 : i32
    %dma_start3A_145 = tpu.memref_slice %arg15[%dma_start3A_143, %dma_start3A_144] : memref<512x16xf32, #tpu.memory_space<vmem>> -> memref<128x16xf32, #tpu.memory_space<vmem>>
    %dma_start3A_146 = arith.constant 0 : i32
    %dma_start3A_147 = tpu.memref_slice %arg12[%dma_start3A_142, %dma_start3A_146] : memref<4x128xi32, #tpu.memory_space<vmem>> -> memref<1x128xi32, #tpu.memory_space<vmem>>
    %dma_start3A_148 = tpu.memref_squeeze %dma_start3A_147 : memref<1x128xi32, #tpu.memory_space<vmem>> -> memref<128xi32, #tpu.memory_space<vmem>>
    %dma_start3A_149 = arith.constant 0 : i32
    %dma_start3A_150 = arith.constant 0 : i32
    %dma_start3A_151 = tpu.memref_slice %arg5[%dma_start3A_149, %dma_start3A_150] : memref<1000000x16xf32, #tpu.memory_space<hbm>> -> memref<1000000x16xf32, #tpu.memory_space<hbm>>
    tpu.enqueue_indirect_dma source(%dma_start3A_151 : memref<1000000x16xf32, #tpu.memory_space<hbm>>) target(%dma_start3A_145 : memref<128x16xf32, #tpu.memory_space<vmem>>) offsets(%dma_start3A_148 : memref<128xi32, #tpu.memory_space<vmem>>) semaphore(%arg24 : memref<!tpu.dma_semaphore, #tpu.memory_space<semaphore_mem>>)
    %dma_start3A_152 = arith.constant 2 : i32
    %dma_start3A_153 = arith.constant 256 : i32
    %dma_start3A_154 = arith.constant 0 : i32
    %dma_start3A_155 = tpu.memref_slice %arg16[%dma_start3A_153, %dma_start3A_154] : memref<512x16xf32, #tpu.memory_space<vmem>> -> memref<128x16xf32, #tpu.memory_space<vmem>>
    %dma_start3A_156 = arith.constant 0 : i32
    %dma_start3A_157 = tpu.memref_slice %arg13[%dma_start3A_152, %dma_start3A_156] : memref<4x128xi32, #tpu.memory_space<vmem>> -> memref<1x128xi32, #tpu.memory_space<vmem>>
    %dma_start3A_158 = tpu.memref_squeeze %dma_start3A_157 : memref<1x128xi32, #tpu.memory_space<vmem>> -> memref<128xi32, #tpu.memory_space<vmem>>
    %dma_start3A_159 = arith.constant 0 : i32
    %dma_start3A_160 = arith.constant 0 : i32
    %dma_start3A_161 = tpu.memref_slice %arg6[%dma_start3A_159, %dma_start3A_160] : memref<1000000x16xf32, #tpu.memory_space<hbm>> -> memref<1000000x16xf32, #tpu.memory_space<hbm>>
    tpu.enqueue_indirect_dma source(%dma_start3A_161 : memref<1000000x16xf32, #tpu.memory_space<hbm>>) target(%dma_start3A_155 : memref<128x16xf32, #tpu.memory_space<vmem>>) offsets(%dma_start3A_158 : memref<128xi32, #tpu.memory_space<vmem>>) semaphore(%arg24 : memref<!tpu.dma_semaphore, #tpu.memory_space<semaphore_mem>>)
    %dma_start3A_162 = arith.constant 2 : i32
    %dma_start3A_163 = arith.constant 256 : i32
    %dma_start3A_164 = arith.constant 0 : i32
    %dma_start3A_165 = tpu.memref_slice %arg17[%dma_start3A_163, %dma_start3A_164] : memref<512x16xf32, #tpu.memory_space<vmem>> -> memref<128x16xf32, #tpu.memory_space<vmem>>
    %dma_start3A_166 = arith.constant 0 : i32
    %dma_start3A_167 = tpu.memref_slice %arg14[%dma_start3A_162, %dma_start3A_166] : memref<4x128xi32, #tpu.memory_space<vmem>> -> memref<1x128xi32, #tpu.memory_space<vmem>>
    %dma_start3A_168 = tpu.memref_squeeze %dma_start3A_167 : memref<1x128xi32, #tpu.memory_space<vmem>> -> memref<128xi32, #tpu.memory_space<vmem>>
    %dma_start3A_169 = arith.constant 0 : i32
    %dma_start3A_170 = arith.constant 0 : i32
    %dma_start3A_171 = tpu.memref_slice %arg6[%dma_start3A_169, %dma_start3A_170] : memref<1000000x16xf32, #tpu.memory_space<hbm>> -> memref<1000000x16xf32, #tpu.memory_space<hbm>>
    tpu.enqueue_indirect_dma source(%dma_start3A_171 : memref<1000000x16xf32, #tpu.memory_space<hbm>>) target(%dma_start3A_165 : memref<128x16xf32, #tpu.memory_space<vmem>>) offsets(%dma_start3A_168 : memref<128xi32, #tpu.memory_space<vmem>>) semaphore(%arg24 : memref<!tpu.dma_semaphore, #tpu.memory_space<semaphore_mem>>)
    %dma_start3A_172 = arith.constant 2 : i32
    %dma_start3A_173 = arith.constant 256 : i32
    %dma_start3A_174 = tpu.memref_slice %arg18[%dma_start3A_173] : memref<512xf32, #tpu.memory_space<vmem>> -> memref<128xf32, #tpu.memory_space<vmem>>
    %dma_start3A_175 = arith.constant 0 : i32
    %dma_start3A_176 = tpu.memref_slice %arg12[%dma_start3A_172, %dma_start3A_175] : memref<4x128xi32, #tpu.memory_space<vmem>> -> memref<1x128xi32, #tpu.memory_space<vmem>>
    %dma_start3A_177 = tpu.memref_squeeze %dma_start3A_176 : memref<1x128xi32, #tpu.memory_space<vmem>> -> memref<128xi32, #tpu.memory_space<vmem>>
    %dma_start3A_178 = arith.constant 0 : i32
    %dma_start3A_179 = tpu.memref_slice %arg7[%dma_start3A_178] : memref<1000000xf32, #tpu.memory_space<hbm>> -> memref<1000000xf32, #tpu.memory_space<hbm>>
    tpu.enqueue_indirect_dma source(%dma_start3A_179 : memref<1000000xf32, #tpu.memory_space<hbm>>) target(%dma_start3A_174 : memref<128xf32, #tpu.memory_space<vmem>>) offsets(%dma_start3A_177 : memref<128xi32, #tpu.memory_space<vmem>>) semaphore(%arg24 : memref<!tpu.dma_semaphore, #tpu.memory_space<semaphore_mem>>)
    %dma_start3A_180 = arith.constant 2 : i32
    %dma_start3A_181 = arith.constant 256 : i32
    %dma_start3A_182 = tpu.memref_slice %arg19[%dma_start3A_181] : memref<512xf32, #tpu.memory_space<vmem>> -> memref<128xf32, #tpu.memory_space<vmem>>
    %dma_start3A_183 = arith.constant 0 : i32
    %dma_start3A_184 = tpu.memref_slice %arg13[%dma_start3A_180, %dma_start3A_183] : memref<4x128xi32, #tpu.memory_space<vmem>> -> memref<1x128xi32, #tpu.memory_space<vmem>>
    %dma_start3A_185 = tpu.memref_squeeze %dma_start3A_184 : memref<1x128xi32, #tpu.memory_space<vmem>> -> memref<128xi32, #tpu.memory_space<vmem>>
    %dma_start3A_186 = arith.constant 0 : i32
    %dma_start3A_187 = tpu.memref_slice %arg8[%dma_start3A_186] : memref<1000000xf32, #tpu.memory_space<hbm>> -> memref<1000000xf32, #tpu.memory_space<hbm>>
    tpu.enqueue_indirect_dma source(%dma_start3A_187 : memref<1000000xf32, #tpu.memory_space<hbm>>) target(%dma_start3A_182 : memref<128xf32, #tpu.memory_space<vmem>>) offsets(%dma_start3A_185 : memref<128xi32, #tpu.memory_space<vmem>>) semaphore(%arg24 : memref<!tpu.dma_semaphore, #tpu.memory_space<semaphore_mem>>)
    %dma_start3A_188 = arith.constant 2 : i32
    %dma_start3A_189 = arith.constant 256 : i32
    %dma_start3A_190 = tpu.memref_slice %arg20[%dma_start3A_189] : memref<512xf32, #tpu.memory_space<vmem>> -> memref<128xf32, #tpu.memory_space<vmem>>
    %dma_start3A_191 = arith.constant 0 : i32
    %dma_start3A_192 = tpu.memref_slice %arg14[%dma_start3A_188, %dma_start3A_191] : memref<4x128xi32, #tpu.memory_space<vmem>> -> memref<1x128xi32, #tpu.memory_space<vmem>>
    %dma_start3A_193 = tpu.memref_squeeze %dma_start3A_192 : memref<1x128xi32, #tpu.memory_space<vmem>> -> memref<128xi32, #tpu.memory_space<vmem>>
    %dma_start3A_194 = arith.constant 0 : i32
    %dma_start3A_195 = tpu.memref_slice %arg8[%dma_start3A_194] : memref<1000000xf32, #tpu.memory_space<hbm>> -> memref<1000000xf32, #tpu.memory_space<hbm>>
    tpu.enqueue_indirect_dma source(%dma_start3A_195 : memref<1000000xf32, #tpu.memory_space<hbm>>) target(%dma_start3A_190 : memref<128xf32, #tpu.memory_space<vmem>>) offsets(%dma_start3A_193 : memref<128xi32, #tpu.memory_space<vmem>>) semaphore(%arg24 : memref<!tpu.dma_semaphore, #tpu.memory_space<semaphore_mem>>)
    %dma_start3A_196 = arith.constant 3 : i32
    %dma_start3A_197 = arith.constant 384 : i32
    %dma_start3A_198 = arith.constant 0 : i32
    %dma_start3A_199 = tpu.memref_slice %arg15[%dma_start3A_197, %dma_start3A_198] : memref<512x16xf32, #tpu.memory_space<vmem>> -> memref<128x16xf32, #tpu.memory_space<vmem>>
    %dma_start3A_200 = arith.constant 0 : i32
    %dma_start3A_201 = tpu.memref_slice %arg12[%dma_start3A_196, %dma_start3A_200] : memref<4x128xi32, #tpu.memory_space<vmem>> -> memref<1x128xi32, #tpu.memory_space<vmem>>
    %dma_start3A_202 = tpu.memref_squeeze %dma_start3A_201 : memref<1x128xi32, #tpu.memory_space<vmem>> -> memref<128xi32, #tpu.memory_space<vmem>>
    %dma_start3A_203 = arith.constant 0 : i32
    %dma_start3A_204 = arith.constant 0 : i32
    %dma_start3A_205 = tpu.memref_slice %arg5[%dma_start3A_203, %dma_start3A_204] : memref<1000000x16xf32, #tpu.memory_space<hbm>> -> memref<1000000x16xf32, #tpu.memory_space<hbm>>
    tpu.enqueue_indirect_dma source(%dma_start3A_205 : memref<1000000x16xf32, #tpu.memory_space<hbm>>) target(%dma_start3A_199 : memref<128x16xf32, #tpu.memory_space<vmem>>) offsets(%dma_start3A_202 : memref<128xi32, #tpu.memory_space<vmem>>) semaphore(%arg24 : memref<!tpu.dma_semaphore, #tpu.memory_space<semaphore_mem>>)
    %dma_start3A_206 = arith.constant 3 : i32
    %dma_start3A_207 = arith.constant 384 : i32
    %dma_start3A_208 = arith.constant 0 : i32
    %dma_start3A_209 = tpu.memref_slice %arg16[%dma_start3A_207, %dma_start3A_208] : memref<512x16xf32, #tpu.memory_space<vmem>> -> memref<128x16xf32, #tpu.memory_space<vmem>>
    %dma_start3A_210 = arith.constant 0 : i32
    %dma_start3A_211 = tpu.memref_slice %arg13[%dma_start3A_206, %dma_start3A_210] : memref<4x128xi32, #tpu.memory_space<vmem>> -> memref<1x128xi32, #tpu.memory_space<vmem>>
    %dma_start3A_212 = tpu.memref_squeeze %dma_start3A_211 : memref<1x128xi32, #tpu.memory_space<vmem>> -> memref<128xi32, #tpu.memory_space<vmem>>
    %dma_start3A_213 = arith.constant 0 : i32
    %dma_start3A_214 = arith.constant 0 : i32
    %dma_start3A_215 = tpu.memref_slice %arg6[%dma_start3A_213, %dma_start3A_214] : memref<1000000x16xf32, #tpu.memory_space<hbm>> -> memref<1000000x16xf32, #tpu.memory_space<hbm>>
    tpu.enqueue_indirect_dma source(%dma_start3A_215 : memref<1000000x16xf32, #tpu.memory_space<hbm>>) target(%dma_start3A_209 : memref<128x16xf32, #tpu.memory_space<vmem>>) offsets(%dma_start3A_212 : memref<128xi32, #tpu.memory_space<vmem>>) semaphore(%arg24 : memref<!tpu.dma_semaphore, #tpu.memory_space<semaphore_mem>>)
    %dma_start3A_216 = arith.constant 3 : i32
    %dma_start3A_217 = arith.constant 384 : i32
    %dma_start3A_218 = arith.constant 0 : i32
    %dma_start3A_219 = tpu.memref_slice %arg17[%dma_start3A_217, %dma_start3A_218] : memref<512x16xf32, #tpu.memory_space<vmem>> -> memref<128x16xf32, #tpu.memory_space<vmem>>
    %dma_start3A_220 = arith.constant 0 : i32
    %dma_start3A_221 = tpu.memref_slice %arg14[%dma_start3A_216, %dma_start3A_220] : memref<4x128xi32, #tpu.memory_space<vmem>> -> memref<1x128xi32, #tpu.memory_space<vmem>>
    %dma_start3A_222 = tpu.memref_squeeze %dma_start3A_221 : memref<1x128xi32, #tpu.memory_space<vmem>> -> memref<128xi32, #tpu.memory_space<vmem>>
    %dma_start3A_223 = arith.constant 0 : i32
    %dma_start3A_224 = arith.constant 0 : i32
    %dma_start3A_225 = tpu.memref_slice %arg6[%dma_start3A_223, %dma_start3A_224] : memref<1000000x16xf32, #tpu.memory_space<hbm>> -> memref<1000000x16xf32, #tpu.memory_space<hbm>>
    tpu.enqueue_indirect_dma source(%dma_start3A_225 : memref<1000000x16xf32, #tpu.memory_space<hbm>>) target(%dma_start3A_219 : memref<128x16xf32, #tpu.memory_space<vmem>>) offsets(%dma_start3A_222 : memref<128xi32, #tpu.memory_space<vmem>>) semaphore(%arg24 : memref<!tpu.dma_semaphore, #tpu.memory_space<semaphore_mem>>)
    %dma_start3A_226 = arith.constant 3 : i32
    %dma_start3A_227 = arith.constant 384 : i32
    %dma_start3A_228 = tpu.memref_slice %arg18[%dma_start3A_227] : memref<512xf32, #tpu.memory_space<vmem>> -> memref<128xf32, #tpu.memory_space<vmem>>
    %dma_start3A_229 = arith.constant 0 : i32
    %dma_start3A_230 = tpu.memref_slice %arg12[%dma_start3A_226, %dma_start3A_229] : memref<4x128xi32, #tpu.memory_space<vmem>> -> memref<1x128xi32, #tpu.memory_space<vmem>>
    %dma_start3A_231 = tpu.memref_squeeze %dma_start3A_230 : memref<1x128xi32, #tpu.memory_space<vmem>> -> memref<128xi32, #tpu.memory_space<vmem>>
    %dma_start3A_232 = arith.constant 0 : i32
    %dma_start3A_233 = tpu.memref_slice %arg7[%dma_start3A_232] : memref<1000000xf32, #tpu.memory_space<hbm>> -> memref<1000000xf32, #tpu.memory_space<hbm>>
    tpu.enqueue_indirect_dma source(%dma_start3A_233 : memref<1000000xf32, #tpu.memory_space<hbm>>) target(%dma_start3A_228 : memref<128xf32, #tpu.memory_space<vmem>>) offsets(%dma_start3A_231 : memref<128xi32, #tpu.memory_space<vmem>>) semaphore(%arg24 : memref<!tpu.dma_semaphore, #tpu.memory_space<semaphore_mem>>)
    %dma_start3A_234 = arith.constant 3 : i32
    %dma_start3A_235 = arith.constant 384 : i32
    %dma_start3A_236 = tpu.memref_slice %arg19[%dma_start3A_235] : memref<512xf32, #tpu.memory_space<vmem>> -> memref<128xf32, #tpu.memory_space<vmem>>
    %dma_start3A_237 = arith.constant 0 : i32
    %dma_start3A_238 = tpu.memref_slice %arg13[%dma_start3A_234, %dma_start3A_237] : memref<4x128xi32, #tpu.memory_space<vmem>> -> memref<1x128xi32, #tpu.memory_space<vmem>>
    %dma_start3A_239 = tpu.memref_squeeze %dma_start3A_238 : memref<1x128xi32, #tpu.memory_space<vmem>> -> memref<128xi32, #tpu.memory_space<vmem>>
    %dma_start3A_240 = arith.constant 0 : i32
    %dma_start3A_241 = tpu.memref_slice %arg8[%dma_start3A_240] : memref<1000000xf32, #tpu.memory_space<hbm>> -> memref<1000000xf32, #tpu.memory_space<hbm>>
    tpu.enqueue_indirect_dma source(%dma_start3A_241 : memref<1000000xf32, #tpu.memory_space<hbm>>) target(%dma_start3A_236 : memref<128xf32, #tpu.memory_space<vmem>>) offsets(%dma_start3A_239 : memref<128xi32, #tpu.memory_space<vmem>>) semaphore(%arg24 : memref<!tpu.dma_semaphore, #tpu.memory_space<semaphore_mem>>)
    %dma_start3A_242 = arith.constant 3 : i32
    %dma_start3A_243 = arith.constant 384 : i32
    %dma_start3A_244 = tpu.memref_slice %arg20[%dma_start3A_243] : memref<512xf32, #tpu.memory_space<vmem>> -> memref<128xf32, #tpu.memory_space<vmem>>
    %dma_start3A_245 = arith.constant 0 : i32
    %dma_start3A_246 = tpu.memref_slice %arg14[%dma_start3A_242, %dma_start3A_245] : memref<4x128xi32, #tpu.memory_space<vmem>> -> memref<1x128xi32, #tpu.memory_space<vmem>>
    %dma_start3A_247 = tpu.memref_squeeze %dma_start3A_246 : memref<1x128xi32, #tpu.memory_space<vmem>> -> memref<128xi32, #tpu.memory_space<vmem>>
    %dma_start3A_248 = arith.constant 0 : i32
    %dma_start3A_249 = tpu.memref_slice %arg8[%dma_start3A_248] : memref<1000000xf32, #tpu.memory_space<hbm>> -> memref<1000000xf32, #tpu.memory_space<hbm>>
    tpu.enqueue_indirect_dma source(%dma_start3A_249 : memref<1000000xf32, #tpu.memory_space<hbm>>) target(%dma_start3A_244 : memref<128xf32, #tpu.memory_space<vmem>>) offsets(%dma_start3A_247 : memref<128xi32, #tpu.memory_space<vmem>>) semaphore(%arg24 : memref<!tpu.dma_semaphore, #tpu.memory_space<semaphore_mem>>)
    %dma_wait3A = arith.constant 0 : i32
    %dma_wait3A_250 = arith.constant 0 : i32
    %dma_wait3A_251 = arith.constant 0 : i32
    %dma_wait3A_252 = tpu.memref_slice %arg15[%dma_wait3A_250, %dma_wait3A_251] : memref<512x16xf32, #tpu.memory_space<vmem>> -> memref<128x16xf32, #tpu.memory_space<vmem>>
    %dma_wait3A_253 = arith.constant 0 : i32
    %dma_wait3A_254 = tpu.memref_slice %arg12[%dma_wait3A, %dma_wait3A_253] : memref<4x128xi32, #tpu.memory_space<vmem>> -> memref<1x128xi32, #tpu.memory_space<vmem>>
    %dma_wait3A_255 = tpu.memref_squeeze %dma_wait3A_254 : memref<1x128xi32, #tpu.memory_space<vmem>> -> memref<128xi32, #tpu.memory_space<vmem>>
    %dma_wait3A_256 = arith.constant 0 : i32
    %dma_wait3A_257 = arith.constant 0 : i32
    %dma_wait3A_258 = tpu.memref_slice %arg5[%dma_wait3A_256, %dma_wait3A_257] : memref<1000000x16xf32, #tpu.memory_space<hbm>> -> memref<1000000x16xf32, #tpu.memory_space<hbm>>
    tpu.wait_indirect_dma semaphore(%arg24 : memref<!tpu.dma_semaphore, #tpu.memory_space<semaphore_mem>>) src(%dma_wait3A_258 : memref<1000000x16xf32, #tpu.memory_space<hbm>>) dst(%dma_wait3A_252 : memref<128x16xf32, #tpu.memory_space<vmem>>)
    %dma_wait3A_259 = arith.constant 0 : i32
    %dma_wait3A_260 = arith.constant 0 : i32
    %dma_wait3A_261 = arith.constant 0 : i32
    %dma_wait3A_262 = tpu.memref_slice %arg16[%dma_wait3A_260, %dma_wait3A_261] : memref<512x16xf32, #tpu.memory_space<vmem>> -> memref<128x16xf32, #tpu.memory_space<vmem>>
    %dma_wait3A_263 = arith.constant 0 : i32
    %dma_wait3A_264 = tpu.memref_slice %arg13[%dma_wait3A_259, %dma_wait3A_263] : memref<4x128xi32, #tpu.memory_space<vmem>> -> memref<1x128xi32, #tpu.memory_space<vmem>>
    %dma_wait3A_265 = tpu.memref_squeeze %dma_wait3A_264 : memref<1x128xi32, #tpu.memory_space<vmem>> -> memref<128xi32, #tpu.memory_space<vmem>>
    %dma_wait3A_266 = arith.constant 0 : i32
    %dma_wait3A_267 = arith.constant 0 : i32
    %dma_wait3A_268 = tpu.memref_slice %arg6[%dma_wait3A_266, %dma_wait3A_267] : memref<1000000x16xf32, #tpu.memory_space<hbm>> -> memref<1000000x16xf32, #tpu.memory_space<hbm>>
    tpu.wait_indirect_dma semaphore(%arg24 : memref<!tpu.dma_semaphore, #tpu.memory_space<semaphore_mem>>) src(%dma_wait3A_268 : memref<1000000x16xf32, #tpu.memory_space<hbm>>) dst(%dma_wait3A_262 : memref<128x16xf32, #tpu.memory_space<vmem>>)
    %dma_wait3A_269 = arith.constant 0 : i32
    %dma_wait3A_270 = arith.constant 0 : i32
    %dma_wait3A_271 = arith.constant 0 : i32
    %dma_wait3A_272 = tpu.memref_slice %arg17[%dma_wait3A_270, %dma_wait3A_271] : memref<512x16xf32, #tpu.memory_space<vmem>> -> memref<128x16xf32, #tpu.memory_space<vmem>>
    %dma_wait3A_273 = arith.constant 0 : i32
    %dma_wait3A_274 = tpu.memref_slice %arg14[%dma_wait3A_269, %dma_wait3A_273] : memref<4x128xi32, #tpu.memory_space<vmem>> -> memref<1x128xi32, #tpu.memory_space<vmem>>
    %dma_wait3A_275 = tpu.memref_squeeze %dma_wait3A_274 : memref<1x128xi32, #tpu.memory_space<vmem>> -> memref<128xi32, #tpu.memory_space<vmem>>
    %dma_wait3A_276 = arith.constant 0 : i32
    %dma_wait3A_277 = arith.constant 0 : i32
    %dma_wait3A_278 = tpu.memref_slice %arg6[%dma_wait3A_276, %dma_wait3A_277] : memref<1000000x16xf32, #tpu.memory_space<hbm>> -> memref<1000000x16xf32, #tpu.memory_space<hbm>>
    tpu.wait_indirect_dma semaphore(%arg24 : memref<!tpu.dma_semaphore, #tpu.memory_space<semaphore_mem>>) src(%dma_wait3A_278 : memref<1000000x16xf32, #tpu.memory_space<hbm>>) dst(%dma_wait3A_272 : memref<128x16xf32, #tpu.memory_space<vmem>>)
    %dma_wait3A_279 = arith.constant 0 : i32
    %dma_wait3A_280 = arith.constant 0 : i32
    %dma_wait3A_281 = tpu.memref_slice %arg18[%dma_wait3A_280] : memref<512xf32, #tpu.memory_space<vmem>> -> memref<128xf32, #tpu.memory_space<vmem>>
    %dma_wait3A_282 = arith.constant 0 : i32
    %dma_wait3A_283 = tpu.memref_slice %arg12[%dma_wait3A_279, %dma_wait3A_282] : memref<4x128xi32, #tpu.memory_space<vmem>> -> memref<1x128xi32, #tpu.memory_space<vmem>>
    %dma_wait3A_284 = tpu.memref_squeeze %dma_wait3A_283 : memref<1x128xi32, #tpu.memory_space<vmem>> -> memref<128xi32, #tpu.memory_space<vmem>>
    %dma_wait3A_285 = arith.constant 0 : i32
    %dma_wait3A_286 = tpu.memref_slice %arg7[%dma_wait3A_285] : memref<1000000xf32, #tpu.memory_space<hbm>> -> memref<1000000xf32, #tpu.memory_space<hbm>>
    tpu.wait_indirect_dma semaphore(%arg24 : memref<!tpu.dma_semaphore, #tpu.memory_space<semaphore_mem>>) src(%dma_wait3A_286 : memref<1000000xf32, #tpu.memory_space<hbm>>) dst(%dma_wait3A_281 : memref<128xf32, #tpu.memory_space<vmem>>)
    %dma_wait3A_287 = arith.constant 0 : i32
    %dma_wait3A_288 = arith.constant 0 : i32
    %dma_wait3A_289 = tpu.memref_slice %arg19[%dma_wait3A_288] : memref<512xf32, #tpu.memory_space<vmem>> -> memref<128xf32, #tpu.memory_space<vmem>>
    %dma_wait3A_290 = arith.constant 0 : i32
    %dma_wait3A_291 = tpu.memref_slice %arg13[%dma_wait3A_287, %dma_wait3A_290] : memref<4x128xi32, #tpu.memory_space<vmem>> -> memref<1x128xi32, #tpu.memory_space<vmem>>
    %dma_wait3A_292 = tpu.memref_squeeze %dma_wait3A_291 : memref<1x128xi32, #tpu.memory_space<vmem>> -> memref<128xi32, #tpu.memory_space<vmem>>
    %dma_wait3A_293 = arith.constant 0 : i32
    %dma_wait3A_294 = tpu.memref_slice %arg8[%dma_wait3A_293] : memref<1000000xf32, #tpu.memory_space<hbm>> -> memref<1000000xf32, #tpu.memory_space<hbm>>
    tpu.wait_indirect_dma semaphore(%arg24 : memref<!tpu.dma_semaphore, #tpu.memory_space<semaphore_mem>>) src(%dma_wait3A_294 : memref<1000000xf32, #tpu.memory_space<hbm>>) dst(%dma_wait3A_289 : memref<128xf32, #tpu.memory_space<vmem>>)
    %dma_wait3A_295 = arith.constant 0 : i32
    %dma_wait3A_296 = arith.constant 0 : i32
    %dma_wait3A_297 = tpu.memref_slice %arg20[%dma_wait3A_296] : memref<512xf32, #tpu.memory_space<vmem>> -> memref<128xf32, #tpu.memory_space<vmem>>
    %dma_wait3A_298 = arith.constant 0 : i32
    %dma_wait3A_299 = tpu.memref_slice %arg14[%dma_wait3A_295, %dma_wait3A_298] : memref<4x128xi32, #tpu.memory_space<vmem>> -> memref<1x128xi32, #tpu.memory_space<vmem>>
    %dma_wait3A_300 = tpu.memref_squeeze %dma_wait3A_299 : memref<1x128xi32, #tpu.memory_space<vmem>> -> memref<128xi32, #tpu.memory_space<vmem>>
    %dma_wait3A_301 = arith.constant 0 : i32
    %dma_wait3A_302 = tpu.memref_slice %arg8[%dma_wait3A_301] : memref<1000000xf32, #tpu.memory_space<hbm>> -> memref<1000000xf32, #tpu.memory_space<hbm>>
    tpu.wait_indirect_dma semaphore(%arg24 : memref<!tpu.dma_semaphore, #tpu.memory_space<semaphore_mem>>) src(%dma_wait3A_302 : memref<1000000xf32, #tpu.memory_space<hbm>>) dst(%dma_wait3A_297 : memref<128xf32, #tpu.memory_space<vmem>>)
    %dma_wait3A_303 = arith.constant 1 : i32
    %dma_wait3A_304 = arith.constant 128 : i32
    %dma_wait3A_305 = arith.constant 0 : i32
    %dma_wait3A_306 = tpu.memref_slice %arg15[%dma_wait3A_304, %dma_wait3A_305] : memref<512x16xf32, #tpu.memory_space<vmem>> -> memref<128x16xf32, #tpu.memory_space<vmem>>
    %dma_wait3A_307 = arith.constant 0 : i32
    %dma_wait3A_308 = tpu.memref_slice %arg12[%dma_wait3A_303, %dma_wait3A_307] : memref<4x128xi32, #tpu.memory_space<vmem>> -> memref<1x128xi32, #tpu.memory_space<vmem>>
    %dma_wait3A_309 = tpu.memref_squeeze %dma_wait3A_308 : memref<1x128xi32, #tpu.memory_space<vmem>> -> memref<128xi32, #tpu.memory_space<vmem>>
    %dma_wait3A_310 = arith.constant 0 : i32
    %dma_wait3A_311 = arith.constant 0 : i32
    %dma_wait3A_312 = tpu.memref_slice %arg5[%dma_wait3A_310, %dma_wait3A_311] : memref<1000000x16xf32, #tpu.memory_space<hbm>> -> memref<1000000x16xf32, #tpu.memory_space<hbm>>
    tpu.wait_indirect_dma semaphore(%arg24 : memref<!tpu.dma_semaphore, #tpu.memory_space<semaphore_mem>>) src(%dma_wait3A_312 : memref<1000000x16xf32, #tpu.memory_space<hbm>>) dst(%dma_wait3A_306 : memref<128x16xf32, #tpu.memory_space<vmem>>)
    %dma_wait3A_313 = arith.constant 1 : i32
    %dma_wait3A_314 = arith.constant 128 : i32
    %dma_wait3A_315 = arith.constant 0 : i32
    %dma_wait3A_316 = tpu.memref_slice %arg16[%dma_wait3A_314, %dma_wait3A_315] : memref<512x16xf32, #tpu.memory_space<vmem>> -> memref<128x16xf32, #tpu.memory_space<vmem>>
    %dma_wait3A_317 = arith.constant 0 : i32
    %dma_wait3A_318 = tpu.memref_slice %arg13[%dma_wait3A_313, %dma_wait3A_317] : memref<4x128xi32, #tpu.memory_space<vmem>> -> memref<1x128xi32, #tpu.memory_space<vmem>>
    %dma_wait3A_319 = tpu.memref_squeeze %dma_wait3A_318 : memref<1x128xi32, #tpu.memory_space<vmem>> -> memref<128xi32, #tpu.memory_space<vmem>>
    %dma_wait3A_320 = arith.constant 0 : i32
    %dma_wait3A_321 = arith.constant 0 : i32
    %dma_wait3A_322 = tpu.memref_slice %arg6[%dma_wait3A_320, %dma_wait3A_321] : memref<1000000x16xf32, #tpu.memory_space<hbm>> -> memref<1000000x16xf32, #tpu.memory_space<hbm>>
    tpu.wait_indirect_dma semaphore(%arg24 : memref<!tpu.dma_semaphore, #tpu.memory_space<semaphore_mem>>) src(%dma_wait3A_322 : memref<1000000x16xf32, #tpu.memory_space<hbm>>) dst(%dma_wait3A_316 : memref<128x16xf32, #tpu.memory_space<vmem>>)
    %dma_wait3A_323 = arith.constant 1 : i32
    %dma_wait3A_324 = arith.constant 128 : i32
    %dma_wait3A_325 = arith.constant 0 : i32
    %dma_wait3A_326 = tpu.memref_slice %arg17[%dma_wait3A_324, %dma_wait3A_325] : memref<512x16xf32, #tpu.memory_space<vmem>> -> memref<128x16xf32, #tpu.memory_space<vmem>>
    %dma_wait3A_327 = arith.constant 0 : i32
    %dma_wait3A_328 = tpu.memref_slice %arg14[%dma_wait3A_323, %dma_wait3A_327] : memref<4x128xi32, #tpu.memory_space<vmem>> -> memref<1x128xi32, #tpu.memory_space<vmem>>
    %dma_wait3A_329 = tpu.memref_squeeze %dma_wait3A_328 : memref<1x128xi32, #tpu.memory_space<vmem>> -> memref<128xi32, #tpu.memory_space<vmem>>
    %dma_wait3A_330 = arith.constant 0 : i32
    %dma_wait3A_331 = arith.constant 0 : i32
    %dma_wait3A_332 = tpu.memref_slice %arg6[%dma_wait3A_330, %dma_wait3A_331] : memref<1000000x16xf32, #tpu.memory_space<hbm>> -> memref<1000000x16xf32, #tpu.memory_space<hbm>>
    tpu.wait_indirect_dma semaphore(%arg24 : memref<!tpu.dma_semaphore, #tpu.memory_space<semaphore_mem>>) src(%dma_wait3A_332 : memref<1000000x16xf32, #tpu.memory_space<hbm>>) dst(%dma_wait3A_326 : memref<128x16xf32, #tpu.memory_space<vmem>>)
    %dma_wait3A_333 = arith.constant 1 : i32
    %dma_wait3A_334 = arith.constant 128 : i32
    %dma_wait3A_335 = tpu.memref_slice %arg18[%dma_wait3A_334] : memref<512xf32, #tpu.memory_space<vmem>> -> memref<128xf32, #tpu.memory_space<vmem>>
    %dma_wait3A_336 = arith.constant 0 : i32
    %dma_wait3A_337 = tpu.memref_slice %arg12[%dma_wait3A_333, %dma_wait3A_336] : memref<4x128xi32, #tpu.memory_space<vmem>> -> memref<1x128xi32, #tpu.memory_space<vmem>>
    %dma_wait3A_338 = tpu.memref_squeeze %dma_wait3A_337 : memref<1x128xi32, #tpu.memory_space<vmem>> -> memref<128xi32, #tpu.memory_space<vmem>>
    %dma_wait3A_339 = arith.constant 0 : i32
    %dma_wait3A_340 = tpu.memref_slice %arg7[%dma_wait3A_339] : memref<1000000xf32, #tpu.memory_space<hbm>> -> memref<1000000xf32, #tpu.memory_space<hbm>>
    tpu.wait_indirect_dma semaphore(%arg24 : memref<!tpu.dma_semaphore, #tpu.memory_space<semaphore_mem>>) src(%dma_wait3A_340 : memref<1000000xf32, #tpu.memory_space<hbm>>) dst(%dma_wait3A_335 : memref<128xf32, #tpu.memory_space<vmem>>)
    %dma_wait3A_341 = arith.constant 1 : i32
    %dma_wait3A_342 = arith.constant 128 : i32
    %dma_wait3A_343 = tpu.memref_slice %arg19[%dma_wait3A_342] : memref<512xf32, #tpu.memory_space<vmem>> -> memref<128xf32, #tpu.memory_space<vmem>>
    %dma_wait3A_344 = arith.constant 0 : i32
    %dma_wait3A_345 = tpu.memref_slice %arg13[%dma_wait3A_341, %dma_wait3A_344] : memref<4x128xi32, #tpu.memory_space<vmem>> -> memref<1x128xi32, #tpu.memory_space<vmem>>
    %dma_wait3A_346 = tpu.memref_squeeze %dma_wait3A_345 : memref<1x128xi32, #tpu.memory_space<vmem>> -> memref<128xi32, #tpu.memory_space<vmem>>
    %dma_wait3A_347 = arith.constant 0 : i32
    %dma_wait3A_348 = tpu.memref_slice %arg8[%dma_wait3A_347] : memref<1000000xf32, #tpu.memory_space<hbm>> -> memref<1000000xf32, #tpu.memory_space<hbm>>
    tpu.wait_indirect_dma semaphore(%arg24 : memref<!tpu.dma_semaphore, #tpu.memory_space<semaphore_mem>>) src(%dma_wait3A_348 : memref<1000000xf32, #tpu.memory_space<hbm>>) dst(%dma_wait3A_343 : memref<128xf32, #tpu.memory_space<vmem>>)
    %dma_wait3A_349 = arith.constant 1 : i32
    %dma_wait3A_350 = arith.constant 128 : i32
    %dma_wait3A_351 = tpu.memref_slice %arg20[%dma_wait3A_350] : memref<512xf32, #tpu.memory_space<vmem>> -> memref<128xf32, #tpu.memory_space<vmem>>
    %dma_wait3A_352 = arith.constant 0 : i32
    %dma_wait3A_353 = tpu.memref_slice %arg14[%dma_wait3A_349, %dma_wait3A_352] : memref<4x128xi32, #tpu.memory_space<vmem>> -> memref<1x128xi32, #tpu.memory_space<vmem>>
    %dma_wait3A_354 = tpu.memref_squeeze %dma_wait3A_353 : memref<1x128xi32, #tpu.memory_space<vmem>> -> memref<128xi32, #tpu.memory_space<vmem>>
    %dma_wait3A_355 = arith.constant 0 : i32
    %dma_wait3A_356 = tpu.memref_slice %arg8[%dma_wait3A_355] : memref<1000000xf32, #tpu.memory_space<hbm>> -> memref<1000000xf32, #tpu.memory_space<hbm>>
    tpu.wait_indirect_dma semaphore(%arg24 : memref<!tpu.dma_semaphore, #tpu.memory_space<semaphore_mem>>) src(%dma_wait3A_356 : memref<1000000xf32, #tpu.memory_space<hbm>>) dst(%dma_wait3A_351 : memref<128xf32, #tpu.memory_space<vmem>>)
    %dma_wait3A_357 = arith.constant 2 : i32
    %dma_wait3A_358 = arith.constant 256 : i32
    %dma_wait3A_359 = arith.constant 0 : i32
    %dma_wait3A_360 = tpu.memref_slice %arg15[%dma_wait3A_358, %dma_wait3A_359] : memref<512x16xf32, #tpu.memory_space<vmem>> -> memref<128x16xf32, #tpu.memory_space<vmem>>
    %dma_wait3A_361 = arith.constant 0 : i32
    %dma_wait3A_362 = tpu.memref_slice %arg12[%dma_wait3A_357, %dma_wait3A_361] : memref<4x128xi32, #tpu.memory_space<vmem>> -> memref<1x128xi32, #tpu.memory_space<vmem>>
    %dma_wait3A_363 = tpu.memref_squeeze %dma_wait3A_362 : memref<1x128xi32, #tpu.memory_space<vmem>> -> memref<128xi32, #tpu.memory_space<vmem>>
    %dma_wait3A_364 = arith.constant 0 : i32
    %dma_wait3A_365 = arith.constant 0 : i32
    %dma_wait3A_366 = tpu.memref_slice %arg5[%dma_wait3A_364, %dma_wait3A_365] : memref<1000000x16xf32, #tpu.memory_space<hbm>> -> memref<1000000x16xf32, #tpu.memory_space<hbm>>
    tpu.wait_indirect_dma semaphore(%arg24 : memref<!tpu.dma_semaphore, #tpu.memory_space<semaphore_mem>>) src(%dma_wait3A_366 : memref<1000000x16xf32, #tpu.memory_space<hbm>>) dst(%dma_wait3A_360 : memref<128x16xf32, #tpu.memory_space<vmem>>)
    %dma_wait3A_367 = arith.constant 2 : i32
    %dma_wait3A_368 = arith.constant 256 : i32
    %dma_wait3A_369 = arith.constant 0 : i32
    %dma_wait3A_370 = tpu.memref_slice %arg16[%dma_wait3A_368, %dma_wait3A_369] : memref<512x16xf32, #tpu.memory_space<vmem>> -> memref<128x16xf32, #tpu.memory_space<vmem>>
    %dma_wait3A_371 = arith.constant 0 : i32
    %dma_wait3A_372 = tpu.memref_slice %arg13[%dma_wait3A_367, %dma_wait3A_371] : memref<4x128xi32, #tpu.memory_space<vmem>> -> memref<1x128xi32, #tpu.memory_space<vmem>>
    %dma_wait3A_373 = tpu.memref_squeeze %dma_wait3A_372 : memref<1x128xi32, #tpu.memory_space<vmem>> -> memref<128xi32, #tpu.memory_space<vmem>>
    %dma_wait3A_374 = arith.constant 0 : i32
    %dma_wait3A_375 = arith.constant 0 : i32
    %dma_wait3A_376 = tpu.memref_slice %arg6[%dma_wait3A_374, %dma_wait3A_375] : memref<1000000x16xf32, #tpu.memory_space<hbm>> -> memref<1000000x16xf32, #tpu.memory_space<hbm>>
    tpu.wait_indirect_dma semaphore(%arg24 : memref<!tpu.dma_semaphore, #tpu.memory_space<semaphore_mem>>) src(%dma_wait3A_376 : memref<1000000x16xf32, #tpu.memory_space<hbm>>) dst(%dma_wait3A_370 : memref<128x16xf32, #tpu.memory_space<vmem>>)
    %dma_wait3A_377 = arith.constant 2 : i32
    %dma_wait3A_378 = arith.constant 256 : i32
    %dma_wait3A_379 = arith.constant 0 : i32
    %dma_wait3A_380 = tpu.memref_slice %arg17[%dma_wait3A_378, %dma_wait3A_379] : memref<512x16xf32, #tpu.memory_space<vmem>> -> memref<128x16xf32, #tpu.memory_space<vmem>>
    %dma_wait3A_381 = arith.constant 0 : i32
    %dma_wait3A_382 = tpu.memref_slice %arg14[%dma_wait3A_377, %dma_wait3A_381] : memref<4x128xi32, #tpu.memory_space<vmem>> -> memref<1x128xi32, #tpu.memory_space<vmem>>
    %dma_wait3A_383 = tpu.memref_squeeze %dma_wait3A_382 : memref<1x128xi32, #tpu.memory_space<vmem>> -> memref<128xi32, #tpu.memory_space<vmem>>
    %dma_wait3A_384 = arith.constant 0 : i32
    %dma_wait3A_385 = arith.constant 0 : i32
    %dma_wait3A_386 = tpu.memref_slice %arg6[%dma_wait3A_384, %dma_wait3A_385] : memref<1000000x16xf32, #tpu.memory_space<hbm>> -> memref<1000000x16xf32, #tpu.memory_space<hbm>>
    tpu.wait_indirect_dma semaphore(%arg24 : memref<!tpu.dma_semaphore, #tpu.memory_space<semaphore_mem>>) src(%dma_wait3A_386 : memref<1000000x16xf32, #tpu.memory_space<hbm>>) dst(%dma_wait3A_380 : memref<128x16xf32, #tpu.memory_space<vmem>>)
    %dma_wait3A_387 = arith.constant 2 : i32
    %dma_wait3A_388 = arith.constant 256 : i32
    %dma_wait3A_389 = tpu.memref_slice %arg18[%dma_wait3A_388] : memref<512xf32, #tpu.memory_space<vmem>> -> memref<128xf32, #tpu.memory_space<vmem>>
    %dma_wait3A_390 = arith.constant 0 : i32
    %dma_wait3A_391 = tpu.memref_slice %arg12[%dma_wait3A_387, %dma_wait3A_390] : memref<4x128xi32, #tpu.memory_space<vmem>> -> memref<1x128xi32, #tpu.memory_space<vmem>>
    %dma_wait3A_392 = tpu.memref_squeeze %dma_wait3A_391 : memref<1x128xi32, #tpu.memory_space<vmem>> -> memref<128xi32, #tpu.memory_space<vmem>>
    %dma_wait3A_393 = arith.constant 0 : i32
    %dma_wait3A_394 = tpu.memref_slice %arg7[%dma_wait3A_393] : memref<1000000xf32, #tpu.memory_space<hbm>> -> memref<1000000xf32, #tpu.memory_space<hbm>>
    tpu.wait_indirect_dma semaphore(%arg24 : memref<!tpu.dma_semaphore, #tpu.memory_space<semaphore_mem>>) src(%dma_wait3A_394 : memref<1000000xf32, #tpu.memory_space<hbm>>) dst(%dma_wait3A_389 : memref<128xf32, #tpu.memory_space<vmem>>)
    %dma_wait3A_395 = arith.constant 2 : i32
    %dma_wait3A_396 = arith.constant 256 : i32
    %dma_wait3A_397 = tpu.memref_slice %arg19[%dma_wait3A_396] : memref<512xf32, #tpu.memory_space<vmem>> -> memref<128xf32, #tpu.memory_space<vmem>>
    %dma_wait3A_398 = arith.constant 0 : i32
    %dma_wait3A_399 = tpu.memref_slice %arg13[%dma_wait3A_395, %dma_wait3A_398] : memref<4x128xi32, #tpu.memory_space<vmem>> -> memref<1x128xi32, #tpu.memory_space<vmem>>
    %dma_wait3A_400 = tpu.memref_squeeze %dma_wait3A_399 : memref<1x128xi32, #tpu.memory_space<vmem>> -> memref<128xi32, #tpu.memory_space<vmem>>
    %dma_wait3A_401 = arith.constant 0 : i32
    %dma_wait3A_402 = tpu.memref_slice %arg8[%dma_wait3A_401] : memref<1000000xf32, #tpu.memory_space<hbm>> -> memref<1000000xf32, #tpu.memory_space<hbm>>
    tpu.wait_indirect_dma semaphore(%arg24 : memref<!tpu.dma_semaphore, #tpu.memory_space<semaphore_mem>>) src(%dma_wait3A_402 : memref<1000000xf32, #tpu.memory_space<hbm>>) dst(%dma_wait3A_397 : memref<128xf32, #tpu.memory_space<vmem>>)
    %dma_wait3A_403 = arith.constant 2 : i32
    %dma_wait3A_404 = arith.constant 256 : i32
    %dma_wait3A_405 = tpu.memref_slice %arg20[%dma_wait3A_404] : memref<512xf32, #tpu.memory_space<vmem>> -> memref<128xf32, #tpu.memory_space<vmem>>
    %dma_wait3A_406 = arith.constant 0 : i32
    %dma_wait3A_407 = tpu.memref_slice %arg14[%dma_wait3A_403, %dma_wait3A_406] : memref<4x128xi32, #tpu.memory_space<vmem>> -> memref<1x128xi32, #tpu.memory_space<vmem>>
    %dma_wait3A_408 = tpu.memref_squeeze %dma_wait3A_407 : memref<1x128xi32, #tpu.memory_space<vmem>> -> memref<128xi32, #tpu.memory_space<vmem>>
    %dma_wait3A_409 = arith.constant 0 : i32
    %dma_wait3A_410 = tpu.memref_slice %arg8[%dma_wait3A_409] : memref<1000000xf32, #tpu.memory_space<hbm>> -> memref<1000000xf32, #tpu.memory_space<hbm>>
    tpu.wait_indirect_dma semaphore(%arg24 : memref<!tpu.dma_semaphore, #tpu.memory_space<semaphore_mem>>) src(%dma_wait3A_410 : memref<1000000xf32, #tpu.memory_space<hbm>>) dst(%dma_wait3A_405 : memref<128xf32, #tpu.memory_space<vmem>>)
    %dma_wait3A_411 = arith.constant 3 : i32
    %dma_wait3A_412 = arith.constant 384 : i32
    %dma_wait3A_413 = arith.constant 0 : i32
    %dma_wait3A_414 = tpu.memref_slice %arg15[%dma_wait3A_412, %dma_wait3A_413] : memref<512x16xf32, #tpu.memory_space<vmem>> -> memref<128x16xf32, #tpu.memory_space<vmem>>
    %dma_wait3A_415 = arith.constant 0 : i32
    %dma_wait3A_416 = tpu.memref_slice %arg12[%dma_wait3A_411, %dma_wait3A_415] : memref<4x128xi32, #tpu.memory_space<vmem>> -> memref<1x128xi32, #tpu.memory_space<vmem>>
    %dma_wait3A_417 = tpu.memref_squeeze %dma_wait3A_416 : memref<1x128xi32, #tpu.memory_space<vmem>> -> memref<128xi32, #tpu.memory_space<vmem>>
    %dma_wait3A_418 = arith.constant 0 : i32
    %dma_wait3A_419 = arith.constant 0 : i32
    %dma_wait3A_420 = tpu.memref_slice %arg5[%dma_wait3A_418, %dma_wait3A_419] : memref<1000000x16xf32, #tpu.memory_space<hbm>> -> memref<1000000x16xf32, #tpu.memory_space<hbm>>
    tpu.wait_indirect_dma semaphore(%arg24 : memref<!tpu.dma_semaphore, #tpu.memory_space<semaphore_mem>>) src(%dma_wait3A_420 : memref<1000000x16xf32, #tpu.memory_space<hbm>>) dst(%dma_wait3A_414 : memref<128x16xf32, #tpu.memory_space<vmem>>)
    %dma_wait3A_421 = arith.constant 3 : i32
    %dma_wait3A_422 = arith.constant 384 : i32
    %dma_wait3A_423 = arith.constant 0 : i32
    %dma_wait3A_424 = tpu.memref_slice %arg16[%dma_wait3A_422, %dma_wait3A_423] : memref<512x16xf32, #tpu.memory_space<vmem>> -> memref<128x16xf32, #tpu.memory_space<vmem>>
    %dma_wait3A_425 = arith.constant 0 : i32
    %dma_wait3A_426 = tpu.memref_slice %arg13[%dma_wait3A_421, %dma_wait3A_425] : memref<4x128xi32, #tpu.memory_space<vmem>> -> memref<1x128xi32, #tpu.memory_space<vmem>>
    %dma_wait3A_427 = tpu.memref_squeeze %dma_wait3A_426 : memref<1x128xi32, #tpu.memory_space<vmem>> -> memref<128xi32, #tpu.memory_space<vmem>>
    %dma_wait3A_428 = arith.constant 0 : i32
    %dma_wait3A_429 = arith.constant 0 : i32
    %dma_wait3A_430 = tpu.memref_slice %arg6[%dma_wait3A_428, %dma_wait3A_429] : memref<1000000x16xf32, #tpu.memory_space<hbm>> -> memref<1000000x16xf32, #tpu.memory_space<hbm>>
    tpu.wait_indirect_dma semaphore(%arg24 : memref<!tpu.dma_semaphore, #tpu.memory_space<semaphore_mem>>) src(%dma_wait3A_430 : memref<1000000x16xf32, #tpu.memory_space<hbm>>) dst(%dma_wait3A_424 : memref<128x16xf32, #tpu.memory_space<vmem>>)
    %dma_wait3A_431 = arith.constant 3 : i32
    %dma_wait3A_432 = arith.constant 384 : i32
    %dma_wait3A_433 = arith.constant 0 : i32
    %dma_wait3A_434 = tpu.memref_slice %arg17[%dma_wait3A_432, %dma_wait3A_433] : memref<512x16xf32, #tpu.memory_space<vmem>> -> memref<128x16xf32, #tpu.memory_space<vmem>>
    %dma_wait3A_435 = arith.constant 0 : i32
    %dma_wait3A_436 = tpu.memref_slice %arg14[%dma_wait3A_431, %dma_wait3A_435] : memref<4x128xi32, #tpu.memory_space<vmem>> -> memref<1x128xi32, #tpu.memory_space<vmem>>
    %dma_wait3A_437 = tpu.memref_squeeze %dma_wait3A_436 : memref<1x128xi32, #tpu.memory_space<vmem>> -> memref<128xi32, #tpu.memory_space<vmem>>
    %dma_wait3A_438 = arith.constant 0 : i32
    %dma_wait3A_439 = arith.constant 0 : i32
    %dma_wait3A_440 = tpu.memref_slice %arg6[%dma_wait3A_438, %dma_wait3A_439] : memref<1000000x16xf32, #tpu.memory_space<hbm>> -> memref<1000000x16xf32, #tpu.memory_space<hbm>>
    tpu.wait_indirect_dma semaphore(%arg24 : memref<!tpu.dma_semaphore, #tpu.memory_space<semaphore_mem>>) src(%dma_wait3A_440 : memref<1000000x16xf32, #tpu.memory_space<hbm>>) dst(%dma_wait3A_434 : memref<128x16xf32, #tpu.memory_space<vmem>>)
    %dma_wait3A_441 = arith.constant 3 : i32
    %dma_wait3A_442 = arith.constant 384 : i32
    %dma_wait3A_443 = tpu.memref_slice %arg18[%dma_wait3A_442] : memref<512xf32, #tpu.memory_space<vmem>> -> memref<128xf32, #tpu.memory_space<vmem>>
    %dma_wait3A_444 = arith.constant 0 : i32
    %dma_wait3A_445 = tpu.memref_slice %arg12[%dma_wait3A_441, %dma_wait3A_444] : memref<4x128xi32, #tpu.memory_space<vmem>> -> memref<1x128xi32, #tpu.memory_space<vmem>>
    %dma_wait3A_446 = tpu.memref_squeeze %dma_wait3A_445 : memref<1x128xi32, #tpu.memory_space<vmem>> -> memref<128xi32, #tpu.memory_space<vmem>>
    %dma_wait3A_447 = arith.constant 0 : i32
    %dma_wait3A_448 = tpu.memref_slice %arg7[%dma_wait3A_447] : memref<1000000xf32, #tpu.memory_space<hbm>> -> memref<1000000xf32, #tpu.memory_space<hbm>>
    tpu.wait_indirect_dma semaphore(%arg24 : memref<!tpu.dma_semaphore, #tpu.memory_space<semaphore_mem>>) src(%dma_wait3A_448 : memref<1000000xf32, #tpu.memory_space<hbm>>) dst(%dma_wait3A_443 : memref<128xf32, #tpu.memory_space<vmem>>)
    %dma_wait3A_449 = arith.constant 3 : i32
    %dma_wait3A_450 = arith.constant 384 : i32
    %dma_wait3A_451 = tpu.memref_slice %arg19[%dma_wait3A_450] : memref<512xf32, #tpu.memory_space<vmem>> -> memref<128xf32, #tpu.memory_space<vmem>>
    %dma_wait3A_452 = arith.constant 0 : i32
    %dma_wait3A_453 = tpu.memref_slice %arg13[%dma_wait3A_449, %dma_wait3A_452] : memref<4x128xi32, #tpu.memory_space<vmem>> -> memref<1x128xi32, #tpu.memory_space<vmem>>
    %dma_wait3A_454 = tpu.memref_squeeze %dma_wait3A_453 : memref<1x128xi32, #tpu.memory_space<vmem>> -> memref<128xi32, #tpu.memory_space<vmem>>
    %dma_wait3A_455 = arith.constant 0 : i32
    %dma_wait3A_456 = tpu.memref_slice %arg8[%dma_wait3A_455] : memref<1000000xf32, #tpu.memory_space<hbm>> -> memref<1000000xf32, #tpu.memory_space<hbm>>
    tpu.wait_indirect_dma semaphore(%arg24 : memref<!tpu.dma_semaphore, #tpu.memory_space<semaphore_mem>>) src(%dma_wait3A_456 : memref<1000000xf32, #tpu.memory_space<hbm>>) dst(%dma_wait3A_451 : memref<128xf32, #tpu.memory_space<vmem>>)
    %dma_wait3A_457 = arith.constant 3 : i32
    %dma_wait3A_458 = arith.constant 384 : i32
    %dma_wait3A_459 = tpu.memref_slice %arg20[%dma_wait3A_458] : memref<512xf32, #tpu.memory_space<vmem>> -> memref<128xf32, #tpu.memory_space<vmem>>
    %dma_wait3A_460 = arith.constant 0 : i32
    %dma_wait3A_461 = tpu.memref_slice %arg14[%dma_wait3A_457, %dma_wait3A_460] : memref<4x128xi32, #tpu.memory_space<vmem>> -> memref<1x128xi32, #tpu.memory_space<vmem>>
    %dma_wait3A_462 = tpu.memref_squeeze %dma_wait3A_461 : memref<1x128xi32, #tpu.memory_space<vmem>> -> memref<128xi32, #tpu.memory_space<vmem>>
    %dma_wait3A_463 = arith.constant 0 : i32
    %dma_wait3A_464 = tpu.memref_slice %arg8[%dma_wait3A_463] : memref<1000000xf32, #tpu.memory_space<hbm>> -> memref<1000000xf32, #tpu.memory_space<hbm>>
    tpu.wait_indirect_dma semaphore(%arg24 : memref<!tpu.dma_semaphore, #tpu.memory_space<semaphore_mem>>) src(%dma_wait3A_464 : memref<1000000xf32, #tpu.memory_space<hbm>>) dst(%dma_wait3A_459 : memref<128xf32, #tpu.memory_space<vmem>>)
    %scan3A = arith.constant 0 : i32
    %scan3A_465 = arith.constant 0 : i32
    %scan3A_466 = arith.constant 64 : i32
    %scan3A_467 = arith.addi %scan3A_465, %scan3A_466 : i32
    %scan3A_468 = arith.constant 1 : i32
    scf.for %scan3A_1110 = %scan3A_465 to %scan3A_467 step %scan3A_468  : i32 {
      %mul3A_1111 = arith.constant 8 : i32
      %mul3A_1112 = arith.muli %scan3A_1110, %mul3A_1111 : i32
      %add3A_1113 = arith.constant 0 : i32
      %add3A_1114 = arith.addi %mul3A_1112, %add3A_1113 : i32
      %get3A_1115 = arith.index_cast %add3A_1114 : i32 to index
      %get3A_1116 = arith.constant 0 : index
      %get3A_1117 = tpu.vector_load %arg15[%get3A_1115, %get3A_1116] {strides = array<i32>} : memref<512x16xf32, #tpu.memory_space<vmem>>, vector<16xf32>,
      %get3A_1118 = arith.index_cast %add3A_1114 : i32 to index
      %get3A_1119 = arith.constant 0 : index
      %get3A_1120 = tpu.vector_load %arg16[%get3A_1118, %get3A_1119] {strides = array<i32>} : memref<512x16xf32, #tpu.memory_space<vmem>>, vector<16xf32>,
      %mul3A_1121 = arith.mulf %get3A_1117, %get3A_1120 : vector<16xf32>
      %broadcast_in_dim3A_1122 = arith.constant true
      %broadcast_in_dim3A_1123 = vector.broadcast %broadcast_in_dim3A_1122 : i1 to vector<16xi1>
      %masked_cumsum3A = tpu.scan <sum>, %mul3A_1121 masked %broadcast_in_dim3A_1123 : vector<16xf32>, vector<16xi1> -> vector<16xf32>
      %swap3A_1124 = arith.index_cast %add3A_1114 : i32 to index
      %swap3A_1125 = arith.constant 0 : index
      %swap3A_1126 = tpu.vector_load %arg16[%swap3A_1124, %swap3A_1125] {strides = array<i32>} : memref<512x16xf32, #tpu.memory_space<vmem>>, vector<16xf32>,
      tpu.vector_store %arg16[%swap3A_1124, %swap3A_1125], %masked_cumsum3A {strides = array<i32>} : memref<512x16xf32, #tpu.memory_space<vmem>>, vector<16xf32>,
      %get3A_1127 = arith.index_cast %add3A_1114 : i32 to index
      %get3A_1128 = arith.constant 0 : index
      %get3A_1129 = tpu.vector_load %arg17[%get3A_1127, %get3A_1128] {strides = array<i32>} : memref<512x16xf32, #tpu.memory_space<vmem>>, vector<16xf32>,
      %mul3A_1130 = arith.mulf %get3A_1117, %get3A_1129 : vector<16xf32>
      %broadcast_in_dim3A_1131 = arith.constant true
      %broadcast_in_dim3A_1132 = vector.broadcast %broadcast_in_dim3A_1131 : i1 to vector<16xi1>
      %masked_cumsum3A_1133 = tpu.scan <sum>, %mul3A_1130 masked %broadcast_in_dim3A_1132 : vector<16xf32>, vector<16xi1> -> vector<16xf32>
      %swap3A_1134 = arith.index_cast %add3A_1114 : i32 to index
      %swap3A_1135 = arith.constant 0 : index
      %swap3A_1136 = tpu.vector_load %arg17[%swap3A_1134, %swap3A_1135] {strides = array<i32>} : memref<512x16xf32, #tpu.memory_space<vmem>>, vector<16xf32>,
      tpu.vector_store %arg17[%swap3A_1134, %swap3A_1135], %masked_cumsum3A_1133 {strides = array<i32>} : memref<512x16xf32, #tpu.memory_space<vmem>>, vector<16xf32>,
      %mul3A_1137 = arith.constant 8 : i32
      %mul3A_1138 = arith.muli %scan3A_1110, %mul3A_1137 : i32
      %add3A_1139 = arith.constant 1 : i32
      %add3A_1140 = arith.addi %mul3A_1138, %add3A_1139 : i32
      %get3A_1141 = arith.index_cast %add3A_1140 : i32 to index
      %get3A_1142 = arith.constant 0 : index
      %get3A_1143 = tpu.vector_load %arg15[%get3A_1141, %get3A_1142] {strides = array<i32>} : memref<512x16xf32, #tpu.memory_space<vmem>>, vector<16xf32>,
      %get3A_1144 = arith.index_cast %add3A_1140 : i32 to index
      %get3A_1145 = arith.constant 0 : index
      %get3A_1146 = tpu.vector_load %arg16[%get3A_1144, %get3A_1145] {strides = array<i32>} : memref<512x16xf32, #tpu.memory_space<vmem>>, vector<16xf32>,
      %mul3A_1147 = arith.mulf %get3A_1143, %get3A_1146 : vector<16xf32>
      %broadcast_in_dim3A_1148 = arith.constant true
      %broadcast_in_dim3A_1149 = vector.broadcast %broadcast_in_dim3A_1148 : i1 to vector<16xi1>
      %masked_cumsum3A_1150 = tpu.scan <sum>, %mul3A_1147 masked %broadcast_in_dim3A_1149 : vector<16xf32>, vector<16xi1> -> vector<16xf32>
      %swap3A_1151 = arith.index_cast %add3A_1140 : i32 to index
      %swap3A_1152 = arith.constant 0 : index
      %swap3A_1153 = tpu.vector_load %arg16[%swap3A_1151, %swap3A_1152] {strides = array<i32>} : memref<512x16xf32, #tpu.memory_space<vmem>>, vector<16xf32>,
      tpu.vector_store %arg16[%swap3A_1151, %swap3A_1152], %masked_cumsum3A_1150 {strides = array<i32>} : memref<512x16xf32, #tpu.memory_space<vmem>>, vector<16xf32>,
      %get3A_1154 = arith.index_cast %add3A_1140 : i32 to index
      %get3A_1155 = arith.constant 0 : index
      %get3A_1156 = tpu.vector_load %arg17[%get3A_1154, %get3A_1155] {strides = array<i32>} : memref<512x16xf32, #tpu.memory_space<vmem>>, vector<16xf32>,
      %mul3A_1157 = arith.mulf %get3A_1143, %get3A_1156 : vector<16xf32>
      %broadcast_in_dim3A_1158 = arith.constant true
      %broadcast_in_dim3A_1159 = vector.broadcast %broadcast_in_dim3A_1158 : i1 to vector<16xi1>
      %masked_cumsum3A_1160 = tpu.scan <sum>, %mul3A_1157 masked %broadcast_in_dim3A_1159 : vector<16xf32>, vector<16xi1> -> vector<16xf32>
      %swap3A_1161 = arith.index_cast %add3A_1140 : i32 to index
      %swap3A_1162 = arith.constant 0 : index
      %swap3A_1163 = tpu.vector_load %arg17[%swap3A_1161, %swap3A_1162] {strides = array<i32>} : memref<512x16xf32, #tpu.memory_space<vmem>>, vector<16xf32>,
      tpu.vector_store %arg17[%swap3A_1161, %swap3A_1162], %masked_cumsum3A_1160 {strides = array<i32>} : memref<512x16xf32, #tpu.memory_space<vmem>>, vector<16xf32>,
      %mul3A_1164 = arith.constant 8 : i32
      %mul3A_1165 = arith.muli %scan3A_1110, %mul3A_1164 : i32
      %add3A_1166 = arith.constant 2 : i32
      %add3A_1167 = arith.addi %mul3A_1165, %add3A_1166 : i32
      %get3A_1168 = arith.index_cast %add3A_1167 : i32 to index
      %get3A_1169 = arith.constant 0 : index
      %get3A_1170 = tpu.vector_load %arg15[%get3A_1168, %get3A_1169] {strides = array<i32>} : memref<512x16xf32, #tpu.memory_space<vmem>>, vector<16xf32>,
      %get3A_1171 = arith.index_cast %add3A_1167 : i32 to index
      %get3A_1172 = arith.constant 0 : index
      %get3A_1173 = tpu.vector_load %arg16[%get3A_1171, %get3A_1172] {strides = array<i32>} : memref<512x16xf32, #tpu.memory_space<vmem>>, vector<16xf32>,
      %mul3A_1174 = arith.mulf %get3A_1170, %get3A_1173 : vector<16xf32>
      %broadcast_in_dim3A_1175 = arith.constant true
      %broadcast_in_dim3A_1176 = vector.broadcast %broadcast_in_dim3A_1175 : i1 to vector<16xi1>
      %masked_cumsum3A_1177 = tpu.scan <sum>, %mul3A_1174 masked %broadcast_in_dim3A_1176 : vector<16xf32>, vector<16xi1> -> vector<16xf32>
      %swap3A_1178 = arith.index_cast %add3A_1167 : i32 to index
      %swap3A_1179 = arith.constant 0 : index
      %swap3A_1180 = tpu.vector_load %arg16[%swap3A_1178, %swap3A_1179] {strides = array<i32>} : memref<512x16xf32, #tpu.memory_space<vmem>>, vector<16xf32>,
      tpu.vector_store %arg16[%swap3A_1178, %swap3A_1179], %masked_cumsum3A_1177 {strides = array<i32>} : memref<512x16xf32, #tpu.memory_space<vmem>>, vector<16xf32>,
      %get3A_1181 = arith.index_cast %add3A_1167 : i32 to index
      %get3A_1182 = arith.constant 0 : index
      %get3A_1183 = tpu.vector_load %arg17[%get3A_1181, %get3A_1182] {strides = array<i32>} : memref<512x16xf32, #tpu.memory_space<vmem>>, vector<16xf32>,
      %mul3A_1184 = arith.mulf %get3A_1170, %get3A_1183 : vector<16xf32>
      %broadcast_in_dim3A_1185 = arith.constant true
      %broadcast_in_dim3A_1186 = vector.broadcast %broadcast_in_dim3A_1185 : i1 to vector<16xi1>
      %masked_cumsum3A_1187 = tpu.scan <sum>, %mul3A_1184 masked %broadcast_in_dim3A_1186 : vector<16xf32>, vector<16xi1> -> vector<16xf32>
      %swap3A_1188 = arith.index_cast %add3A_1167 : i32 to index
      %swap3A_1189 = arith.constant 0 : index
      %swap3A_1190 = tpu.vector_load %arg17[%swap3A_1188, %swap3A_1189] {strides = array<i32>} : memref<512x16xf32, #tpu.memory_space<vmem>>, vector<16xf32>,
      tpu.vector_store %arg17[%swap3A_1188, %swap3A_1189], %masked_cumsum3A_1187 {strides = array<i32>} : memref<512x16xf32, #tpu.memory_space<vmem>>, vector<16xf32>,
      %mul3A_1191 = arith.constant 8 : i32
      %mul3A_1192 = arith.muli %scan3A_1110, %mul3A_1191 : i32
      %add3A_1193 = arith.constant 3 : i32
      %add3A_1194 = arith.addi %mul3A_1192, %add3A_1193 : i32
      %get3A_1195 = arith.index_cast %add3A_1194 : i32 to index
      %get3A_1196 = arith.constant 0 : index
      %get3A_1197 = tpu.vector_load %arg15[%get3A_1195, %get3A_1196] {strides = array<i32>} : memref<512x16xf32, #tpu.memory_space<vmem>>, vector<16xf32>,
      %get3A_1198 = arith.index_cast %add3A_1194 : i32 to index
      %get3A_1199 = arith.constant 0 : index
      %get3A_1200 = tpu.vector_load %arg16[%get3A_1198, %get3A_1199] {strides = array<i32>} : memref<512x16xf32, #tpu.memory_space<vmem>>, vector<16xf32>,
      %mul3A_1201 = arith.mulf %get3A_1197, %get3A_1200 : vector<16xf32>
      %broadcast_in_dim3A_1202 = arith.constant true
      %broadcast_in_dim3A_1203 = vector.broadcast %broadcast_in_dim3A_1202 : i1 to vector<16xi1>
      %masked_cumsum3A_1204 = tpu.scan <sum>, %mul3A_1201 masked %broadcast_in_dim3A_1203 : vector<16xf32>, vector<16xi1> -> vector<16xf32>
      %swap3A_1205 = arith.index_cast %add3A_1194 : i32 to index
      %swap3A_1206 = arith.constant 0 : index
      %swap3A_1207 = tpu.vector_load %arg16[%swap3A_1205, %swap3A_1206] {strides = array<i32>} : memref<512x16xf32, #tpu.memory_space<vmem>>, vector<16xf32>,
      tpu.vector_store %arg16[%swap3A_1205, %swap3A_1206], %masked_cumsum3A_1204 {strides = array<i32>} : memref<512x16xf32, #tpu.memory_space<vmem>>, vector<16xf32>,
      %get3A_1208 = arith.index_cast %add3A_1194 : i32 to index
      %get3A_1209 = arith.constant 0 : index
      %get3A_1210 = tpu.vector_load %arg17[%get3A_1208, %get3A_1209] {strides = array<i32>} : memref<512x16xf32, #tpu.memory_space<vmem>>, vector<16xf32>,
      %mul3A_1211 = arith.mulf %get3A_1197, %get3A_1210 : vector<16xf32>
      %broadcast_in_dim3A_1212 = arith.constant true
      %broadcast_in_dim3A_1213 = vector.broadcast %broadcast_in_dim3A_1212 : i1 to vector<16xi1>
      %masked_cumsum3A_1214 = tpu.scan <sum>, %mul3A_1211 masked %broadcast_in_dim3A_1213 : vector<16xf32>, vector<16xi1> -> vector<16xf32>
      %swap3A_1215 = arith.index_cast %add3A_1194 : i32 to index
      %swap3A_1216 = arith.constant 0 : index
      %swap3A_1217 = tpu.vector_load %arg17[%swap3A_1215, %swap3A_1216] {strides = array<i32>} : memref<512x16xf32, #tpu.memory_space<vmem>>, vector<16xf32>,
      tpu.vector_store %arg17[%swap3A_1215, %swap3A_1216], %masked_cumsum3A_1214 {strides = array<i32>} : memref<512x16xf32, #tpu.memory_space<vmem>>, vector<16xf32>,
      %mul3A_1218 = arith.constant 8 : i32
      %mul3A_1219 = arith.muli %scan3A_1110, %mul3A_1218 : i32
      %add3A_1220 = arith.constant 4 : i32
      %add3A_1221 = arith.addi %mul3A_1219, %add3A_1220 : i32
      %get3A_1222 = arith.index_cast %add3A_1221 : i32 to index
      %get3A_1223 = arith.constant 0 : index
      %get3A_1224 = tpu.vector_load %arg15[%get3A_1222, %get3A_1223] {strides = array<i32>} : memref<512x16xf32, #tpu.memory_space<vmem>>, vector<16xf32>,
      %get3A_1225 = arith.index_cast %add3A_1221 : i32 to index
      %get3A_1226 = arith.constant 0 : index
      %get3A_1227 = tpu.vector_load %arg16[%get3A_1225, %get3A_1226] {strides = array<i32>} : memref<512x16xf32, #tpu.memory_space<vmem>>, vector<16xf32>,
      %mul3A_1228 = arith.mulf %get3A_1224, %get3A_1227 : vector<16xf32>
      %broadcast_in_dim3A_1229 = arith.constant true
      %broadcast_in_dim3A_1230 = vector.broadcast %broadcast_in_dim3A_1229 : i1 to vector<16xi1>
      %masked_cumsum3A_1231 = tpu.scan <sum>, %mul3A_1228 masked %broadcast_in_dim3A_1230 : vector<16xf32>, vector<16xi1> -> vector<16xf32>
      %swap3A_1232 = arith.index_cast %add3A_1221 : i32 to index
      %swap3A_1233 = arith.constant 0 : index
      %swap3A_1234 = tpu.vector_load %arg16[%swap3A_1232, %swap3A_1233] {strides = array<i32>} : memref<512x16xf32, #tpu.memory_space<vmem>>, vector<16xf32>,
      tpu.vector_store %arg16[%swap3A_1232, %swap3A_1233], %masked_cumsum3A_1231 {strides = array<i32>} : memref<512x16xf32, #tpu.memory_space<vmem>>, vector<16xf32>,
      %get3A_1235 = arith.index_cast %add3A_1221 : i32 to index
      %get3A_1236 = arith.constant 0 : index
      %get3A_1237 = tpu.vector_load %arg17[%get3A_1235, %get3A_1236] {strides = array<i32>} : memref<512x16xf32, #tpu.memory_space<vmem>>, vector<16xf32>,
      %mul3A_1238 = arith.mulf %get3A_1224, %get3A_1237 : vector<16xf32>
      %broadcast_in_dim3A_1239 = arith.constant true
      %broadcast_in_dim3A_1240 = vector.broadcast %broadcast_in_dim3A_1239 : i1 to vector<16xi1>
      %masked_cumsum3A_1241 = tpu.scan <sum>, %mul3A_1238 masked %broadcast_in_dim3A_1240 : vector<16xf32>, vector<16xi1> -> vector<16xf32>
      %swap3A_1242 = arith.index_cast %add3A_1221 : i32 to index
      %swap3A_1243 = arith.constant 0 : index
      %swap3A_1244 = tpu.vector_load %arg17[%swap3A_1242, %swap3A_1243] {strides = array<i32>} : memref<512x16xf32, #tpu.memory_space<vmem>>, vector<16xf32>,
      tpu.vector_store %arg17[%swap3A_1242, %swap3A_1243], %masked_cumsum3A_1241 {strides = array<i32>} : memref<512x16xf32, #tpu.memory_space<vmem>>, vector<16xf32>,
      %mul3A_1245 = arith.constant 8 : i32
      %mul3A_1246 = arith.muli %scan3A_1110, %mul3A_1245 : i32
      %add3A_1247 = arith.constant 5 : i32
      %add3A_1248 = arith.addi %mul3A_1246, %add3A_1247 : i32
      %get3A_1249 = arith.index_cast %add3A_1248 : i32 to index
      %get3A_1250 = arith.constant 0 : index
      %get3A_1251 = tpu.vector_load %arg15[%get3A_1249, %get3A_1250] {strides = array<i32>} : memref<512x16xf32, #tpu.memory_space<vmem>>, vector<16xf32>,
      %get3A_1252 = arith.index_cast %add3A_1248 : i32 to index
      %get3A_1253 = arith.constant 0 : index
      %get3A_1254 = tpu.vector_load %arg16[%get3A_1252, %get3A_1253] {strides = array<i32>} : memref<512x16xf32, #tpu.memory_space<vmem>>, vector<16xf32>,
      %mul3A_1255 = arith.mulf %get3A_1251, %get3A_1254 : vector<16xf32>
      %broadcast_in_dim3A_1256 = arith.constant true
      %broadcast_in_dim3A_1257 = vector.broadcast %broadcast_in_dim3A_1256 : i1 to vector<16xi1>
      %masked_cumsum3A_1258 = tpu.scan <sum>, %mul3A_1255 masked %broadcast_in_dim3A_1257 : vector<16xf32>, vector<16xi1> -> vector<16xf32>
      %swap3A_1259 = arith.index_cast %add3A_1248 : i32 to index
      %swap3A_1260 = arith.constant 0 : index
      %swap3A_1261 = tpu.vector_load %arg16[%swap3A_1259, %swap3A_1260] {strides = array<i32>} : memref<512x16xf32, #tpu.memory_space<vmem>>, vector<16xf32>,
      tpu.vector_store %arg16[%swap3A_1259, %swap3A_1260], %masked_cumsum3A_1258 {strides = array<i32>} : memref<512x16xf32, #tpu.memory_space<vmem>>, vector<16xf32>,
      %get3A_1262 = arith.index_cast %add3A_1248 : i32 to index
      %get3A_1263 = arith.constant 0 : index
      %get3A_1264 = tpu.vector_load %arg17[%get3A_1262, %get3A_1263] {strides = array<i32>} : memref<512x16xf32, #tpu.memory_space<vmem>>, vector<16xf32>,
      %mul3A_1265 = arith.mulf %get3A_1251, %get3A_1264 : vector<16xf32>
      %broadcast_in_dim3A_1266 = arith.constant true
      %broadcast_in_dim3A_1267 = vector.broadcast %broadcast_in_dim3A_1266 : i1 to vector<16xi1>
      %masked_cumsum3A_1268 = tpu.scan <sum>, %mul3A_1265 masked %broadcast_in_dim3A_1267 : vector<16xf32>, vector<16xi1> -> vector<16xf32>
      %swap3A_1269 = arith.index_cast %add3A_1248 : i32 to index
      %swap3A_1270 = arith.constant 0 : index
      %swap3A_1271 = tpu.vector_load %arg17[%swap3A_1269, %swap3A_1270] {strides = array<i32>} : memref<512x16xf32, #tpu.memory_space<vmem>>, vector<16xf32>,
      tpu.vector_store %arg17[%swap3A_1269, %swap3A_1270], %masked_cumsum3A_1268 {strides = array<i32>} : memref<512x16xf32, #tpu.memory_space<vmem>>, vector<16xf32>,
      %mul3A_1272 = arith.constant 8 : i32
      %mul3A_1273 = arith.muli %scan3A_1110, %mul3A_1272 : i32
      %add3A_1274 = arith.constant 6 : i32
      %add3A_1275 = arith.addi %mul3A_1273, %add3A_1274 : i32
      %get3A_1276 = arith.index_cast %add3A_1275 : i32 to index
      %get3A_1277 = arith.constant 0 : index
      %get3A_1278 = tpu.vector_load %arg15[%get3A_1276, %get3A_1277] {strides = array<i32>} : memref<512x16xf32, #tpu.memory_space<vmem>>, vector<16xf32>,
      %get3A_1279 = arith.index_cast %add3A_1275 : i32 to index
      %get3A_1280 = arith.constant 0 : index
      %get3A_1281 = tpu.vector_load %arg16[%get3A_1279, %get3A_1280] {strides = array<i32>} : memref<512x16xf32, #tpu.memory_space<vmem>>, vector<16xf32>,
      %mul3A_1282 = arith.mulf %get3A_1278, %get3A_1281 : vector<16xf32>
      %broadcast_in_dim3A_1283 = arith.constant true
      %broadcast_in_dim3A_1284 = vector.broadcast %broadcast_in_dim3A_1283 : i1 to vector<16xi1>
      %masked_cumsum3A_1285 = tpu.scan <sum>, %mul3A_1282 masked %broadcast_in_dim3A_1284 : vector<16xf32>, vector<16xi1> -> vector<16xf32>
      %swap3A_1286 = arith.index_cast %add3A_1275 : i32 to index
      %swap3A_1287 = arith.constant 0 : index
      %swap3A_1288 = tpu.vector_load %arg16[%swap3A_1286, %swap3A_1287] {strides = array<i32>} : memref<512x16xf32, #tpu.memory_space<vmem>>, vector<16xf32>,
      tpu.vector_store %arg16[%swap3A_1286, %swap3A_1287], %masked_cumsum3A_1285 {strides = array<i32>} : memref<512x16xf32, #tpu.memory_space<vmem>>, vector<16xf32>,
      %get3A_1289 = arith.index_cast %add3A_1275 : i32 to index
      %get3A_1290 = arith.constant 0 : index
      %get3A_1291 = tpu.vector_load %arg17[%get3A_1289, %get3A_1290] {strides = array<i32>} : memref<512x16xf32, #tpu.memory_space<vmem>>, vector<16xf32>,
      %mul3A_1292 = arith.mulf %get3A_1278, %get3A_1291 : vector<16xf32>
      %broadcast_in_dim3A_1293 = arith.constant true
      %broadcast_in_dim3A_1294 = vector.broadcast %broadcast_in_dim3A_1293 : i1 to vector<16xi1>
      %masked_cumsum3A_1295 = tpu.scan <sum>, %mul3A_1292 masked %broadcast_in_dim3A_1294 : vector<16xf32>, vector<16xi1> -> vector<16xf32>
      %swap3A_1296 = arith.index_cast %add3A_1275 : i32 to index
      %swap3A_1297 = arith.constant 0 : index
      %swap3A_1298 = tpu.vector_load %arg17[%swap3A_1296, %swap3A_1297] {strides = array<i32>} : memref<512x16xf32, #tpu.memory_space<vmem>>, vector<16xf32>,
      tpu.vector_store %arg17[%swap3A_1296, %swap3A_1297], %masked_cumsum3A_1295 {strides = array<i32>} : memref<512x16xf32, #tpu.memory_space<vmem>>, vector<16xf32>,
      %mul3A_1299 = arith.constant 8 : i32
      %mul3A_1300 = arith.muli %scan3A_1110, %mul3A_1299 : i32
      %add3A_1301 = arith.constant 7 : i32
      %add3A_1302 = arith.addi %mul3A_1300, %add3A_1301 : i32
      %get3A_1303 = arith.index_cast %add3A_1302 : i32 to index
      %get3A_1304 = arith.constant 0 : index
      %get3A_1305 = tpu.vector_load %arg15[%get3A_1303, %get3A_1304] {strides = array<i32>} : memref<512x16xf32, #tpu.memory_space<vmem>>, vector<16xf32>,
      %get3A_1306 = arith.index_cast %add3A_1302 : i32 to index
      %get3A_1307 = arith.constant 0 : index
      %get3A_1308 = tpu.vector_load %arg16[%get3A_1306, %get3A_1307] {strides = array<i32>} : memref<512x16xf32, #tpu.memory_space<vmem>>, vector<16xf32>,
      %mul3A_1309 = arith.mulf %get3A_1305, %get3A_1308 : vector<16xf32>
      %broadcast_in_dim3A_1310 = arith.constant true
      %broadcast_in_dim3A_1311 = vector.broadcast %broadcast_in_dim3A_1310 : i1 to vector<16xi1>
      %masked_cumsum3A_1312 = tpu.scan <sum>, %mul3A_1309 masked %broadcast_in_dim3A_1311 : vector<16xf32>, vector<16xi1> -> vector<16xf32>
      %swap3A_1313 = arith.index_cast %add3A_1302 : i32 to index
      %swap3A_1314 = arith.constant 0 : index
      %swap3A_1315 = tpu.vector_load %arg16[%swap3A_1313, %swap3A_1314] {strides = array<i32>} : memref<512x16xf32, #tpu.memory_space<vmem>>, vector<16xf32>,
      tpu.vector_store %arg16[%swap3A_1313, %swap3A_1314], %masked_cumsum3A_1312 {strides = array<i32>} : memref<512x16xf32, #tpu.memory_space<vmem>>, vector<16xf32>,
      %get3A_1316 = arith.index_cast %add3A_1302 : i32 to index
      %get3A_1317 = arith.constant 0 : index
      %get3A_1318 = tpu.vector_load %arg17[%get3A_1316, %get3A_1317] {strides = array<i32>} : memref<512x16xf32, #tpu.memory_space<vmem>>, vector<16xf32>,
      %mul3A_1319 = arith.mulf %get3A_1305, %get3A_1318 : vector<16xf32>
      %broadcast_in_dim3A_1320 = arith.constant true
      %broadcast_in_dim3A_1321 = vector.broadcast %broadcast_in_dim3A_1320 : i1 to vector<16xi1>
      %masked_cumsum3A_1322 = tpu.scan <sum>, %mul3A_1319 masked %broadcast_in_dim3A_1321 : vector<16xf32>, vector<16xi1> -> vector<16xf32>
      %swap3A_1323 = arith.index_cast %add3A_1302 : i32 to index
      %swap3A_1324 = arith.constant 0 : index
      %swap3A_1325 = tpu.vector_load %arg17[%swap3A_1323, %swap3A_1324] {strides = array<i32>} : memref<512x16xf32, #tpu.memory_space<vmem>>, vector<16xf32>,
      tpu.vector_store %arg17[%swap3A_1323, %swap3A_1324], %masked_cumsum3A_1322 {strides = array<i32>} : memref<512x16xf32, #tpu.memory_space<vmem>>, vector<16xf32>,
    }
    %scan3A_469 = arith.constant 64 : i32
    %iota3A = tpu.iota {dimensions = array<i32: 0>} : vector<16xi32>
    %broadcast_in_dim3A = arith.constant 15 : i32
    %broadcast_in_dim3A_470 = vector.broadcast %broadcast_in_dim3A : i32 to vector<16xi32>
    %get3A = arith.constant 0 : index
    %get3A_471 = tpu.vector_load %arg21[%get3A] {strides = array<i32>} : memref<16xf32, #tpu.memory_space<vmem>>, vector<16xf32>,
    %add3A_472 = arith.constant 0 : i32
    %add3A_473 = vector.broadcast %add3A_472 : i32 to vector<16xi32>
    %add3A_474 = arith.addi %iota3A, %add3A_473 : vector<16xi32>
    %gather3A = tpu.vector_load_idx %arg16[%add3A_474, %broadcast_in_dim3A_470] : memref<512x16xf32, #tpu.memory_space<vmem>>[vector<16xi32>, vector<16xi32>], vector<16xf32>,
    %gather3A_475 = tpu.vector_load_idx %arg17[%add3A_474, %broadcast_in_dim3A_470] : memref<512x16xf32, #tpu.memory_space<vmem>>[vector<16xi32>, vector<16xi32>], vector<16xf32>,
    %get3A_476 = arith.constant 0 : index
    %get3A_477 = tpu.vector_load %arg18[%get3A_476] {strides = array<i32>} : memref<512xf32, #tpu.memory_space<vmem>>, vector<16xf32>,
    %add3A_478 = arith.addf %get3A_477, %get3A_471 : vector<16xf32>
    %get3A_479 = arith.constant 0 : index
    %get3A_480 = tpu.vector_load %arg19[%get3A_479] {strides = array<i32>} : memref<512xf32, #tpu.memory_space<vmem>>, vector<16xf32>,
    %add3A_481 = arith.addf %add3A_478, %get3A_480 : vector<16xf32>
    %add3A_482 = arith.addf %gather3A, %add3A_481 : vector<16xf32>
    %swap3A = arith.constant 0 : index
    %swap3A_483 = tpu.vector_load %arg22[%swap3A] {strides = array<i32>} : memref<512xf32, #tpu.memory_space<vmem>>, vector<16xf32>,
    tpu.vector_store %arg22[%swap3A], %add3A_482 {strides = array<i32>} : memref<512xf32, #tpu.memory_space<vmem>>, vector<16xf32>,
    %get3A_484 = arith.constant 0 : index
    %get3A_485 = tpu.vector_load %arg20[%get3A_484] {strides = array<i32>} : memref<512xf32, #tpu.memory_space<vmem>>, vector<16xf32>,
    %add3A_486 = arith.addf %add3A_478, %get3A_485 : vector<16xf32>
    %add3A_487 = arith.addf %gather3A_475, %add3A_486 : vector<16xf32>
    %swap3A_488 = arith.constant 0 : index
    %swap3A_489 = tpu.vector_load %arg23[%swap3A_488] {strides = array<i32>} : memref<512xf32, #tpu.memory_space<vmem>>, vector<16xf32>,
    tpu.vector_store %arg23[%swap3A_488], %add3A_487 {strides = array<i32>} : memref<512xf32, #tpu.memory_space<vmem>>, vector<16xf32>,
    %add3A_490 = arith.constant 16 : i32
    %add3A_491 = vector.broadcast %add3A_490 : i32 to vector<16xi32>
    %add3A_492 = arith.addi %iota3A, %add3A_491 : vector<16xi32>
    %gather3A_493 = tpu.vector_load_idx %arg16[%add3A_492, %broadcast_in_dim3A_470] : memref<512x16xf32, #tpu.memory_space<vmem>>[vector<16xi32>, vector<16xi32>], vector<16xf32>,
    %gather3A_494 = tpu.vector_load_idx %arg17[%add3A_492, %broadcast_in_dim3A_470] : memref<512x16xf32, #tpu.memory_space<vmem>>[vector<16xi32>, vector<16xi32>], vector<16xf32>,
    %get3A_495 = arith.constant 16 : index
    %get3A_496 = tpu.vector_load %arg18[%get3A_495] {strides = array<i32>} : memref<512xf32, #tpu.memory_space<vmem>>, vector<16xf32>,
    %add3A_497 = arith.addf %get3A_496, %get3A_471 : vector<16xf32>
    %get3A_498 = arith.constant 16 : index
    %get3A_499 = tpu.vector_load %arg19[%get3A_498] {strides = array<i32>} : memref<512xf32, #tpu.memory_space<vmem>>, vector<16xf32>,
    %add3A_500 = arith.addf %add3A_497, %get3A_499 : vector<16xf32>
    %add3A_501 = arith.addf %gather3A_493, %add3A_500 : vector<16xf32>
    %swap3A_502 = arith.constant 16 : index
    %swap3A_503 = tpu.vector_load %arg22[%swap3A_502] {strides = array<i32>} : memref<512xf32, #tpu.memory_space<vmem>>, vector<16xf32>,
    tpu.vector_store %arg22[%swap3A_502], %add3A_501 {strides = array<i32>} : memref<512xf32, #tpu.memory_space<vmem>>, vector<16xf32>,
    %get3A_504 = arith.constant 16 : index
    %get3A_505 = tpu.vector_load %arg20[%get3A_504] {strides = array<i32>} : memref<512xf32, #tpu.memory_space<vmem>>, vector<16xf32>,
    %add3A_506 = arith.addf %add3A_497, %get3A_505 : vector<16xf32>
    %add3A_507 = arith.addf %gather3A_494, %add3A_506 : vector<16xf32>
    %swap3A_508 = arith.constant 16 : index
    %swap3A_509 = tpu.vector_load %arg23[%swap3A_508] {strides = array<i32>} : memref<512xf32, #tpu.memory_space<vmem>>, vector<16xf32>,
    tpu.vector_store %arg23[%swap3A_508], %add3A_507 {strides = array<i32>} : memref<512xf32, #tpu.memory_space<vmem>>, vector<16xf32>,
    %add3A_510 = arith.constant 32 : i32
    %add3A_511 = vector.broadcast %add3A_510 : i32 to vector<16xi32>
    %add3A_512 = arith.addi %iota3A, %add3A_511 : vector<16xi32>
    %gather3A_513 = tpu.vector_load_idx %arg16[%add3A_512, %broadcast_in_dim3A_470] : memref<512x16xf32, #tpu.memory_space<vmem>>[vector<16xi32>, vector<16xi32>], vector<16xf32>,
    %gather3A_514 = tpu.vector_load_idx %arg17[%add3A_512, %broadcast_in_dim3A_470] : memref<512x16xf32, #tpu.memory_space<vmem>>[vector<16xi32>, vector<16xi32>], vector<16xf32>,
    %get3A_515 = arith.constant 32 : index
    %get3A_516 = tpu.vector_load %arg18[%get3A_515] {strides = array<i32>} : memref<512xf32, #tpu.memory_space<vmem>>, vector<16xf32>,
    %add3A_517 = arith.addf %get3A_516, %get3A_471 : vector<16xf32>
    %get3A_518 = arith.constant 32 : index
    %get3A_519 = tpu.vector_load %arg19[%get3A_518] {strides = array<i32>} : memref<512xf32, #tpu.memory_space<vmem>>, vector<16xf32>,
    %add3A_520 = arith.addf %add3A_517, %get3A_519 : vector<16xf32>
    %add3A_521 = arith.addf %gather3A_513, %add3A_520 : vector<16xf32>
    %swap3A_522 = arith.constant 32 : index
    %swap3A_523 = tpu.vector_load %arg22[%swap3A_522] {strides = array<i32>} : memref<512xf32, #tpu.memory_space<vmem>>, vector<16xf32>,
    tpu.vector_store %arg22[%swap3A_522], %add3A_521 {strides = array<i32>} : memref<512xf32, #tpu.memory_space<vmem>>, vector<16xf32>,
    %get3A_524 = arith.constant 32 : index
    %get3A_525 = tpu.vector_load %arg20[%get3A_524] {strides = array<i32>} : memref<512xf32, #tpu.memory_space<vmem>>, vector<16xf32>,
    %add3A_526 = arith.addf %add3A_517, %get3A_525 : vector<16xf32>
    %add3A_527 = arith.addf %gather3A_514, %add3A_526 : vector<16xf32>
    %swap3A_528 = arith.constant 32 : index
    %swap3A_529 = tpu.vector_load %arg23[%swap3A_528] {strides = array<i32>} : memref<512xf32, #tpu.memory_space<vmem>>, vector<16xf32>,
    tpu.vector_store %arg23[%swap3A_528], %add3A_527 {strides = array<i32>} : memref<512xf32, #tpu.memory_space<vmem>>, vector<16xf32>,
    %add3A_530 = arith.constant 48 : i32
    %add3A_531 = vector.broadcast %add3A_530 : i32 to vector<16xi32>
    %add3A_532 = arith.addi %iota3A, %add3A_531 : vector<16xi32>
    %gather3A_533 = tpu.vector_load_idx %arg16[%add3A_532, %broadcast_in_dim3A_470] : memref<512x16xf32, #tpu.memory_space<vmem>>[vector<16xi32>, vector<16xi32>], vector<16xf32>,
    %gather3A_534 = tpu.vector_load_idx %arg17[%add3A_532, %broadcast_in_dim3A_470] : memref<512x16xf32, #tpu.memory_space<vmem>>[vector<16xi32>, vector<16xi32>], vector<16xf32>,
    %get3A_535 = arith.constant 48 : index
    %get3A_536 = tpu.vector_load %arg18[%get3A_535] {strides = array<i32>} : memref<512xf32, #tpu.memory_space<vmem>>, vector<16xf32>,
    %add3A_537 = arith.addf %get3A_536, %get3A_471 : vector<16xf32>
    %get3A_538 = arith.constant 48 : index
    %get3A_539 = tpu.vector_load %arg19[%get3A_538] {strides = array<i32>} : memref<512xf32, #tpu.memory_space<vmem>>, vector<16xf32>,
    %add3A_540 = arith.addf %add3A_537, %get3A_539 : vector<16xf32>
    %add3A_541 = arith.addf %gather3A_533, %add3A_540 : vector<16xf32>
    %swap3A_542 = arith.constant 48 : index
    %swap3A_543 = tpu.vector_load %arg22[%swap3A_542] {strides = array<i32>} : memref<512xf32, #tpu.memory_space<vmem>>, vector<16xf32>,
    tpu.vector_store %arg22[%swap3A_542], %add3A_541 {strides = array<i32>} : memref<512xf32, #tpu.memory_space<vmem>>, vector<16xf32>,
    %get3A_544 = arith.constant 48 : index
    %get3A_545 = tpu.vector_load %arg20[%get3A_544] {strides = array<i32>} : memref<512xf32, #tpu.memory_space<vmem>>, vector<16xf32>,
    %add3A_546 = arith.addf %add3A_537, %get3A_545 : vector<16xf32>
    %add3A_547 = arith.addf %gather3A_534, %add3A_546 : vector<16xf32>
    %swap3A_548 = arith.constant 48 : index
    %swap3A_549 = tpu.vector_load %arg23[%swap3A_548] {strides = array<i32>} : memref<512xf32, #tpu.memory_space<vmem>>, vector<16xf32>,
    tpu.vector_store %arg23[%swap3A_548], %add3A_547 {strides = array<i32>} : memref<512xf32, #tpu.memory_space<vmem>>, vector<16xf32>,
    %add3A_550 = arith.constant 64 : i32
    %add3A_551 = vector.broadcast %add3A_550 : i32 to vector<16xi32>
    %add3A_552 = arith.addi %iota3A, %add3A_551 : vector<16xi32>
    %gather3A_553 = tpu.vector_load_idx %arg16[%add3A_552, %broadcast_in_dim3A_470] : memref<512x16xf32, #tpu.memory_space<vmem>>[vector<16xi32>, vector<16xi32>], vector<16xf32>,
    %gather3A_554 = tpu.vector_load_idx %arg17[%add3A_552, %broadcast_in_dim3A_470] : memref<512x16xf32, #tpu.memory_space<vmem>>[vector<16xi32>, vector<16xi32>], vector<16xf32>,
    %get3A_555 = arith.constant 64 : index
    %get3A_556 = tpu.vector_load %arg18[%get3A_555] {strides = array<i32>} : memref<512xf32, #tpu.memory_space<vmem>>, vector<16xf32>,
    %add3A_557 = arith.addf %get3A_556, %get3A_471 : vector<16xf32>
    %get3A_558 = arith.constant 64 : index
    %get3A_559 = tpu.vector_load %arg19[%get3A_558] {strides = array<i32>} : memref<512xf32, #tpu.memory_space<vmem>>, vector<16xf32>,
    %add3A_560 = arith.addf %add3A_557, %get3A_559 : vector<16xf32>
    %add3A_561 = arith.addf %gather3A_553, %add3A_560 : vector<16xf32>
    %swap3A_562 = arith.constant 64 : index
    %swap3A_563 = tpu.vector_load %arg22[%swap3A_562] {strides = array<i32>} : memref<512xf32, #tpu.memory_space<vmem>>, vector<16xf32>,
    tpu.vector_store %arg22[%swap3A_562], %add3A_561 {strides = array<i32>} : memref<512xf32, #tpu.memory_space<vmem>>, vector<16xf32>,
    %get3A_564 = arith.constant 64 : index
    %get3A_565 = tpu.vector_load %arg20[%get3A_564] {strides = array<i32>} : memref<512xf32, #tpu.memory_space<vmem>>, vector<16xf32>,
    %add3A_566 = arith.addf %add3A_557, %get3A_565 : vector<16xf32>
    %add3A_567 = arith.addf %gather3A_554, %add3A_566 : vector<16xf32>
    %swap3A_568 = arith.constant 64 : index
    %swap3A_569 = tpu.vector_load %arg23[%swap3A_568] {strides = array<i32>} : memref<512xf32, #tpu.memory_space<vmem>>, vector<16xf32>,
    tpu.vector_store %arg23[%swap3A_568], %add3A_567 {strides = array<i32>} : memref<512xf32, #tpu.memory_space<vmem>>, vector<16xf32>,
    %add3A_570 = arith.constant 80 : i32
    %add3A_571 = vector.broadcast %add3A_570 : i32 to vector<16xi32>
    %add3A_572 = arith.addi %iota3A, %add3A_571 : vector<16xi32>
    %gather3A_573 = tpu.vector_load_idx %arg16[%add3A_572, %broadcast_in_dim3A_470] : memref<512x16xf32, #tpu.memory_space<vmem>>[vector<16xi32>, vector<16xi32>], vector<16xf32>,
    %gather3A_574 = tpu.vector_load_idx %arg17[%add3A_572, %broadcast_in_dim3A_470] : memref<512x16xf32, #tpu.memory_space<vmem>>[vector<16xi32>, vector<16xi32>], vector<16xf32>,
    %get3A_575 = arith.constant 80 : index
    %get3A_576 = tpu.vector_load %arg18[%get3A_575] {strides = array<i32>} : memref<512xf32, #tpu.memory_space<vmem>>, vector<16xf32>,
    %add3A_577 = arith.addf %get3A_576, %get3A_471 : vector<16xf32>
    %get3A_578 = arith.constant 80 : index
    %get3A_579 = tpu.vector_load %arg19[%get3A_578] {strides = array<i32>} : memref<512xf32, #tpu.memory_space<vmem>>, vector<16xf32>,
    %add3A_580 = arith.addf %add3A_577, %get3A_579 : vector<16xf32>
    %add3A_581 = arith.addf %gather3A_573, %add3A_580 : vector<16xf32>
    %swap3A_582 = arith.constant 80 : index
    %swap3A_583 = tpu.vector_load %arg22[%swap3A_582] {strides = array<i32>} : memref<512xf32, #tpu.memory_space<vmem>>, vector<16xf32>,
    tpu.vector_store %arg22[%swap3A_582], %add3A_581 {strides = array<i32>} : memref<512xf32, #tpu.memory_space<vmem>>, vector<16xf32>,
    %get3A_584 = arith.constant 80 : index
    %get3A_585 = tpu.vector_load %arg20[%get3A_584] {strides = array<i32>} : memref<512xf32, #tpu.memory_space<vmem>>, vector<16xf32>,
    %add3A_586 = arith.addf %add3A_577, %get3A_585 : vector<16xf32>
    %add3A_587 = arith.addf %gather3A_574, %add3A_586 : vector<16xf32>
    %swap3A_588 = arith.constant 80 : index
    %swap3A_589 = tpu.vector_load %arg23[%swap3A_588] {strides = array<i32>} : memref<512xf32, #tpu.memory_space<vmem>>, vector<16xf32>,
    tpu.vector_store %arg23[%swap3A_588], %add3A_587 {strides = array<i32>} : memref<512xf32, #tpu.memory_space<vmem>>, vector<16xf32>,
    %add3A_590 = arith.constant 96 : i32
    %add3A_591 = vector.broadcast %add3A_590 : i32 to vector<16xi32>
    %add3A_592 = arith.addi %iota3A, %add3A_591 : vector<16xi32>
    %gather3A_593 = tpu.vector_load_idx %arg16[%add3A_592, %broadcast_in_dim3A_470] : memref<512x16xf32, #tpu.memory_space<vmem>>[vector<16xi32>, vector<16xi32>], vector<16xf32>,
    %gather3A_594 = tpu.vector_load_idx %arg17[%add3A_592, %broadcast_in_dim3A_470] : memref<512x16xf32, #tpu.memory_space<vmem>>[vector<16xi32>, vector<16xi32>], vector<16xf32>,
    %get3A_595 = arith.constant 96 : index
    %get3A_596 = tpu.vector_load %arg18[%get3A_595] {strides = array<i32>} : memref<512xf32, #tpu.memory_space<vmem>>, vector<16xf32>,
    %add3A_597 = arith.addf %get3A_596, %get3A_471 : vector<16xf32>
    %get3A_598 = arith.constant 96 : index
    %get3A_599 = tpu.vector_load %arg19[%get3A_598] {strides = array<i32>} : memref<512xf32, #tpu.memory_space<vmem>>, vector<16xf32>,
    %add3A_600 = arith.addf %add3A_597, %get3A_599 : vector<16xf32>
    %add3A_601 = arith.addf %gather3A_593, %add3A_600 : vector<16xf32>
    %swap3A_602 = arith.constant 96 : index
    %swap3A_603 = tpu.vector_load %arg22[%swap3A_602] {strides = array<i32>} : memref<512xf32, #tpu.memory_space<vmem>>, vector<16xf32>,
    tpu.vector_store %arg22[%swap3A_602], %add3A_601 {strides = array<i32>} : memref<512xf32, #tpu.memory_space<vmem>>, vector<16xf32>,
    %get3A_604 = arith.constant 96 : index
    %get3A_605 = tpu.vector_load %arg20[%get3A_604] {strides = array<i32>} : memref<512xf32, #tpu.memory_space<vmem>>, vector<16xf32>,
    %add3A_606 = arith.addf %add3A_597, %get3A_605 : vector<16xf32>
    %add3A_607 = arith.addf %gather3A_594, %add3A_606 : vector<16xf32>
    %swap3A_608 = arith.constant 96 : index
    %swap3A_609 = tpu.vector_load %arg23[%swap3A_608] {strides = array<i32>} : memref<512xf32, #tpu.memory_space<vmem>>, vector<16xf32>,
    tpu.vector_store %arg23[%swap3A_608], %add3A_607 {strides = array<i32>} : memref<512xf32, #tpu.memory_space<vmem>>, vector<16xf32>,
    %add3A_610 = arith.constant 112 : i32
    %add3A_611 = vector.broadcast %add3A_610 : i32 to vector<16xi32>
    %add3A_612 = arith.addi %iota3A, %add3A_611 : vector<16xi32>
    %gather3A_613 = tpu.vector_load_idx %arg16[%add3A_612, %broadcast_in_dim3A_470] : memref<512x16xf32, #tpu.memory_space<vmem>>[vector<16xi32>, vector<16xi32>], vector<16xf32>,
    %gather3A_614 = tpu.vector_load_idx %arg17[%add3A_612, %broadcast_in_dim3A_470] : memref<512x16xf32, #tpu.memory_space<vmem>>[vector<16xi32>, vector<16xi32>], vector<16xf32>,
    %get3A_615 = arith.constant 112 : index
    %get3A_616 = tpu.vector_load %arg18[%get3A_615] {strides = array<i32>} : memref<512xf32, #tpu.memory_space<vmem>>, vector<16xf32>,
    %add3A_617 = arith.addf %get3A_616, %get3A_471 : vector<16xf32>
    %get3A_618 = arith.constant 112 : index
    %get3A_619 = tpu.vector_load %arg19[%get3A_618] {strides = array<i32>} : memref<512xf32, #tpu.memory_space<vmem>>, vector<16xf32>,
    %add3A_620 = arith.addf %add3A_617, %get3A_619 : vector<16xf32>
    %add3A_621 = arith.addf %gather3A_613, %add3A_620 : vector<16xf32>
    %swap3A_622 = arith.constant 112 : index
    %swap3A_623 = tpu.vector_load %arg22[%swap3A_622] {strides = array<i32>} : memref<512xf32, #tpu.memory_space<vmem>>, vector<16xf32>,
    tpu.vector_store %arg22[%swap3A_622], %add3A_621 {strides = array<i32>} : memref<512xf32, #tpu.memory_space<vmem>>, vector<16xf32>,
    %get3A_624 = arith.constant 112 : index
    %get3A_625 = tpu.vector_load %arg20[%get3A_624] {strides = array<i32>} : memref<512xf32, #tpu.memory_space<vmem>>, vector<16xf32>,
    %add3A_626 = arith.addf %add3A_617, %get3A_625 : vector<16xf32>
    %add3A_627 = arith.addf %gather3A_614, %add3A_626 : vector<16xf32>
    %swap3A_628 = arith.constant 112 : index
    %swap3A_629 = tpu.vector_load %arg23[%swap3A_628] {strides = array<i32>} : memref<512xf32, #tpu.memory_space<vmem>>, vector<16xf32>,
    tpu.vector_store %arg23[%swap3A_628], %add3A_627 {strides = array<i32>} : memref<512xf32, #tpu.memory_space<vmem>>, vector<16xf32>,
    %add3A_630 = arith.constant 128 : i32
    %add3A_631 = vector.broadcast %add3A_630 : i32 to vector<16xi32>
    %add3A_632 = arith.addi %iota3A, %add3A_631 : vector<16xi32>
    %gather3A_633 = tpu.vector_load_idx %arg16[%add3A_632, %broadcast_in_dim3A_470] : memref<512x16xf32, #tpu.memory_space<vmem>>[vector<16xi32>, vector<16xi32>], vector<16xf32>,
    %gather3A_634 = tpu.vector_load_idx %arg17[%add3A_632, %broadcast_in_dim3A_470] : memref<512x16xf32, #tpu.memory_space<vmem>>[vector<16xi32>, vector<16xi32>], vector<16xf32>,
    %get3A_635 = arith.constant 128 : index
    %get3A_636 = tpu.vector_load %arg18[%get3A_635] {strides = array<i32>} : memref<512xf32, #tpu.memory_space<vmem>>, vector<16xf32>,
    %add3A_637 = arith.addf %get3A_636, %get3A_471 : vector<16xf32>
    %get3A_638 = arith.constant 128 : index
    %get3A_639 = tpu.vector_load %arg19[%get3A_638] {strides = array<i32>} : memref<512xf32, #tpu.memory_space<vmem>>, vector<16xf32>,
    %add3A_640 = arith.addf %add3A_637, %get3A_639 : vector<16xf32>
    %add3A_641 = arith.addf %gather3A_633, %add3A_640 : vector<16xf32>
    %swap3A_642 = arith.constant 128 : index
    %swap3A_643 = tpu.vector_load %arg22[%swap3A_642] {strides = array<i32>} : memref<512xf32, #tpu.memory_space<vmem>>, vector<16xf32>,
    tpu.vector_store %arg22[%swap3A_642], %add3A_641 {strides = array<i32>} : memref<512xf32, #tpu.memory_space<vmem>>, vector<16xf32>,
    %get3A_644 = arith.constant 128 : index
    %get3A_645 = tpu.vector_load %arg20[%get3A_644] {strides = array<i32>} : memref<512xf32, #tpu.memory_space<vmem>>, vector<16xf32>,
    %add3A_646 = arith.addf %add3A_637, %get3A_645 : vector<16xf32>
    %add3A_647 = arith.addf %gather3A_634, %add3A_646 : vector<16xf32>
    %swap3A_648 = arith.constant 128 : index
    %swap3A_649 = tpu.vector_load %arg23[%swap3A_648] {strides = array<i32>} : memref<512xf32, #tpu.memory_space<vmem>>, vector<16xf32>,
    tpu.vector_store %arg23[%swap3A_648], %add3A_647 {strides = array<i32>} : memref<512xf32, #tpu.memory_space<vmem>>, vector<16xf32>,
    %add3A_650 = arith.constant 144 : i32
    %add3A_651 = vector.broadcast %add3A_650 : i32 to vector<16xi32>
    %add3A_652 = arith.addi %iota3A, %add3A_651 : vector<16xi32>
    %gather3A_653 = tpu.vector_load_idx %arg16[%add3A_652, %broadcast_in_dim3A_470] : memref<512x16xf32, #tpu.memory_space<vmem>>[vector<16xi32>, vector<16xi32>], vector<16xf32>,
    %gather3A_654 = tpu.vector_load_idx %arg17[%add3A_652, %broadcast_in_dim3A_470] : memref<512x16xf32, #tpu.memory_space<vmem>>[vector<16xi32>, vector<16xi32>], vector<16xf32>,
    %get3A_655 = arith.constant 144 : index
    %get3A_656 = tpu.vector_load %arg18[%get3A_655] {strides = array<i32>} : memref<512xf32, #tpu.memory_space<vmem>>, vector<16xf32>,
    %add3A_657 = arith.addf %get3A_656, %get3A_471 : vector<16xf32>
    %get3A_658 = arith.constant 144 : index
    %get3A_659 = tpu.vector_load %arg19[%get3A_658] {strides = array<i32>} : memref<512xf32, #tpu.memory_space<vmem>>, vector<16xf32>,
    %add3A_660 = arith.addf %add3A_657, %get3A_659 : vector<16xf32>
    %add3A_661 = arith.addf %gather3A_653, %add3A_660 : vector<16xf32>
    %swap3A_662 = arith.constant 144 : index
    %swap3A_663 = tpu.vector_load %arg22[%swap3A_662] {strides = array<i32>} : memref<512xf32, #tpu.memory_space<vmem>>, vector<16xf32>,
    tpu.vector_store %arg22[%swap3A_662], %add3A_661 {strides = array<i32>} : memref<512xf32, #tpu.memory_space<vmem>>, vector<16xf32>,
    %get3A_664 = arith.constant 144 : index
    %get3A_665 = tpu.vector_load %arg20[%get3A_664] {strides = array<i32>} : memref<512xf32, #tpu.memory_space<vmem>>, vector<16xf32>,
    %add3A_666 = arith.addf %add3A_657, %get3A_665 : vector<16xf32>
    %add3A_667 = arith.addf %gather3A_654, %add3A_666 : vector<16xf32>
    %swap3A_668 = arith.constant 144 : index
    %swap3A_669 = tpu.vector_load %arg23[%swap3A_668] {strides = array<i32>} : memref<512xf32, #tpu.memory_space<vmem>>, vector<16xf32>,
    tpu.vector_store %arg23[%swap3A_668], %add3A_667 {strides = array<i32>} : memref<512xf32, #tpu.memory_space<vmem>>, vector<16xf32>,
    %add3A_670 = arith.constant 160 : i32
    %add3A_671 = vector.broadcast %add3A_670 : i32 to vector<16xi32>
    %add3A_672 = arith.addi %iota3A, %add3A_671 : vector<16xi32>
    %gather3A_673 = tpu.vector_load_idx %arg16[%add3A_672, %broadcast_in_dim3A_470] : memref<512x16xf32, #tpu.memory_space<vmem>>[vector<16xi32>, vector<16xi32>], vector<16xf32>,
    %gather3A_674 = tpu.vector_load_idx %arg17[%add3A_672, %broadcast_in_dim3A_470] : memref<512x16xf32, #tpu.memory_space<vmem>>[vector<16xi32>, vector<16xi32>], vector<16xf32>,
    %get3A_675 = arith.constant 160 : index
    %get3A_676 = tpu.vector_load %arg18[%get3A_675] {strides = array<i32>} : memref<512xf32, #tpu.memory_space<vmem>>, vector<16xf32>,
    %add3A_677 = arith.addf %get3A_676, %get3A_471 : vector<16xf32>
    %get3A_678 = arith.constant 160 : index
    %get3A_679 = tpu.vector_load %arg19[%get3A_678] {strides = array<i32>} : memref<512xf32, #tpu.memory_space<vmem>>, vector<16xf32>,
    %add3A_680 = arith.addf %add3A_677, %get3A_679 : vector<16xf32>
    %add3A_681 = arith.addf %gather3A_673, %add3A_680 : vector<16xf32>
    %swap3A_682 = arith.constant 160 : index
    %swap3A_683 = tpu.vector_load %arg22[%swap3A_682] {strides = array<i32>} : memref<512xf32, #tpu.memory_space<vmem>>, vector<16xf32>,
    tpu.vector_store %arg22[%swap3A_682], %add3A_681 {strides = array<i32>} : memref<512xf32, #tpu.memory_space<vmem>>, vector<16xf32>,
    %get3A_684 = arith.constant 160 : index
    %get3A_685 = tpu.vector_load %arg20[%get3A_684] {strides = array<i32>} : memref<512xf32, #tpu.memory_space<vmem>>, vector<16xf32>,
    %add3A_686 = arith.addf %add3A_677, %get3A_685 : vector<16xf32>
    %add3A_687 = arith.addf %gather3A_674, %add3A_686 : vector<16xf32>
    %swap3A_688 = arith.constant 160 : index
    %swap3A_689 = tpu.vector_load %arg23[%swap3A_688] {strides = array<i32>} : memref<512xf32, #tpu.memory_space<vmem>>, vector<16xf32>,
    tpu.vector_store %arg23[%swap3A_688], %add3A_687 {strides = array<i32>} : memref<512xf32, #tpu.memory_space<vmem>>, vector<16xf32>,
    %add3A_690 = arith.constant 176 : i32
    %add3A_691 = vector.broadcast %add3A_690 : i32 to vector<16xi32>
    %add3A_692 = arith.addi %iota3A, %add3A_691 : vector<16xi32>
    %gather3A_693 = tpu.vector_load_idx %arg16[%add3A_692, %broadcast_in_dim3A_470] : memref<512x16xf32, #tpu.memory_space<vmem>>[vector<16xi32>, vector<16xi32>], vector<16xf32>,
    %gather3A_694 = tpu.vector_load_idx %arg17[%add3A_692, %broadcast_in_dim3A_470] : memref<512x16xf32, #tpu.memory_space<vmem>>[vector<16xi32>, vector<16xi32>], vector<16xf32>,
    %get3A_695 = arith.constant 176 : index
    %get3A_696 = tpu.vector_load %arg18[%get3A_695] {strides = array<i32>} : memref<512xf32, #tpu.memory_space<vmem>>, vector<16xf32>,
    %add3A_697 = arith.addf %get3A_696, %get3A_471 : vector<16xf32>
    %get3A_698 = arith.constant 176 : index
    %get3A_699 = tpu.vector_load %arg19[%get3A_698] {strides = array<i32>} : memref<512xf32, #tpu.memory_space<vmem>>, vector<16xf32>,
    %add3A_700 = arith.addf %add3A_697, %get3A_699 : vector<16xf32>
    %add3A_701 = arith.addf %gather3A_693, %add3A_700 : vector<16xf32>
    %swap3A_702 = arith.constant 176 : index
    %swap3A_703 = tpu.vector_load %arg22[%swap3A_702] {strides = array<i32>} : memref<512xf32, #tpu.memory_space<vmem>>, vector<16xf32>,
    tpu.vector_store %arg22[%swap3A_702], %add3A_701 {strides = array<i32>} : memref<512xf32, #tpu.memory_space<vmem>>, vector<16xf32>,
    %get3A_704 = arith.constant 176 : index
    %get3A_705 = tpu.vector_load %arg20[%get3A_704] {strides = array<i32>} : memref<512xf32, #tpu.memory_space<vmem>>, vector<16xf32>,
    %add3A_706 = arith.addf %add3A_697, %get3A_705 : vector<16xf32>
    %add3A_707 = arith.addf %gather3A_694, %add3A_706 : vector<16xf32>
    %swap3A_708 = arith.constant 176 : index
    %swap3A_709 = tpu.vector_load %arg23[%swap3A_708] {strides = array<i32>} : memref<512xf32, #tpu.memory_space<vmem>>, vector<16xf32>,
    tpu.vector_store %arg23[%swap3A_708], %add3A_707 {strides = array<i32>} : memref<512xf32, #tpu.memory_space<vmem>>, vector<16xf32>,
    %add3A_710 = arith.constant 192 : i32
    %add3A_711 = vector.broadcast %add3A_710 : i32 to vector<16xi32>
    %add3A_712 = arith.addi %iota3A, %add3A_711 : vector<16xi32>
    %gather3A_713 = tpu.vector_load_idx %arg16[%add3A_712, %broadcast_in_dim3A_470] : memref<512x16xf32, #tpu.memory_space<vmem>>[vector<16xi32>, vector<16xi32>], vector<16xf32>,
    %gather3A_714 = tpu.vector_load_idx %arg17[%add3A_712, %broadcast_in_dim3A_470] : memref<512x16xf32, #tpu.memory_space<vmem>>[vector<16xi32>, vector<16xi32>], vector<16xf32>,
    %get3A_715 = arith.constant 192 : index
    %get3A_716 = tpu.vector_load %arg18[%get3A_715] {strides = array<i32>} : memref<512xf32, #tpu.memory_space<vmem>>, vector<16xf32>,
    %add3A_717 = arith.addf %get3A_716, %get3A_471 : vector<16xf32>
    %get3A_718 = arith.constant 192 : index
    %get3A_719 = tpu.vector_load %arg19[%get3A_718] {strides = array<i32>} : memref<512xf32, #tpu.memory_space<vmem>>, vector<16xf32>,
    %add3A_720 = arith.addf %add3A_717, %get3A_719 : vector<16xf32>
    %add3A_721 = arith.addf %gather3A_713, %add3A_720 : vector<16xf32>
    %swap3A_722 = arith.constant 192 : index
    %swap3A_723 = tpu.vector_load %arg22[%swap3A_722] {strides = array<i32>} : memref<512xf32, #tpu.memory_space<vmem>>, vector<16xf32>,
    tpu.vector_store %arg22[%swap3A_722], %add3A_721 {strides = array<i32>} : memref<512xf32, #tpu.memory_space<vmem>>, vector<16xf32>,
    %get3A_724 = arith.constant 192 : index
    %get3A_725 = tpu.vector_load %arg20[%get3A_724] {strides = array<i32>} : memref<512xf32, #tpu.memory_space<vmem>>, vector<16xf32>,
    %add3A_726 = arith.addf %add3A_717, %get3A_725 : vector<16xf32>
    %add3A_727 = arith.addf %gather3A_714, %add3A_726 : vector<16xf32>
    %swap3A_728 = arith.constant 192 : index
    %swap3A_729 = tpu.vector_load %arg23[%swap3A_728] {strides = array<i32>} : memref<512xf32, #tpu.memory_space<vmem>>, vector<16xf32>,
    tpu.vector_store %arg23[%swap3A_728], %add3A_727 {strides = array<i32>} : memref<512xf32, #tpu.memory_space<vmem>>, vector<16xf32>,
    %add3A_730 = arith.constant 208 : i32
    %add3A_731 = vector.broadcast %add3A_730 : i32 to vector<16xi32>
    %add3A_732 = arith.addi %iota3A, %add3A_731 : vector<16xi32>
    %gather3A_733 = tpu.vector_load_idx %arg16[%add3A_732, %broadcast_in_dim3A_470] : memref<512x16xf32, #tpu.memory_space<vmem>>[vector<16xi32>, vector<16xi32>], vector<16xf32>,
    %gather3A_734 = tpu.vector_load_idx %arg17[%add3A_732, %broadcast_in_dim3A_470] : memref<512x16xf32, #tpu.memory_space<vmem>>[vector<16xi32>, vector<16xi32>], vector<16xf32>,
    %get3A_735 = arith.constant 208 : index
    %get3A_736 = tpu.vector_load %arg18[%get3A_735] {strides = array<i32>} : memref<512xf32, #tpu.memory_space<vmem>>, vector<16xf32>,
    %add3A_737 = arith.addf %get3A_736, %get3A_471 : vector<16xf32>
    %get3A_738 = arith.constant 208 : index
    %get3A_739 = tpu.vector_load %arg19[%get3A_738] {strides = array<i32>} : memref<512xf32, #tpu.memory_space<vmem>>, vector<16xf32>,
    %add3A_740 = arith.addf %add3A_737, %get3A_739 : vector<16xf32>
    %add3A_741 = arith.addf %gather3A_733, %add3A_740 : vector<16xf32>
    %swap3A_742 = arith.constant 208 : index
    %swap3A_743 = tpu.vector_load %arg22[%swap3A_742] {strides = array<i32>} : memref<512xf32, #tpu.memory_space<vmem>>, vector<16xf32>,
    tpu.vector_store %arg22[%swap3A_742], %add3A_741 {strides = array<i32>} : memref<512xf32, #tpu.memory_space<vmem>>, vector<16xf32>,
    %get3A_744 = arith.constant 208 : index
    %get3A_745 = tpu.vector_load %arg20[%get3A_744] {strides = array<i32>} : memref<512xf32, #tpu.memory_space<vmem>>, vector<16xf32>,
    %add3A_746 = arith.addf %add3A_737, %get3A_745 : vector<16xf32>
    %add3A_747 = arith.addf %gather3A_734, %add3A_746 : vector<16xf32>
    %swap3A_748 = arith.constant 208 : index
    %swap3A_749 = tpu.vector_load %arg23[%swap3A_748] {strides = array<i32>} : memref<512xf32, #tpu.memory_space<vmem>>, vector<16xf32>,
    tpu.vector_store %arg23[%swap3A_748], %add3A_747 {strides = array<i32>} : memref<512xf32, #tpu.memory_space<vmem>>, vector<16xf32>,
    %add3A_750 = arith.constant 224 : i32
    %add3A_751 = vector.broadcast %add3A_750 : i32 to vector<16xi32>
    %add3A_752 = arith.addi %iota3A, %add3A_751 : vector<16xi32>
    %gather3A_753 = tpu.vector_load_idx %arg16[%add3A_752, %broadcast_in_dim3A_470] : memref<512x16xf32, #tpu.memory_space<vmem>>[vector<16xi32>, vector<16xi32>], vector<16xf32>,
    %gather3A_754 = tpu.vector_load_idx %arg17[%add3A_752, %broadcast_in_dim3A_470] : memref<512x16xf32, #tpu.memory_space<vmem>>[vector<16xi32>, vector<16xi32>], vector<16xf32>,
    %get3A_755 = arith.constant 224 : index
    %get3A_756 = tpu.vector_load %arg18[%get3A_755] {strides = array<i32>} : memref<512xf32, #tpu.memory_space<vmem>>, vector<16xf32>,
    %add3A_757 = arith.addf %get3A_756, %get3A_471 : vector<16xf32>
    %get3A_758 = arith.constant 224 : index
    %get3A_759 = tpu.vector_load %arg19[%get3A_758] {strides = array<i32>} : memref<512xf32, #tpu.memory_space<vmem>>, vector<16xf32>,
    %add3A_760 = arith.addf %add3A_757, %get3A_759 : vector<16xf32>
    %add3A_761 = arith.addf %gather3A_753, %add3A_760 : vector<16xf32>
    %swap3A_762 = arith.constant 224 : index
    %swap3A_763 = tpu.vector_load %arg22[%swap3A_762] {strides = array<i32>} : memref<512xf32, #tpu.memory_space<vmem>>, vector<16xf32>,
    tpu.vector_store %arg22[%swap3A_762], %add3A_761 {strides = array<i32>} : memref<512xf32, #tpu.memory_space<vmem>>, vector<16xf32>,
    %get3A_764 = arith.constant 224 : index
    %get3A_765 = tpu.vector_load %arg20[%get3A_764] {strides = array<i32>} : memref<512xf32, #tpu.memory_space<vmem>>, vector<16xf32>,
    %add3A_766 = arith.addf %add3A_757, %get3A_765 : vector<16xf32>
    %add3A_767 = arith.addf %gather3A_754, %add3A_766 : vector<16xf32>
    %swap3A_768 = arith.constant 224 : index
    %swap3A_769 = tpu.vector_load %arg23[%swap3A_768] {strides = array<i32>} : memref<512xf32, #tpu.memory_space<vmem>>, vector<16xf32>,
    tpu.vector_store %arg23[%swap3A_768], %add3A_767 {strides = array<i32>} : memref<512xf32, #tpu.memory_space<vmem>>, vector<16xf32>,
    %add3A_770 = arith.constant 240 : i32
    %add3A_771 = vector.broadcast %add3A_770 : i32 to vector<16xi32>
    %add3A_772 = arith.addi %iota3A, %add3A_771 : vector<16xi32>
    %gather3A_773 = tpu.vector_load_idx %arg16[%add3A_772, %broadcast_in_dim3A_470] : memref<512x16xf32, #tpu.memory_space<vmem>>[vector<16xi32>, vector<16xi32>], vector<16xf32>,
    %gather3A_774 = tpu.vector_load_idx %arg17[%add3A_772, %broadcast_in_dim3A_470] : memref<512x16xf32, #tpu.memory_space<vmem>>[vector<16xi32>, vector<16xi32>], vector<16xf32>,
    %get3A_775 = arith.constant 240 : index
    %get3A_776 = tpu.vector_load %arg18[%get3A_775] {strides = array<i32>} : memref<512xf32, #tpu.memory_space<vmem>>, vector<16xf32>,
    %add3A_777 = arith.addf %get3A_776, %get3A_471 : vector<16xf32>
    %get3A_778 = arith.constant 240 : index
    %get3A_779 = tpu.vector_load %arg19[%get3A_778] {strides = array<i32>} : memref<512xf32, #tpu.memory_space<vmem>>, vector<16xf32>,
    %add3A_780 = arith.addf %add3A_777, %get3A_779 : vector<16xf32>
    %add3A_781 = arith.addf %gather3A_773, %add3A_780 : vector<16xf32>
    %swap3A_782 = arith.constant 240 : index
    %swap3A_783 = tpu.vector_load %arg22[%swap3A_782] {strides = array<i32>} : memref<512xf32, #tpu.memory_space<vmem>>, vector<16xf32>,
    tpu.vector_store %arg22[%swap3A_782], %add3A_781 {strides = array<i32>} : memref<512xf32, #tpu.memory_space<vmem>>, vector<16xf32>,
    %get3A_784 = arith.constant 240 : index
    %get3A_785 = tpu.vector_load %arg20[%get3A_784] {strides = array<i32>} : memref<512xf32, #tpu.memory_space<vmem>>, vector<16xf32>,
    %add3A_786 = arith.addf %add3A_777, %get3A_785 : vector<16xf32>
    %add3A_787 = arith.addf %gather3A_774, %add3A_786 : vector<16xf32>
    %swap3A_788 = arith.constant 240 : index
    %swap3A_789 = tpu.vector_load %arg23[%swap3A_788] {strides = array<i32>} : memref<512xf32, #tpu.memory_space<vmem>>, vector<16xf32>,
    tpu.vector_store %arg23[%swap3A_788], %add3A_787 {strides = array<i32>} : memref<512xf32, #tpu.memory_space<vmem>>, vector<16xf32>,
    %add3A_790 = arith.constant 256 : i32
    %add3A_791 = vector.broadcast %add3A_790 : i32 to vector<16xi32>
    %add3A_792 = arith.addi %iota3A, %add3A_791 : vector<16xi32>
    %gather3A_793 = tpu.vector_load_idx %arg16[%add3A_792, %broadcast_in_dim3A_470] : memref<512x16xf32, #tpu.memory_space<vmem>>[vector<16xi32>, vector<16xi32>], vector<16xf32>,
    %gather3A_794 = tpu.vector_load_idx %arg17[%add3A_792, %broadcast_in_dim3A_470] : memref<512x16xf32, #tpu.memory_space<vmem>>[vector<16xi32>, vector<16xi32>], vector<16xf32>,
    %get3A_795 = arith.constant 256 : index
    %get3A_796 = tpu.vector_load %arg18[%get3A_795] {strides = array<i32>} : memref<512xf32, #tpu.memory_space<vmem>>, vector<16xf32>,
    %add3A_797 = arith.addf %get3A_796, %get3A_471 : vector<16xf32>
    %get3A_798 = arith.constant 256 : index
    %get3A_799 = tpu.vector_load %arg19[%get3A_798] {strides = array<i32>} : memref<512xf32, #tpu.memory_space<vmem>>, vector<16xf32>,
    %add3A_800 = arith.addf %add3A_797, %get3A_799 : vector<16xf32>
    %add3A_801 = arith.addf %gather3A_793, %add3A_800 : vector<16xf32>
    %swap3A_802 = arith.constant 256 : index
    %swap3A_803 = tpu.vector_load %arg22[%swap3A_802] {strides = array<i32>} : memref<512xf32, #tpu.memory_space<vmem>>, vector<16xf32>,
    tpu.vector_store %arg22[%swap3A_802], %add3A_801 {strides = array<i32>} : memref<512xf32, #tpu.memory_space<vmem>>, vector<16xf32>,
    %get3A_804 = arith.constant 256 : index
    %get3A_805 = tpu.vector_load %arg20[%get3A_804] {strides = array<i32>} : memref<512xf32, #tpu.memory_space<vmem>>, vector<16xf32>,
    %add3A_806 = arith.addf %add3A_797, %get3A_805 : vector<16xf32>
    %add3A_807 = arith.addf %gather3A_794, %add3A_806 : vector<16xf32>
    %swap3A_808 = arith.constant 256 : index
    %swap3A_809 = tpu.vector_load %arg23[%swap3A_808] {strides = array<i32>} : memref<512xf32, #tpu.memory_space<vmem>>, vector<16xf32>,
    tpu.vector_store %arg23[%swap3A_808], %add3A_807 {strides = array<i32>} : memref<512xf32, #tpu.memory_space<vmem>>, vector<16xf32>,
    %add3A_810 = arith.constant 272 : i32
    %add3A_811 = vector.broadcast %add3A_810 : i32 to vector<16xi32>
    %add3A_812 = arith.addi %iota3A, %add3A_811 : vector<16xi32>
    %gather3A_813 = tpu.vector_load_idx %arg16[%add3A_812, %broadcast_in_dim3A_470] : memref<512x16xf32, #tpu.memory_space<vmem>>[vector<16xi32>, vector<16xi32>], vector<16xf32>,
    %gather3A_814 = tpu.vector_load_idx %arg17[%add3A_812, %broadcast_in_dim3A_470] : memref<512x16xf32, #tpu.memory_space<vmem>>[vector<16xi32>, vector<16xi32>], vector<16xf32>,
    %get3A_815 = arith.constant 272 : index
    %get3A_816 = tpu.vector_load %arg18[%get3A_815] {strides = array<i32>} : memref<512xf32, #tpu.memory_space<vmem>>, vector<16xf32>,
    %add3A_817 = arith.addf %get3A_816, %get3A_471 : vector<16xf32>
    %get3A_818 = arith.constant 272 : index
    %get3A_819 = tpu.vector_load %arg19[%get3A_818] {strides = array<i32>} : memref<512xf32, #tpu.memory_space<vmem>>, vector<16xf32>,
    %add3A_820 = arith.addf %add3A_817, %get3A_819 : vector<16xf32>
    %add3A_821 = arith.addf %gather3A_813, %add3A_820 : vector<16xf32>
    %swap3A_822 = arith.constant 272 : index
    %swap3A_823 = tpu.vector_load %arg22[%swap3A_822] {strides = array<i32>} : memref<512xf32, #tpu.memory_space<vmem>>, vector<16xf32>,
    tpu.vector_store %arg22[%swap3A_822], %add3A_821 {strides = array<i32>} : memref<512xf32, #tpu.memory_space<vmem>>, vector<16xf32>,
    %get3A_824 = arith.constant 272 : index
    %get3A_825 = tpu.vector_load %arg20[%get3A_824] {strides = array<i32>} : memref<512xf32, #tpu.memory_space<vmem>>, vector<16xf32>,
    %add3A_826 = arith.addf %add3A_817, %get3A_825 : vector<16xf32>
    %add3A_827 = arith.addf %gather3A_814, %add3A_826 : vector<16xf32>
    %swap3A_828 = arith.constant 272 : index
    %swap3A_829 = tpu.vector_load %arg23[%swap3A_828] {strides = array<i32>} : memref<512xf32, #tpu.memory_space<vmem>>, vector<16xf32>,
    tpu.vector_store %arg23[%swap3A_828], %add3A_827 {strides = array<i32>} : memref<512xf32, #tpu.memory_space<vmem>>, vector<16xf32>,
    %add3A_830 = arith.constant 288 : i32
    %add3A_831 = vector.broadcast %add3A_830 : i32 to vector<16xi32>
    %add3A_832 = arith.addi %iota3A, %add3A_831 : vector<16xi32>
    %gather3A_833 = tpu.vector_load_idx %arg16[%add3A_832, %broadcast_in_dim3A_470] : memref<512x16xf32, #tpu.memory_space<vmem>>[vector<16xi32>, vector<16xi32>], vector<16xf32>,
    %gather3A_834 = tpu.vector_load_idx %arg17[%add3A_832, %broadcast_in_dim3A_470] : memref<512x16xf32, #tpu.memory_space<vmem>>[vector<16xi32>, vector<16xi32>], vector<16xf32>,
    %get3A_835 = arith.constant 288 : index
    %get3A_836 = tpu.vector_load %arg18[%get3A_835] {strides = array<i32>} : memref<512xf32, #tpu.memory_space<vmem>>, vector<16xf32>,
    %add3A_837 = arith.addf %get3A_836, %get3A_471 : vector<16xf32>
    %get3A_838 = arith.constant 288 : index
    %get3A_839 = tpu.vector_load %arg19[%get3A_838] {strides = array<i32>} : memref<512xf32, #tpu.memory_space<vmem>>, vector<16xf32>,
    %add3A_840 = arith.addf %add3A_837, %get3A_839 : vector<16xf32>
    %add3A_841 = arith.addf %gather3A_833, %add3A_840 : vector<16xf32>
    %swap3A_842 = arith.constant 288 : index
    %swap3A_843 = tpu.vector_load %arg22[%swap3A_842] {strides = array<i32>} : memref<512xf32, #tpu.memory_space<vmem>>, vector<16xf32>,
    tpu.vector_store %arg22[%swap3A_842], %add3A_841 {strides = array<i32>} : memref<512xf32, #tpu.memory_space<vmem>>, vector<16xf32>,
    %get3A_844 = arith.constant 288 : index
    %get3A_845 = tpu.vector_load %arg20[%get3A_844] {strides = array<i32>} : memref<512xf32, #tpu.memory_space<vmem>>, vector<16xf32>,
    %add3A_846 = arith.addf %add3A_837, %get3A_845 : vector<16xf32>
    %add3A_847 = arith.addf %gather3A_834, %add3A_846 : vector<16xf32>
    %swap3A_848 = arith.constant 288 : index
    %swap3A_849 = tpu.vector_load %arg23[%swap3A_848] {strides = array<i32>} : memref<512xf32, #tpu.memory_space<vmem>>, vector<16xf32>,
    tpu.vector_store %arg23[%swap3A_848], %add3A_847 {strides = array<i32>} : memref<512xf32, #tpu.memory_space<vmem>>, vector<16xf32>,
    %add3A_850 = arith.constant 304 : i32
    %add3A_851 = vector.broadcast %add3A_850 : i32 to vector<16xi32>
    %add3A_852 = arith.addi %iota3A, %add3A_851 : vector<16xi32>
    %gather3A_853 = tpu.vector_load_idx %arg16[%add3A_852, %broadcast_in_dim3A_470] : memref<512x16xf32, #tpu.memory_space<vmem>>[vector<16xi32>, vector<16xi32>], vector<16xf32>,
    %gather3A_854 = tpu.vector_load_idx %arg17[%add3A_852, %broadcast_in_dim3A_470] : memref<512x16xf32, #tpu.memory_space<vmem>>[vector<16xi32>, vector<16xi32>], vector<16xf32>,
    %get3A_855 = arith.constant 304 : index
    %get3A_856 = tpu.vector_load %arg18[%get3A_855] {strides = array<i32>} : memref<512xf32, #tpu.memory_space<vmem>>, vector<16xf32>,
    %add3A_857 = arith.addf %get3A_856, %get3A_471 : vector<16xf32>
    %get3A_858 = arith.constant 304 : index
    %get3A_859 = tpu.vector_load %arg19[%get3A_858] {strides = array<i32>} : memref<512xf32, #tpu.memory_space<vmem>>, vector<16xf32>,
    %add3A_860 = arith.addf %add3A_857, %get3A_859 : vector<16xf32>
    %add3A_861 = arith.addf %gather3A_853, %add3A_860 : vector<16xf32>
    %swap3A_862 = arith.constant 304 : index
    %swap3A_863 = tpu.vector_load %arg22[%swap3A_862] {strides = array<i32>} : memref<512xf32, #tpu.memory_space<vmem>>, vector<16xf32>,
    tpu.vector_store %arg22[%swap3A_862], %add3A_861 {strides = array<i32>} : memref<512xf32, #tpu.memory_space<vmem>>, vector<16xf32>,
    %get3A_864 = arith.constant 304 : index
    %get3A_865 = tpu.vector_load %arg20[%get3A_864] {strides = array<i32>} : memref<512xf32, #tpu.memory_space<vmem>>, vector<16xf32>,
    %add3A_866 = arith.addf %add3A_857, %get3A_865 : vector<16xf32>
    %add3A_867 = arith.addf %gather3A_854, %add3A_866 : vector<16xf32>
    %swap3A_868 = arith.constant 304 : index
    %swap3A_869 = tpu.vector_load %arg23[%swap3A_868] {strides = array<i32>} : memref<512xf32, #tpu.memory_space<vmem>>, vector<16xf32>,
    tpu.vector_store %arg23[%swap3A_868], %add3A_867 {strides = array<i32>} : memref<512xf32, #tpu.memory_space<vmem>>, vector<16xf32>,
    %add3A_870 = arith.constant 320 : i32
    %add3A_871 = vector.broadcast %add3A_870 : i32 to vector<16xi32>
    %add3A_872 = arith.addi %iota3A, %add3A_871 : vector<16xi32>
    %gather3A_873 = tpu.vector_load_idx %arg16[%add3A_872, %broadcast_in_dim3A_470] : memref<512x16xf32, #tpu.memory_space<vmem>>[vector<16xi32>, vector<16xi32>], vector<16xf32>,
    %gather3A_874 = tpu.vector_load_idx %arg17[%add3A_872, %broadcast_in_dim3A_470] : memref<512x16xf32, #tpu.memory_space<vmem>>[vector<16xi32>, vector<16xi32>], vector<16xf32>,
    %get3A_875 = arith.constant 320 : index
    %get3A_876 = tpu.vector_load %arg18[%get3A_875] {strides = array<i32>} : memref<512xf32, #tpu.memory_space<vmem>>, vector<16xf32>,
    %add3A_877 = arith.addf %get3A_876, %get3A_471 : vector<16xf32>
    %get3A_878 = arith.constant 320 : index
    %get3A_879 = tpu.vector_load %arg19[%get3A_878] {strides = array<i32>} : memref<512xf32, #tpu.memory_space<vmem>>, vector<16xf32>,
    %add3A_880 = arith.addf %add3A_877, %get3A_879 : vector<16xf32>
    %add3A_881 = arith.addf %gather3A_873, %add3A_880 : vector<16xf32>
    %swap3A_882 = arith.constant 320 : index
    %swap3A_883 = tpu.vector_load %arg22[%swap3A_882] {strides = array<i32>} : memref<512xf32, #tpu.memory_space<vmem>>, vector<16xf32>,
    tpu.vector_store %arg22[%swap3A_882], %add3A_881 {strides = array<i32>} : memref<512xf32, #tpu.memory_space<vmem>>, vector<16xf32>,
    %get3A_884 = arith.constant 320 : index
    %get3A_885 = tpu.vector_load %arg20[%get3A_884] {strides = array<i32>} : memref<512xf32, #tpu.memory_space<vmem>>, vector<16xf32>,
    %add3A_886 = arith.addf %add3A_877, %get3A_885 : vector<16xf32>
    %add3A_887 = arith.addf %gather3A_874, %add3A_886 : vector<16xf32>
    %swap3A_888 = arith.constant 320 : index
    %swap3A_889 = tpu.vector_load %arg23[%swap3A_888] {strides = array<i32>} : memref<512xf32, #tpu.memory_space<vmem>>, vector<16xf32>,
    tpu.vector_store %arg23[%swap3A_888], %add3A_887 {strides = array<i32>} : memref<512xf32, #tpu.memory_space<vmem>>, vector<16xf32>,
    %add3A_890 = arith.constant 336 : i32
    %add3A_891 = vector.broadcast %add3A_890 : i32 to vector<16xi32>
    %add3A_892 = arith.addi %iota3A, %add3A_891 : vector<16xi32>
    %gather3A_893 = tpu.vector_load_idx %arg16[%add3A_892, %broadcast_in_dim3A_470] : memref<512x16xf32, #tpu.memory_space<vmem>>[vector<16xi32>, vector<16xi32>], vector<16xf32>,
    %gather3A_894 = tpu.vector_load_idx %arg17[%add3A_892, %broadcast_in_dim3A_470] : memref<512x16xf32, #tpu.memory_space<vmem>>[vector<16xi32>, vector<16xi32>], vector<16xf32>,
    %get3A_895 = arith.constant 336 : index
    %get3A_896 = tpu.vector_load %arg18[%get3A_895] {strides = array<i32>} : memref<512xf32, #tpu.memory_space<vmem>>, vector<16xf32>,
    %add3A_897 = arith.addf %get3A_896, %get3A_471 : vector<16xf32>
    %get3A_898 = arith.constant 336 : index
    %get3A_899 = tpu.vector_load %arg19[%get3A_898] {strides = array<i32>} : memref<512xf32, #tpu.memory_space<vmem>>, vector<16xf32>,
    %add3A_900 = arith.addf %add3A_897, %get3A_899 : vector<16xf32>
    %add3A_901 = arith.addf %gather3A_893, %add3A_900 : vector<16xf32>
    %swap3A_902 = arith.constant 336 : index
    %swap3A_903 = tpu.vector_load %arg22[%swap3A_902] {strides = array<i32>} : memref<512xf32, #tpu.memory_space<vmem>>, vector<16xf32>,
    tpu.vector_store %arg22[%swap3A_902], %add3A_901 {strides = array<i32>} : memref<512xf32, #tpu.memory_space<vmem>>, vector<16xf32>,
    %get3A_904 = arith.constant 336 : index
    %get3A_905 = tpu.vector_load %arg20[%get3A_904] {strides = array<i32>} : memref<512xf32, #tpu.memory_space<vmem>>, vector<16xf32>,
    %add3A_906 = arith.addf %add3A_897, %get3A_905 : vector<16xf32>
    %add3A_907 = arith.addf %gather3A_894, %add3A_906 : vector<16xf32>
    %swap3A_908 = arith.constant 336 : index
    %swap3A_909 = tpu.vector_load %arg23[%swap3A_908] {strides = array<i32>} : memref<512xf32, #tpu.memory_space<vmem>>, vector<16xf32>,
    tpu.vector_store %arg23[%swap3A_908], %add3A_907 {strides = array<i32>} : memref<512xf32, #tpu.memory_space<vmem>>, vector<16xf32>,
    %add3A_910 = arith.constant 352 : i32
    %add3A_911 = vector.broadcast %add3A_910 : i32 to vector<16xi32>
    %add3A_912 = arith.addi %iota3A, %add3A_911 : vector<16xi32>
    %gather3A_913 = tpu.vector_load_idx %arg16[%add3A_912, %broadcast_in_dim3A_470] : memref<512x16xf32, #tpu.memory_space<vmem>>[vector<16xi32>, vector<16xi32>], vector<16xf32>,
    %gather3A_914 = tpu.vector_load_idx %arg17[%add3A_912, %broadcast_in_dim3A_470] : memref<512x16xf32, #tpu.memory_space<vmem>>[vector<16xi32>, vector<16xi32>], vector<16xf32>,
    %get3A_915 = arith.constant 352 : index
    %get3A_916 = tpu.vector_load %arg18[%get3A_915] {strides = array<i32>} : memref<512xf32, #tpu.memory_space<vmem>>, vector<16xf32>,
    %add3A_917 = arith.addf %get3A_916, %get3A_471 : vector<16xf32>
    %get3A_918 = arith.constant 352 : index
    %get3A_919 = tpu.vector_load %arg19[%get3A_918] {strides = array<i32>} : memref<512xf32, #tpu.memory_space<vmem>>, vector<16xf32>,
    %add3A_920 = arith.addf %add3A_917, %get3A_919 : vector<16xf32>
    %add3A_921 = arith.addf %gather3A_913, %add3A_920 : vector<16xf32>
    %swap3A_922 = arith.constant 352 : index
    %swap3A_923 = tpu.vector_load %arg22[%swap3A_922] {strides = array<i32>} : memref<512xf32, #tpu.memory_space<vmem>>, vector<16xf32>,
    tpu.vector_store %arg22[%swap3A_922], %add3A_921 {strides = array<i32>} : memref<512xf32, #tpu.memory_space<vmem>>, vector<16xf32>,
    %get3A_924 = arith.constant 352 : index
    %get3A_925 = tpu.vector_load %arg20[%get3A_924] {strides = array<i32>} : memref<512xf32, #tpu.memory_space<vmem>>, vector<16xf32>,
    %add3A_926 = arith.addf %add3A_917, %get3A_925 : vector<16xf32>
    %add3A_927 = arith.addf %gather3A_914, %add3A_926 : vector<16xf32>
    %swap3A_928 = arith.constant 352 : index
    %swap3A_929 = tpu.vector_load %arg23[%swap3A_928] {strides = array<i32>} : memref<512xf32, #tpu.memory_space<vmem>>, vector<16xf32>,
    tpu.vector_store %arg23[%swap3A_928], %add3A_927 {strides = array<i32>} : memref<512xf32, #tpu.memory_space<vmem>>, vector<16xf32>,
    %add3A_930 = arith.constant 368 : i32
    %add3A_931 = vector.broadcast %add3A_930 : i32 to vector<16xi32>
    %add3A_932 = arith.addi %iota3A, %add3A_931 : vector<16xi32>
    %gather3A_933 = tpu.vector_load_idx %arg16[%add3A_932, %broadcast_in_dim3A_470] : memref<512x16xf32, #tpu.memory_space<vmem>>[vector<16xi32>, vector<16xi32>], vector<16xf32>,
    %gather3A_934 = tpu.vector_load_idx %arg17[%add3A_932, %broadcast_in_dim3A_470] : memref<512x16xf32, #tpu.memory_space<vmem>>[vector<16xi32>, vector<16xi32>], vector<16xf32>,
    %get3A_935 = arith.constant 368 : index
    %get3A_936 = tpu.vector_load %arg18[%get3A_935] {strides = array<i32>} : memref<512xf32, #tpu.memory_space<vmem>>, vector<16xf32>,
    %add3A_937 = arith.addf %get3A_936, %get3A_471 : vector<16xf32>
    %get3A_938 = arith.constant 368 : index
    %get3A_939 = tpu.vector_load %arg19[%get3A_938] {strides = array<i32>} : memref<512xf32, #tpu.memory_space<vmem>>, vector<16xf32>,
    %add3A_940 = arith.addf %add3A_937, %get3A_939 : vector<16xf32>
    %add3A_941 = arith.addf %gather3A_933, %add3A_940 : vector<16xf32>
    %swap3A_942 = arith.constant 368 : index
    %swap3A_943 = tpu.vector_load %arg22[%swap3A_942] {strides = array<i32>} : memref<512xf32, #tpu.memory_space<vmem>>, vector<16xf32>,
    tpu.vector_store %arg22[%swap3A_942], %add3A_941 {strides = array<i32>} : memref<512xf32, #tpu.memory_space<vmem>>, vector<16xf32>,
    %get3A_944 = arith.constant 368 : index
    %get3A_945 = tpu.vector_load %arg20[%get3A_944] {strides = array<i32>} : memref<512xf32, #tpu.memory_space<vmem>>, vector<16xf32>,
    %add3A_946 = arith.addf %add3A_937, %get3A_945 : vector<16xf32>
    %add3A_947 = arith.addf %gather3A_934, %add3A_946 : vector<16xf32>
    %swap3A_948 = arith.constant 368 : index
    %swap3A_949 = tpu.vector_load %arg23[%swap3A_948] {strides = array<i32>} : memref<512xf32, #tpu.memory_space<vmem>>, vector<16xf32>,
    tpu.vector_store %arg23[%swap3A_948], %add3A_947 {strides = array<i32>} : memref<512xf32, #tpu.memory_space<vmem>>, vector<16xf32>,
    %add3A_950 = arith.constant 384 : i32
    %add3A_951 = vector.broadcast %add3A_950 : i32 to vector<16xi32>
    %add3A_952 = arith.addi %iota3A, %add3A_951 : vector<16xi32>
    %gather3A_953 = tpu.vector_load_idx %arg16[%add3A_952, %broadcast_in_dim3A_470] : memref<512x16xf32, #tpu.memory_space<vmem>>[vector<16xi32>, vector<16xi32>], vector<16xf32>,
    %gather3A_954 = tpu.vector_load_idx %arg17[%add3A_952, %broadcast_in_dim3A_470] : memref<512x16xf32, #tpu.memory_space<vmem>>[vector<16xi32>, vector<16xi32>], vector<16xf32>,
    %get3A_955 = arith.constant 384 : index
    %get3A_956 = tpu.vector_load %arg18[%get3A_955] {strides = array<i32>} : memref<512xf32, #tpu.memory_space<vmem>>, vector<16xf32>,
    %add3A_957 = arith.addf %get3A_956, %get3A_471 : vector<16xf32>
    %get3A_958 = arith.constant 384 : index
    %get3A_959 = tpu.vector_load %arg19[%get3A_958] {strides = array<i32>} : memref<512xf32, #tpu.memory_space<vmem>>, vector<16xf32>,
    %add3A_960 = arith.addf %add3A_957, %get3A_959 : vector<16xf32>
    %add3A_961 = arith.addf %gather3A_953, %add3A_960 : vector<16xf32>
    %swap3A_962 = arith.constant 384 : index
    %swap3A_963 = tpu.vector_load %arg22[%swap3A_962] {strides = array<i32>} : memref<512xf32, #tpu.memory_space<vmem>>, vector<16xf32>,
    tpu.vector_store %arg22[%swap3A_962], %add3A_961 {strides = array<i32>} : memref<512xf32, #tpu.memory_space<vmem>>, vector<16xf32>,
    %get3A_964 = arith.constant 384 : index
    %get3A_965 = tpu.vector_load %arg20[%get3A_964] {strides = array<i32>} : memref<512xf32, #tpu.memory_space<vmem>>, vector<16xf32>,
    %add3A_966 = arith.addf %add3A_957, %get3A_965 : vector<16xf32>
    %add3A_967 = arith.addf %gather3A_954, %add3A_966 : vector<16xf32>
    %swap3A_968 = arith.constant 384 : index
    %swap3A_969 = tpu.vector_load %arg23[%swap3A_968] {strides = array<i32>} : memref<512xf32, #tpu.memory_space<vmem>>, vector<16xf32>,
    tpu.vector_store %arg23[%swap3A_968], %add3A_967 {strides = array<i32>} : memref<512xf32, #tpu.memory_space<vmem>>, vector<16xf32>,
    %add3A_970 = arith.constant 400 : i32
    %add3A_971 = vector.broadcast %add3A_970 : i32 to vector<16xi32>
    %add3A_972 = arith.addi %iota3A, %add3A_971 : vector<16xi32>
    %gather3A_973 = tpu.vector_load_idx %arg16[%add3A_972, %broadcast_in_dim3A_470] : memref<512x16xf32, #tpu.memory_space<vmem>>[vector<16xi32>, vector<16xi32>], vector<16xf32>,
    %gather3A_974 = tpu.vector_load_idx %arg17[%add3A_972, %broadcast_in_dim3A_470] : memref<512x16xf32, #tpu.memory_space<vmem>>[vector<16xi32>, vector<16xi32>], vector<16xf32>,
    %get3A_975 = arith.constant 400 : index
    %get3A_976 = tpu.vector_load %arg18[%get3A_975] {strides = array<i32>} : memref<512xf32, #tpu.memory_space<vmem>>, vector<16xf32>,
    %add3A_977 = arith.addf %get3A_976, %get3A_471 : vector<16xf32>
    %get3A_978 = arith.constant 400 : index
    %get3A_979 = tpu.vector_load %arg19[%get3A_978] {strides = array<i32>} : memref<512xf32, #tpu.memory_space<vmem>>, vector<16xf32>,
    %add3A_980 = arith.addf %add3A_977, %get3A_979 : vector<16xf32>
    %add3A_981 = arith.addf %gather3A_973, %add3A_980 : vector<16xf32>
    %swap3A_982 = arith.constant 400 : index
    %swap3A_983 = tpu.vector_load %arg22[%swap3A_982] {strides = array<i32>} : memref<512xf32, #tpu.memory_space<vmem>>, vector<16xf32>,
    tpu.vector_store %arg22[%swap3A_982], %add3A_981 {strides = array<i32>} : memref<512xf32, #tpu.memory_space<vmem>>, vector<16xf32>,
    %get3A_984 = arith.constant 400 : index
    %get3A_985 = tpu.vector_load %arg20[%get3A_984] {strides = array<i32>} : memref<512xf32, #tpu.memory_space<vmem>>, vector<16xf32>,
    %add3A_986 = arith.addf %add3A_977, %get3A_985 : vector<16xf32>
    %add3A_987 = arith.addf %gather3A_974, %add3A_986 : vector<16xf32>
    %swap3A_988 = arith.constant 400 : index
    %swap3A_989 = tpu.vector_load %arg23[%swap3A_988] {strides = array<i32>} : memref<512xf32, #tpu.memory_space<vmem>>, vector<16xf32>,
    tpu.vector_store %arg23[%swap3A_988], %add3A_987 {strides = array<i32>} : memref<512xf32, #tpu.memory_space<vmem>>, vector<16xf32>,
    %add3A_990 = arith.constant 416 : i32
    %add3A_991 = vector.broadcast %add3A_990 : i32 to vector<16xi32>
    %add3A_992 = arith.addi %iota3A, %add3A_991 : vector<16xi32>
    %gather3A_993 = tpu.vector_load_idx %arg16[%add3A_992, %broadcast_in_dim3A_470] : memref<512x16xf32, #tpu.memory_space<vmem>>[vector<16xi32>, vector<16xi32>], vector<16xf32>,
    %gather3A_994 = tpu.vector_load_idx %arg17[%add3A_992, %broadcast_in_dim3A_470] : memref<512x16xf32, #tpu.memory_space<vmem>>[vector<16xi32>, vector<16xi32>], vector<16xf32>,
    %get3A_995 = arith.constant 416 : index
    %get3A_996 = tpu.vector_load %arg18[%get3A_995] {strides = array<i32>} : memref<512xf32, #tpu.memory_space<vmem>>, vector<16xf32>,
    %add3A_997 = arith.addf %get3A_996, %get3A_471 : vector<16xf32>
    %get3A_998 = arith.constant 416 : index
    %get3A_999 = tpu.vector_load %arg19[%get3A_998] {strides = array<i32>} : memref<512xf32, #tpu.memory_space<vmem>>, vector<16xf32>,
    %add3A_1000 = arith.addf %add3A_997, %get3A_999 : vector<16xf32>
    %add3A_1001 = arith.addf %gather3A_993, %add3A_1000 : vector<16xf32>
    %swap3A_1002 = arith.constant 416 : index
    %swap3A_1003 = tpu.vector_load %arg22[%swap3A_1002] {strides = array<i32>} : memref<512xf32, #tpu.memory_space<vmem>>, vector<16xf32>,
    tpu.vector_store %arg22[%swap3A_1002], %add3A_1001 {strides = array<i32>} : memref<512xf32, #tpu.memory_space<vmem>>, vector<16xf32>,
    %get3A_1004 = arith.constant 416 : index
    %get3A_1005 = tpu.vector_load %arg20[%get3A_1004] {strides = array<i32>} : memref<512xf32, #tpu.memory_space<vmem>>, vector<16xf32>,
    %add3A_1006 = arith.addf %add3A_997, %get3A_1005 : vector<16xf32>
    %add3A_1007 = arith.addf %gather3A_994, %add3A_1006 : vector<16xf32>
    %swap3A_1008 = arith.constant 416 : index
    %swap3A_1009 = tpu.vector_load %arg23[%swap3A_1008] {strides = array<i32>} : memref<512xf32, #tpu.memory_space<vmem>>, vector<16xf32>,
    tpu.vector_store %arg23[%swap3A_1008], %add3A_1007 {strides = array<i32>} : memref<512xf32, #tpu.memory_space<vmem>>, vector<16xf32>,
    %add3A_1010 = arith.constant 432 : i32
    %add3A_1011 = vector.broadcast %add3A_1010 : i32 to vector<16xi32>
    %add3A_1012 = arith.addi %iota3A, %add3A_1011 : vector<16xi32>
    %gather3A_1013 = tpu.vector_load_idx %arg16[%add3A_1012, %broadcast_in_dim3A_470] : memref<512x16xf32, #tpu.memory_space<vmem>>[vector<16xi32>, vector<16xi32>], vector<16xf32>,
    %gather3A_1014 = tpu.vector_load_idx %arg17[%add3A_1012, %broadcast_in_dim3A_470] : memref<512x16xf32, #tpu.memory_space<vmem>>[vector<16xi32>, vector<16xi32>], vector<16xf32>,
    %get3A_1015 = arith.constant 432 : index
    %get3A_1016 = tpu.vector_load %arg18[%get3A_1015] {strides = array<i32>} : memref<512xf32, #tpu.memory_space<vmem>>, vector<16xf32>,
    %add3A_1017 = arith.addf %get3A_1016, %get3A_471 : vector<16xf32>
    %get3A_1018 = arith.constant 432 : index
    %get3A_1019 = tpu.vector_load %arg19[%get3A_1018] {strides = array<i32>} : memref<512xf32, #tpu.memory_space<vmem>>, vector<16xf32>,
    %add3A_1020 = arith.addf %add3A_1017, %get3A_1019 : vector<16xf32>
    %add3A_1021 = arith.addf %gather3A_1013, %add3A_1020 : vector<16xf32>
    %swap3A_1022 = arith.constant 432 : index
    %swap3A_1023 = tpu.vector_load %arg22[%swap3A_1022] {strides = array<i32>} : memref<512xf32, #tpu.memory_space<vmem>>, vector<16xf32>,
    tpu.vector_store %arg22[%swap3A_1022], %add3A_1021 {strides = array<i32>} : memref<512xf32, #tpu.memory_space<vmem>>, vector<16xf32>,
    %get3A_1024 = arith.constant 432 : index
    %get3A_1025 = tpu.vector_load %arg20[%get3A_1024] {strides = array<i32>} : memref<512xf32, #tpu.memory_space<vmem>>, vector<16xf32>,
    %add3A_1026 = arith.addf %add3A_1017, %get3A_1025 : vector<16xf32>
    %add3A_1027 = arith.addf %gather3A_1014, %add3A_1026 : vector<16xf32>
    %swap3A_1028 = arith.constant 432 : index
    %swap3A_1029 = tpu.vector_load %arg23[%swap3A_1028] {strides = array<i32>} : memref<512xf32, #tpu.memory_space<vmem>>, vector<16xf32>,
    tpu.vector_store %arg23[%swap3A_1028], %add3A_1027 {strides = array<i32>} : memref<512xf32, #tpu.memory_space<vmem>>, vector<16xf32>,
    %add3A_1030 = arith.constant 448 : i32
    %add3A_1031 = vector.broadcast %add3A_1030 : i32 to vector<16xi32>
    %add3A_1032 = arith.addi %iota3A, %add3A_1031 : vector<16xi32>
    %gather3A_1033 = tpu.vector_load_idx %arg16[%add3A_1032, %broadcast_in_dim3A_470] : memref<512x16xf32, #tpu.memory_space<vmem>>[vector<16xi32>, vector<16xi32>], vector<16xf32>,
    %gather3A_1034 = tpu.vector_load_idx %arg17[%add3A_1032, %broadcast_in_dim3A_470] : memref<512x16xf32, #tpu.memory_space<vmem>>[vector<16xi32>, vector<16xi32>], vector<16xf32>,
    %get3A_1035 = arith.constant 448 : index
    %get3A_1036 = tpu.vector_load %arg18[%get3A_1035] {strides = array<i32>} : memref<512xf32, #tpu.memory_space<vmem>>, vector<16xf32>,
    %add3A_1037 = arith.addf %get3A_1036, %get3A_471 : vector<16xf32>
    %get3A_1038 = arith.constant 448 : index
    %get3A_1039 = tpu.vector_load %arg19[%get3A_1038] {strides = array<i32>} : memref<512xf32, #tpu.memory_space<vmem>>, vector<16xf32>,
    %add3A_1040 = arith.addf %add3A_1037, %get3A_1039 : vector<16xf32>
    %add3A_1041 = arith.addf %gather3A_1033, %add3A_1040 : vector<16xf32>
    %swap3A_1042 = arith.constant 448 : index
    %swap3A_1043 = tpu.vector_load %arg22[%swap3A_1042] {strides = array<i32>} : memref<512xf32, #tpu.memory_space<vmem>>, vector<16xf32>,
    tpu.vector_store %arg22[%swap3A_1042], %add3A_1041 {strides = array<i32>} : memref<512xf32, #tpu.memory_space<vmem>>, vector<16xf32>,
    %get3A_1044 = arith.constant 448 : index
    %get3A_1045 = tpu.vector_load %arg20[%get3A_1044] {strides = array<i32>} : memref<512xf32, #tpu.memory_space<vmem>>, vector<16xf32>,
    %add3A_1046 = arith.addf %add3A_1037, %get3A_1045 : vector<16xf32>
    %add3A_1047 = arith.addf %gather3A_1034, %add3A_1046 : vector<16xf32>
    %swap3A_1048 = arith.constant 448 : index
    %swap3A_1049 = tpu.vector_load %arg23[%swap3A_1048] {strides = array<i32>} : memref<512xf32, #tpu.memory_space<vmem>>, vector<16xf32>,
    tpu.vector_store %arg23[%swap3A_1048], %add3A_1047 {strides = array<i32>} : memref<512xf32, #tpu.memory_space<vmem>>, vector<16xf32>,
    %add3A_1050 = arith.constant 464 : i32
    %add3A_1051 = vector.broadcast %add3A_1050 : i32 to vector<16xi32>
    %add3A_1052 = arith.addi %iota3A, %add3A_1051 : vector<16xi32>
    %gather3A_1053 = tpu.vector_load_idx %arg16[%add3A_1052, %broadcast_in_dim3A_470] : memref<512x16xf32, #tpu.memory_space<vmem>>[vector<16xi32>, vector<16xi32>], vector<16xf32>,
    %gather3A_1054 = tpu.vector_load_idx %arg17[%add3A_1052, %broadcast_in_dim3A_470] : memref<512x16xf32, #tpu.memory_space<vmem>>[vector<16xi32>, vector<16xi32>], vector<16xf32>,
    %get3A_1055 = arith.constant 464 : index
    %get3A_1056 = tpu.vector_load %arg18[%get3A_1055] {strides = array<i32>} : memref<512xf32, #tpu.memory_space<vmem>>, vector<16xf32>,
    %add3A_1057 = arith.addf %get3A_1056, %get3A_471 : vector<16xf32>
    %get3A_1058 = arith.constant 464 : index
    %get3A_1059 = tpu.vector_load %arg19[%get3A_1058] {strides = array<i32>} : memref<512xf32, #tpu.memory_space<vmem>>, vector<16xf32>,
    %add3A_1060 = arith.addf %add3A_1057, %get3A_1059 : vector<16xf32>
    %add3A_1061 = arith.addf %gather3A_1053, %add3A_1060 : vector<16xf32>
    %swap3A_1062 = arith.constant 464 : index
    %swap3A_1063 = tpu.vector_load %arg22[%swap3A_1062] {strides = array<i32>} : memref<512xf32, #tpu.memory_space<vmem>>, vector<16xf32>,
    tpu.vector_store %arg22[%swap3A_1062], %add3A_1061 {strides = array<i32>} : memref<512xf32, #tpu.memory_space<vmem>>, vector<16xf32>,
    %get3A_1064 = arith.constant 464 : index
    %get3A_1065 = tpu.vector_load %arg20[%get3A_1064] {strides = array<i32>} : memref<512xf32, #tpu.memory_space<vmem>>, vector<16xf32>,
    %add3A_1066 = arith.addf %add3A_1057, %get3A_1065 : vector<16xf32>
    %add3A_1067 = arith.addf %gather3A_1054, %add3A_1066 : vector<16xf32>
    %swap3A_1068 = arith.constant 464 : index
    %swap3A_1069 = tpu.vector_load %arg23[%swap3A_1068] {strides = array<i32>} : memref<512xf32, #tpu.memory_space<vmem>>, vector<16xf32>,
    tpu.vector_store %arg23[%swap3A_1068], %add3A_1067 {strides = array<i32>} : memref<512xf32, #tpu.memory_space<vmem>>, vector<16xf32>,
    %add3A_1070 = arith.constant 480 : i32
    %add3A_1071 = vector.broadcast %add3A_1070 : i32 to vector<16xi32>
    %add3A_1072 = arith.addi %iota3A, %add3A_1071 : vector<16xi32>
    %gather3A_1073 = tpu.vector_load_idx %arg16[%add3A_1072, %broadcast_in_dim3A_470] : memref<512x16xf32, #tpu.memory_space<vmem>>[vector<16xi32>, vector<16xi32>], vector<16xf32>,
    %gather3A_1074 = tpu.vector_load_idx %arg17[%add3A_1072, %broadcast_in_dim3A_470] : memref<512x16xf32, #tpu.memory_space<vmem>>[vector<16xi32>, vector<16xi32>], vector<16xf32>,
    %get3A_1075 = arith.constant 480 : index
    %get3A_1076 = tpu.vector_load %arg18[%get3A_1075] {strides = array<i32>} : memref<512xf32, #tpu.memory_space<vmem>>, vector<16xf32>,
    %add3A_1077 = arith.addf %get3A_1076, %get3A_471 : vector<16xf32>
    %get3A_1078 = arith.constant 480 : index
    %get3A_1079 = tpu.vector_load %arg19[%get3A_1078] {strides = array<i32>} : memref<512xf32, #tpu.memory_space<vmem>>, vector<16xf32>,
    %add3A_1080 = arith.addf %add3A_1077, %get3A_1079 : vector<16xf32>
    %add3A_1081 = arith.addf %gather3A_1073, %add3A_1080 : vector<16xf32>
    %swap3A_1082 = arith.constant 480 : index
    %swap3A_1083 = tpu.vector_load %arg22[%swap3A_1082] {strides = array<i32>} : memref<512xf32, #tpu.memory_space<vmem>>, vector<16xf32>,
    tpu.vector_store %arg22[%swap3A_1082], %add3A_1081 {strides = array<i32>} : memref<512xf32, #tpu.memory_space<vmem>>, vector<16xf32>,
    %get3A_1084 = arith.constant 480 : index
    %get3A_1085 = tpu.vector_load %arg20[%get3A_1084] {strides = array<i32>} : memref<512xf32, #tpu.memory_space<vmem>>, vector<16xf32>,
    %add3A_1086 = arith.addf %add3A_1077, %get3A_1085 : vector<16xf32>
    %add3A_1087 = arith.addf %gather3A_1074, %add3A_1086 : vector<16xf32>
    %swap3A_1088 = arith.constant 480 : index
    %swap3A_1089 = tpu.vector_load %arg23[%swap3A_1088] {strides = array<i32>} : memref<512xf32, #tpu.memory_space<vmem>>, vector<16xf32>,
    tpu.vector_store %arg23[%swap3A_1088], %add3A_1087 {strides = array<i32>} : memref<512xf32, #tpu.memory_space<vmem>>, vector<16xf32>,
    %add3A_1090 = arith.constant 496 : i32
    %add3A_1091 = vector.broadcast %add3A_1090 : i32 to vector<16xi32>
    %add3A_1092 = arith.addi %iota3A, %add3A_1091 : vector<16xi32>
    %gather3A_1093 = tpu.vector_load_idx %arg16[%add3A_1092, %broadcast_in_dim3A_470] : memref<512x16xf32, #tpu.memory_space<vmem>>[vector<16xi32>, vector<16xi32>], vector<16xf32>,
    %gather3A_1094 = tpu.vector_load_idx %arg17[%add3A_1092, %broadcast_in_dim3A_470] : memref<512x16xf32, #tpu.memory_space<vmem>>[vector<16xi32>, vector<16xi32>], vector<16xf32>,
    %get3A_1095 = arith.constant 496 : index
    %get3A_1096 = tpu.vector_load %arg18[%get3A_1095] {strides = array<i32>} : memref<512xf32, #tpu.memory_space<vmem>>, vector<16xf32>,
    %add3A_1097 = arith.addf %get3A_1096, %get3A_471 : vector<16xf32>
    %get3A_1098 = arith.constant 496 : index
    %get3A_1099 = tpu.vector_load %arg19[%get3A_1098] {strides = array<i32>} : memref<512xf32, #tpu.memory_space<vmem>>, vector<16xf32>,
    %add3A_1100 = arith.addf %add3A_1097, %get3A_1099 : vector<16xf32>
    %add3A_1101 = arith.addf %gather3A_1093, %add3A_1100 : vector<16xf32>
    %swap3A_1102 = arith.constant 496 : index
    %swap3A_1103 = tpu.vector_load %arg22[%swap3A_1102] {strides = array<i32>} : memref<512xf32, #tpu.memory_space<vmem>>, vector<16xf32>,
    tpu.vector_store %arg22[%swap3A_1102], %add3A_1101 {strides = array<i32>} : memref<512xf32, #tpu.memory_space<vmem>>, vector<16xf32>,
    %get3A_1104 = arith.constant 496 : index
    %get3A_1105 = tpu.vector_load %arg20[%get3A_1104] {strides = array<i32>} : memref<512xf32, #tpu.memory_space<vmem>>, vector<16xf32>,
    %add3A_1106 = arith.addf %add3A_1097, %get3A_1105 : vector<16xf32>
    %add3A_1107 = arith.addf %gather3A_1094, %add3A_1106 : vector<16xf32>
    %swap3A_1108 = arith.constant 496 : index
    %swap3A_1109 = tpu.vector_load %arg23[%swap3A_1108] {strides = array<i32>} : memref<512xf32, #tpu.memory_space<vmem>>, vector<16xf32>,
    tpu.vector_store %arg23[%swap3A_1108], %add3A_1107 {strides = array<i32>} : memref<512xf32, #tpu.memory_space<vmem>>, vector<16xf32>,
    "tpu.region"() ({
      %run_scoped3A = tpu.sem_alloc : memref<!tpu.dma_semaphore, #tpu.memory_space<semaphore_mem>>
      %dma_start3A_1110 = tpu.memref_slice %arg10[%mul3A_2] : memref<16384xf32, #tpu.memory_space<hbm>> -> memref<512xf32, #tpu.memory_space<hbm>>
      %dma_start3A_1111 = tpu.memref_slice %arg10[%mul3A_2] : memref<16384xf32, #tpu.memory_space<hbm>> -> memref<512xf32, #tpu.memory_space<hbm>>
      tpu.enqueue_dma source(%arg22 : memref<512xf32, #tpu.memory_space<vmem>>) target(%dma_start3A_1111 : memref<512xf32, #tpu.memory_space<hbm>>) target_semaphore(%run_scoped3A : memref<!tpu.dma_semaphore, #tpu.memory_space<semaphore_mem>>)
      %dma_wait3A_1112 = tpu.memref_slice %arg10[%mul3A_2] : memref<16384xf32, #tpu.memory_space<hbm>> -> memref<512xf32, #tpu.memory_space<hbm>>
      %dma_wait3A_1113 = tpu.memref_slice %arg10[%mul3A_2] : memref<16384xf32, #tpu.memory_space<hbm>> -> memref<512xf32, #tpu.memory_space<hbm>>
      tpu.wait_dma2 semaphore(%run_scoped3A : memref<!tpu.dma_semaphore, #tpu.memory_space<semaphore_mem>>) src(%arg22 : memref<512xf32, #tpu.memory_space<vmem>>) dst(%dma_wait3A_1113 : memref<512xf32, #tpu.memory_space<hbm>>)
      tpu.yield
    }) : () -> ()
    "tpu.region"() ({
      %run_scoped3A = tpu.sem_alloc : memref<!tpu.dma_semaphore, #tpu.memory_space<semaphore_mem>>
      %dma_start3A_1110 = tpu.memref_slice %arg11[%mul3A_2] : memref<16384xf32, #tpu.memory_space<hbm>> -> memref<512xf32, #tpu.memory_space<hbm>>
      %dma_start3A_1111 = tpu.memref_slice %arg11[%mul3A_2] : memref<16384xf32, #tpu.memory_space<hbm>> -> memref<512xf32, #tpu.memory_space<hbm>>
      tpu.enqueue_dma source(%arg23 : memref<512xf32, #tpu.memory_space<vmem>>) target(%dma_start3A_1111 : memref<512xf32, #tpu.memory_space<hbm>>) target_semaphore(%run_scoped3A : memref<!tpu.dma_semaphore, #tpu.memory_space<semaphore_mem>>)
      %dma_wait3A_1112 = tpu.memref_slice %arg11[%mul3A_2] : memref<16384xf32, #tpu.memory_space<hbm>> -> memref<512xf32, #tpu.memory_space<hbm>>
      %dma_wait3A_1113 = tpu.memref_slice %arg11[%mul3A_2] : memref<16384xf32, #tpu.memory_space<hbm>> -> memref<512xf32, #tpu.memory_space<hbm>>
      tpu.wait_dma2 semaphore(%run_scoped3A : memref<!tpu.dma_semaphore, #tpu.memory_space<semaphore_mem>>) src(%arg23 : memref<512xf32, #tpu.memory_space<vmem>>) dst(%dma_wait3A_1113 : memref<512xf32, #tpu.memory_space<hbm>>)
      tpu.yield
    }) : () -> ()
    return
  }
}

</mosaic_0001>

<sc_bundles>
// kernel: kernel.3.cloned.1.call-start
scs
__scs_entry_jumppad:
0x0: {  	(pc) =	sbr.rel $0x88, $3  }
0x1: {  	(tag) =	ssettag $0x0;
	lr =	simm.s32 $0x1  }
0x2: {  	[smem:$0x3F99] =	sst lr;
	_ =	strace $0xD0000000  }
0x3: {  	_ = 	snop  }
0x4: {  	_ = 	snop  }
0x5: {  	_ = 	snop  }
0x6: {  	_ = 	snop  }
0x7: {  	_ = 	snop  }
__scs_overlays_trampoline_lowered:
0x8: {  	[smem:$0x3FA8] =	sst s0  }
0x9: {  	[smem:$0x3FA9] =	sst s1  }
0xa: {  	[smem:$0x3FAA] =	sst s2  }
0xb: {  	[smem:$0x3FAB] =	sst s3  }
0xc: {  	[smem:$0x3FAC] =	sst s4  }
0xd: {  	[smem:$0x3FAD] =	sst s5  }
0xe: {  	[smem:$0x3FAE] =	sst s6  }
0xf: {  	[smem:$0x3FAF] =	sst s7  }
0x10: {  	[smem:$0x3FB0] =	sst s8  }
0x11: {  	[smem:$0x3FB1] =	sst s9;
	s0 =	simm.s32 @!p0 $0x0  }
0x12: {  	s1 =	sld [smem:$0x3F97];
	s0 =	simm.s32 @p0 $0x1  }
0x13: {  	[smem:$0x3FB2] =	sst s0;
	s0 =	simm.s32 @!p1 $0x0  }
0x14: {  	s2 =	sld [smem:$0x3F96];
	s0 =	simm.s32 @p1 $0x1  }
0x15: {  	[smem:$0x3FB3] =	sst s0;
	s0 =	simm.s32 @!p2 $0x0  }
0x16: {  	s3 =	sld [smem:$0x3FDB];
	s0 =	simm.s32 @p2 $0x1  }
0x17: {  	s4 =	simm.s32 $0x1BF5;
	[smem:$0x3FB5] =	sst s0  }
0x18: {  	s0 =	sld [smem:$0x3F98];
	_ =	swait.ge [sflag:s4], $0x0  }
0x19: {  	s7 =	sld [smem:$0x3F99]  }
0x1a: {  	s8 =	sadd.s32 $0xFFFFE003, lr  }
0x1b: {  	s9 =	sadd.s32 $0xFFFFFEF7, lr;
	s5 =	simm.s32 $0xFFFFFFFF;
	p2 =	slt.u32 s8, $0xFFFFF086  }
0x1c: {  	p1 =	slt.u32 s9, $0xF7A;
	s5 =	simm.s32 @!p2 $0x0  }
0x1d: {  	s5 =	simm.s32 @p1 $0x1;
	p0 =	seq.s32 s7, s2  }
0x1e: {  	s7 =	smul.u32 @!p0 $0xF7A, s2;
	p2 =	seq.s32 @!p0 s5, $0x0  }
0x1f: {  	s9 =	smul.u32 $0xF7A, s1;
	s8 =	simm.s32 @!p0 $0x1BF5;
	p2 =	por !p2, p0  }
0x20: {  	[sflag:s8] =	ssyncset.s32 @!p0 $0xFFFFF086;
	s6 =	sadd.s32 @!p0 s3, s7;
	s7 =	simm.s32 @!p0 $0x108  }
0x21: {  	s3 =	sadd.s32 s3, s9;
	s6 =	sadd.s32 @!p0 $0x88, s6;
	s7 =	simm.s32 @p2 $0x1082  }
0x22: {  	[simem:s7], [sflag:s8] =	dma.local @!p0 [hbm:s6], $0xF7A  }
0x23: {  	s9 =	sor.u32 $0xD0000000, s2;
	s6 =	simm.s32 $0x108;
	_ =	swait.ge @!p0 [sflag:s8], $0x0  }
0x24: {  	s3 =	sadd.s32 $0x88, s3;
	s6 =	simm.s32 @!p1 $0x1082;
	[sflag:s4] =	ssyncset.s32 $0xFFFFF086  }
0x25: {  	[simem:s6], [sflag:s4] =	dma.local [hbm:s3], $0xF7A  }
0x26: {  	[smem:$0x3F99] =	sst s1;
	(tag) =	ssettag s2;
	_ =	strace s9  }
0x27: {  	s1 =	sld [smem:$0x3FA9]  }
0x28: {  	s2 =	sld [smem:$0x3FAA]  }
0x29: {  	s4 =	sld [smem:$0x3FAC]  }
0x2a: {  	p0 =	seq.s32 s5, $0x0;
	s5 =	sld [smem:$0x3FAD]  }
0x2b: {  	s6 =	sld [smem:$0x3FAE]  }
0x2c: {  	s7 =	sld [smem:$0x3FAF]  }
0x2d: {  	s3 =	simm.s32 $0x108;
	s8 =	sld [smem:$0x3FB0]  }
0x2e: {  	s3 =	simm.s32 @!p0 $0x1082;
	s9 =	sld [smem:$0x3FB1]  }
0x2f: {  	lr =	sadd.s32 s0, s3;
	s0 =	sld [smem:$0x3FA8]  }
0x30: {  	s3 =	sld [smem:$0x3FAB]  }
0x31: {  	[smem:$0x3FB4] =	sst s10  }
0x32: {  	s10 =	sld [smem:$0x3FB2];
	_ =	sdelay $0x3  }
0x33: {  	p0 =	seq.s32 s10, $0x1;
	s10 =	sld [smem:$0x3FB4];
	_ =	sdelay $0x3  }
0x34: {  	[smem:$0x3FB4] =	sst s10  }
0x35: {  	s10 =	sld [smem:$0x3FB3];
	_ =	sdelay $0x3  }
0x36: {  	p1 =	seq.s32 s10, $0x1;
	s10 =	sld [smem:$0x3FB4];
	_ =	sdelay $0x3  }
0x37: {  	[smem:$0x3FB4] =	sst s10  }
0x38: {  	s10 =	sld [smem:$0x3FB5]  }
0x39: {  	_ = 	snop;
	(pc) =	sbr.ind lr, $3  }
0x3a: {  	_ = 	snop  }
0x3b: {  	_ = 	snop  }
0x3c: {  	p2 =	seq.s32 s10, $0x1;
	s10 =	sld [smem:$0x3FB4]  }
0x3d: {  	_ =	shalt  }
0x3e: {  	_ =	shalt  }
0x3f: {  	_ =	shalt  }
0x40: {  	_ =	shalt  }
0x41: {  	_ =	shalt  }
0x42: {  	_ =	shalt  }
0x43: {  	_ =	shalt  }
0x44: {  	_ =	shalt  }
0x45: {  	_ =	shalt  }
0x46: {  	_ =	shalt  }
0x47: {  	_ =	shalt  }
0x48: {  	_ =	shalt  }
0x49: {  	_ =	shalt  }
0x4a: {  	_ =	shalt  }
0x4b: {  	_ =	shalt  }
0x4c: {  	_ =	shalt  }
0x4d: {  	_ =	shalt  }
0x4e: {  	_ =	shalt  }
0x4f: {  	_ =	shalt  }
0x50: {  	_ =	shalt  }
0x51: {  	_ =	shalt  }
0x52: {  	_ =	shalt  }
0x53: {  	_ =	shalt  }
0x54: {  	_ =	shalt  }
0x55: {  	_ =	shalt  }
0x56: {  	_ =	shalt  }
0x57: {  	_ =	shalt  }
0x58: {  	_ =	shalt  }
0x59: {  	_ =	shalt  }
0x5a: {  	_ =	shalt  }
0x5b: {  	_ =	shalt  }
0x5c: {  	_ =	shalt  }
0x5d: {  	_ =	shalt  }
0x5e: {  	_ =	shalt  }
0x5f: {  	_ =	shalt  }
0x60: {  	_ =	shalt  }
0x61: {  	_ =	shalt  }
0x62: {  	_ =	shalt  }
0x63: {  	_ =	shalt  }
0x64: {  	_ =	shalt  }
0x65: {  	_ =	shalt  }
0x66: {  	_ =	shalt  }
0x67: {  	_ =	shalt  }
0x68: {  	_ =	shalt  }
0x69: {  	_ =	shalt  }
0x6a: {  	_ =	shalt  }
0x6b: {  	_ =	shalt  }
0x6c: {  	_ =	shalt  }
0x6d: {  	_ =	shalt  }
0x6e: {  	_ =	shalt  }
0x6f: {  	_ =	shalt  }
0x70: {  	_ =	shalt  }
0x71: {  	_ =	shalt  }
0x72: {  	_ =	shalt  }
0x73: {  	_ =	shalt  }
0x74: {  	_ =	shalt  }
0x75: {  	_ =	shalt  }
0x76: {  	_ =	shalt  }
0x77: {  	_ =	shalt  }
0x78: {  	_ =	shalt  }
0x79: {  	_ =	shalt  }
0x7a: {  	_ =	shalt  }
0x7b: {  	_ =	shalt  }
0x7c: {  	_ =	shalt  }
0x7d: {  	_ =	shalt  }
0x7e: {  	_ =	shalt  }
0x7f: {  	_ =	shalt  }
0x80: {  	_ =	shalt  }
0x81: {  	_ =	shalt  }
0x82: {  	_ =	shalt  }
0x83: {  	_ =	shalt  }
0x84: {  	_ =	shalt  }
0x85: {  	_ =	shalt  }
0x86: {  	_ =	shalt  }
0x87: {  	_ =	shalt  }
.Lfunc_end0:
.L_simem_size_0:
called_computation_lowered:
.L_overlay_start_0:
0x88: {  	s2 =	sld [smem:$0x3FD9]  }
0x89: {  	s3 =	sld [smem:$0x3FFE];
	_ =	sdelay $0x1  }
0x8a: {  	s1 =	srdreg.scid  }
0x8b: {  	s0 =	sand.u32 $0x1, s1  }
0x8c: {  	s14 =	sshll.u32 s0, $0xA;
	s2 =	sadd.s32 s3, s2  }
0x8d: {  	s2 =	sadd.s32 s2, s14  }
0x8e: {  	[smem:$0x3FC0] =	sst s2  }
0x8f: {  	_ = 	snop  }
0x90: {  	s2 =	sld [smem:$0x3FD0]  }
0x91: {  	s15 =	sld [smem:$0x3FC9]  }
0x92: {  	s4 =	sld [smem:$0x3FC8]  }
0x93: {  	s6 =	simm.s32 $0xA;
	s7 =	simm.s32 $0x10;
	s5 =	sld [smem:$0x3FC7]  }
0x94: {  	[smem:s7], [sflag:s6] =	dma.local [hbm:s2], $0x1  }
0x95: {  	_ =	swait.eq [sflag:s6], $0x1  }
0x96: {  	[sflag:s6] =	ssyncset.done $0x0  }
0x97: {  	s16 =	sld [smem:$0x10];
	[sflag:s6] =	ssyncadd.s32 $0xFFFFFFFF  }
0x98: {  	s17 =	sld [smem:$0x11];
	(tm) =	ssettm $0x1  }
0x99: {  	s18 =	sld [smem:$0x3FFB];
	_ =	sdelay $0x3  }
0x9a: {  	_ =	strace s18  }
0x9b: {  	s7 =	sld [smem:$0x3FFC];
	_ =	sdelay $0x3  }
0x9c: {  	_ =	strace s7  }
0x9d: {  	s7 =	sld [smem:$0x3FFD];
	_ =	sdelay $0x3  }
0x9e: {  	_ =	strace s7  }
0x9f: {  	_ =	strace $0x8FFFFFFF  }
0xa0: {  	s19 =	sld [smem:$0x3FDB];
	_ =	sdelay $0x1  }
0xa1: {  	s8 =	simm.s32 $_scs_section_size  }
0xa2: {  	s9 =	simm.s32 $_size__tile_overlayer_lowered;
	s10 =	simm.s32 $_tile_overlayer_lowered  }
0xa3: {  	s22 =	simm.s32 $0x1BFF;
	s21 =	sshll.u32 s10, $0x1;
	s7 =	sadd.s32 s8, s19  }
0xa4: {  	s11 =	simm.s32 $0x0;
	s20 =	sshll.u32 s9, $0x1;
	s9 =	sadd.s32 s21, s7  }
0xa5: {  	[timem:s11], [sflag:s22] =	dma.local [hbm:s9], s20  }
0xa6: {  	_ =	swait.ge [sflag:s22], s20  }
0xa7: {  	s8 =	ssub.s32 $0x0, s20;
	[sflag:s22] =	ssyncset.done $0x0  }
0xa8: {  	[sflag:s22] =	ssyncadd.s32 s8;
	_ =	sdelay $0x1  }
0xa9: {  	s23 =	simm.s32 $0x1B8B  }
0xaa: {  	_ =	swait.ge [sflag:s23], $0x1  }
0xab: {  	[sflag:s23] =	ssyncset.done $0x0  }
0xac: {  	s25 =	simm.s32 $0x1B8E;
	s24 =	sld [smem:$0x3FFE];
	[sflag:s23] =	ssyncadd.s32 $0xFFFFFFFF  }
0xad: {  	s26 =	simm.s32 $execute0_lowered;
	[smem:$0x3FD2] =	sst s25  }
0xae: {  	s9 =	sshll.u32 s26, $0x1;
	_ =	strace $0x80000046;
	[dreg:$0x1] =	wrdreg $0xFFFFFFFF  }
0xaf: {  	s28 =	simm.s32 $_size_execute0_lowered;
	s7 =	sadd.s32 s7, s9;
	[dreg:$0x0] =	wrdreg $0x0  }
0xb0: {  	s9 =	sshll.u32 s28, $0x1;
	[dreg:$0x2] =	wrdreg s7  }
0xb1: {  	[dreg:$0x3] =	wrdreg s9  }
0xb2: {  	[dreg:$0x4] =	wrdreg $0xC0  }
0xb3: {  	_ =	task [dreg:s11], $0x5FFFF  }
0xb4: {  	[dreg:$0x1] =	wrdreg $0xFFFFFFFF  }
0xb5: {  	[dreg:$0x0] =	wrdreg $0x60  }
0xb6: {  	[dreg:$0x2] =	wrdreg s15  }
0xb7: {  	[dreg:$0x3] =	wrdreg s4  }
0xb8: {  	[dreg:$0x4] =	wrdreg s5  }
0xb9: {  	[dreg:$0x5] =	wrdreg s24  }
0xba: {  	[dreg:$0x6] =	wrdreg s16  }
0xbb: {  	[dreg:$0x7] =	wrdreg s17  }
0xbc: {  	[dreg:$0x8] =	wrdreg $0x9  }
0xbd: {  	_ =	task.clear_ibuf [dreg:s11], $0x9FFFF;
	_ =	strace $0x90000046  }
0xbe: {  	s29 =	simm.s32 $0x9;
	_ =	strace $0x80000048  }
0xbf: {  	_ =	swait.ge [sflag:s29], $0x1  }
0xc0: {  	[sflag:s29] =	ssyncadd.s32 $0xFFFFFFFF  }
0xc1: {  	_ =	strace $0x90000048  }
0xc2: {  	_ =	sfence  }
0xc3: {  	s30 =	sld [smem:$0x0];
	_ =	sdelay $0x2  }
0xc4: {  	s31 =	sshll.u32 s1, $0xD;
	s1 =	sshrl.u32 s1, $0x2  }
0xc5: {  	s3 =	sand.u32 $0x4000, s31;
	s1 =	sadd.s32 s1, s30  }
0xc6: {  	s0 =	sor.u32 s3, s0;
	s1 =	sshll.u32 s1, $0x11  }
0xc7: {  	s0 =	sor.u32 s1, s0  }
0xc8: {  	s0 =	sadd.s32 $0x8F2B, s0  }
0xc9: {  	[sflag:s0] =	ssyncadd.remote.s32 $0x1  }
0xca: {  	_ =	sfence.sel $0xFFFF  }
0xcb: {  	[dreg:$0x0] =	wrdreg $0xFFFFFFFF;
	(pc) =	sbr.abs _section_cstart, $3  }
0xcc: {  	[dreg:$0x1] =	wrdreg $0xFFFFFFFF  }
0xcd: {  	_ =	task.clear_ibuf [dreg:s11], $0x2FFFF;
	_ =	strace $0x9FFFFFFF  }
0xce: {  	(tm) =	ssettm $0x7FFFFFFF  }
0xcf: {  	_ =	shalt  }
tec
execute0_lowered:
.L_overlay_start_1:
0x0: {  	(tag) =	ssettag $0x1  }
0x1: {  	s0 =	rddreg [dreg:$0x0]  }
0x2: {  	s1 =	rddreg [dreg:$0x1]  }
0x3: {  	s7 =	rddreg [dreg:$0x2]  }
0x4: {  	s8 =	rddreg [dreg:$0x3]  }
0x5: {  	s2 =	srdreg.scid;
	s12 =	rddreg [dreg:$0x4]  }
0x6: {  	s11 =	stileid.u32;
	s13 =	rddreg [dreg:$0x5];
	s9 =	simm.s32 $0x1  }
0x7: {  	s16 =	simm.s32 $0x200;
	s17 =	simm.s32 $0x400;
	s19 =	simm.s32 $0x80  }
0x8: {  	s21 =	simm.s32 $0x2600;
	s22 =	simm.s32 $0x4600;
	s28 =	simm.s32 $0x280  }
0x9: {  	v0 =	vlaneseq.u32;
	s30 =	simm.s32 $0x480;
	s20 =	simm.s32 $0x100;
	s18 =	simm.s32 $0x180  }
0xa: {  	s31 =	simm.s32 $0x580;
	s6 =	sand.u32 $0x1, s2;
	s23 =	sshll.u32 s11, $0x1;
	v31 =	vmul.u32 $0x10, v0  }
0xb: {  	s2 =	simm.s32 $0x0;
	s3 =	sadd.s32 $0x112AC00, s8;
	s4 =	sadd.s32 $0xF42600, s8  }
0xc: {  	s5 =	sadd.s32 $0x1EC00, s8;
	s10 =	sor.u32 s6, s23;
	p1 =	seq.s32 s6, $0x1;
	v0 =	vor.u32 $0xF, v31;
	v1 =	vor.u32 $0x10F, v31  }
0xd: {  	[smem:$0x7FF] =	sst s2;
	s24 =	ssub.s32 $0x2, s6;
	p0 =	seq.s32 s10, $0x0;
	v2 =	vor.u32 $0x20F, v31;
	v3 =	vor.u32 $0x30F, v31;
	v4 =	vor.u32 $0x40F, v31  }
0xe: {  	s14 =	sshll.u32 s6, $0x9;
	s6 =	sadd.s32 $0x200, s8;
	v5 =	vor.u32 $0x50F, v31;
	v6 =	vor.u32 $0x60F, v31;
	v7 =	vor.u32 $0x70F, v31;
	p0 =	por !p0, !p1  }
0xf: {  	s8 =	sadd.s32 $0x3D600, s8;
	s23 =	simm.s32 $0x0;
	v8 =	vor.u32 $0x80F, v31;
	v9 =	vor.u32 $0x90F, v31;
	v10 =	vor.u32 $0xA0F, v31;
	p0 =	por !p0, !p0  }
0x10: {  	_ =	strace $0x80000047;
	s15 =	sshrl.u32 s24, $0x1;
	v11 =	vor.u32 $0xB0F, v31;
	v12 =	vor.u32 $0xC0F, v31;
	v13 =	vor.u32 $0xD0F, v31;
	s9 =	simm.s32 @!p0 $0x0  }
0x11: {  	[dreg:$0x7] =	wrdreg s8;
	s8 =	simm.s32 $0x1;
	v14 =	vor.u32 $0xE0F, v31;
	v15 =	vor.u32 $0xF0F, v31;
	v16 =	vor.u32 $0x100F, v31;
	s9 =	ssub.s32 s11, s9  }
0x12: {  	s29 =	sshll.u32 s10, $0x6;
	v17 =	vor.u32 $0x110F, v31;
	v18 =	vor.u32 $0x120F, v31;
	v19 =	vor.u32 $0x130F, v31;
	s25 =	ssub.s32 s24, s15;
	s9 =	sshll.u32 s9, $0xA  }
0x13: {  	v20 =	vor.u32 $0x140F, v31;
	v21 =	vor.u32 $0x150F, v31;
	v22 =	vor.u32 $0x160F, v31;
	s12 =	sadd.s32 s12, s29;
	s13 =	sadd.s32 s13, s29;
	s9 =	sor.u32 s14, s9  }
0x14: {  	v23 =	vor.u32 $0x170F, v31;
	v24 =	vor.u32 $0x180F, v31;
	v25 =	vor.u32 $0x190F, v31;
	s15 =	simm.s32 $0x2;
	s24 =	simm.s32 $0x300;
	s26 =	sshrl.u32 s9, $0x3  }
0x15: {  	v26 =	vor.u32 $0x1A0F, v31;
	v27 =	vor.u32 $0x1B0F, v31;
	v28 =	vor.u32 $0x1C0F, v31;
	s14 =	smax.u32 s25, $0x1;
	s25 =	simm.s32 $0x380;
	s9 =	sadd.s32 s0, s26  }
0x16: {  	v29 =	vor.u32 $0x1D0F, v31;
	v30 =	vor.u32 $0x1E0F, v31;
	v31 =	vor.u32 $0x1F0F, v31;
	s10 =	sadd.s32 s1, s26;
	s11 =	sadd.s32 s7, s26;
	s26 =	simm.s32 $0x500  }
.LBB2_1:
0x17: {  	[tilespmem:s2], [sflag:$0x2] =	stream.linear.gather [hbm4b:s9+s2], $0x200, $0x38;
	[tilespmem:$0x7010] =	vst v63  }
0x18: {  	_ =	swait.ge [sflag:s15], $0x200  }
0x19: {  	[sflag:s15] =	ssyncset.done $0x0  }
0x1a: {  	[sflag:s15] =	ssyncadd.s32 $0xFFFFFE00  }
0x1b: {  	[tilespmem:s16], [sflag:$0x2] =	stream.linear.gather [hbm4b:s10+s2], $0x200, $0x38;
	[tilespmem:$0x7010] =	vst v63  }
0x1c: {  	_ =	swait.ge [sflag:s15], $0x200  }
0x1d: {  	[sflag:s15] =	ssyncset.done $0x0  }
0x1e: {  	[sflag:s15] =	ssyncadd.s32 $0xFFFFFE00  }
0x1f: {  	[tilespmem:s17], [sflag:$0x2] =	stream.linear.gather [hbm4b:s11+s2], $0x200, $0x38;
	[tilespmem:$0x7010] =	vst v63  }
0x20: {  	_ =	swait.ge [sflag:s15], $0x200  }
0x21: {  	[sflag:s15] =	ssyncset.done $0x0  }
0x22: {  	s1 =	simm.s32 $0x6C00;
	s0 =	rddreg [dreg:$0x7];
	[sflag:s15] =	ssyncadd.s32 $0xFFFFFE00  }
0x23: {  	[tilespmem:s1], [sflag:$0x2] =	stream.linear.gather [hbm4b:s0+s2], $0x10, $0x38;
	[tilespmem:$0x7010] =	vst v63  }
0x24: {  	_ =	swait.ge [sflag:s15], $0x10  }
0x25: {  	[sflag:s15] =	ssyncset.done $0x0  }
0x26: {  	s1 =	simm.s32 $0x600;
	[sflag:s15] =	ssyncadd.s32 $0xFFFFFFF0  }
0x27: {  	[tilespmem:s1], [sflag:$0x1] =	stream.indirect.gather [hbm4b:s3+s19], $0x10, s2, s19, $0xb8;
	[tilespmem:$0x7010] =	vst v63  }
0x28: {  	_ = 	snop  }
0x29: {  	[tilespmem:s21], [sflag:$0x1] =	stream.indirect.gather [hbm4b:s4+s19], $0x10, s16, s19, $0xb8;
	[tilespmem:$0x7010] =	vst v63  }
0x2a: {  	_ = 	snop  }
0x2b: {  	[tilespmem:s22], [sflag:$0x1] =	stream.indirect.gather [hbm4b:s4+s19], $0x10, s17, s19, $0xb8;
	[tilespmem:$0x7010] =	vst v63  }
0x2c: {  	s7 =	simm.s32 $0x6600  }
0x2d: {  	[tilespmem:s7], [sflag:$0x1] =	stream.indirect.gather [hbm4b:s5+s19], $0x1, s2, s19, $0xb8;
	[tilespmem:$0x7010] =	vst v63  }
0x2e: {  	s1 =	simm.s32 $0x6800  }
0x2f: {  	[tilespmem:s1], [sflag:$0x1] =	stream.indirect.gather [hbm4b:s6+s19], $0x1, s16, s19, $0xb8;
	[tilespmem:$0x7010] =	vst v63  }
0x30: {  	s7 =	simm.s32 $0x6A00  }
0x31: {  	[tilespmem:s7], [sflag:$0x1] =	stream.indirect.gather [hbm4b:s6+s19], $0x1, s17, s19, $0xb8;
	[tilespmem:$0x7010] =	vst v63  }
0x32: {  	s1 =	simm.s32 $0xE00  }
0x33: {  	[tilespmem:s1], [sflag:$0x1] =	stream.indirect.gather [hbm4b:s3+s19], $0x10, s19, s19, $0xb8;
	[tilespmem:$0x7010] =	vst v63  }
0x34: {  	s7 =	simm.s32 $0x2E00  }
0x35: {  	[tilespmem:s7], [sflag:$0x1] =	stream.indirect.gather [hbm4b:s4+s19], $0x10, s28, s19, $0xb8;
	[tilespmem:$0x7010] =	vst v63  }
0x36: {  	s1 =	simm.s32 $0x4E00  }
0x37: {  	[tilespmem:s1], [sflag:$0x1] =	stream.indirect.gather [hbm4b:s4+s19], $0x10, s30, s19, $0xb8;
	[tilespmem:$0x7010] =	vst v63  }
0x38: {  	s7 =	simm.s32 $0x6680  }
0x39: {  	[tilespmem:s7], [sflag:$0x1] =	stream.indirect.gather [hbm4b:s5+s19], $0x1, s19, s19, $0xb8;
	[tilespmem:$0x7010] =	vst v63  }
0x3a: {  	s1 =	simm.s32 $0x6880  }
0x3b: {  	[tilespmem:s1], [sflag:$0x1] =	stream.indirect.gather [hbm4b:s6+s19], $0x1, s28, s19, $0xb8;
	[tilespmem:$0x7010] =	vst v63  }
0x3c: {  	s7 =	simm.s32 $0x6A80  }
0x3d: {  	[tilespmem:s7], [sflag:$0x1] =	stream.indirect.gather [hbm4b:s6+s19], $0x1, s30, s19, $0xb8;
	[tilespmem:$0x7010] =	vst v63  }
0x3e: {  	s1 =	simm.s32 $0x1600  }
0x3f: {  	[tilespmem:s1], [sflag:$0x1] =	stream.indirect.gather [hbm4b:s3+s19], $0x10, s20, s19, $0xb8;
	[tilespmem:$0x7010] =	vst v63  }
0x40: {  	s7 =	simm.s32 $0x3600  }
0x41: {  	[tilespmem:s7], [sflag:$0x1] =	stream.indirect.gather [hbm4b:s4+s19], $0x10, s24, s19, $0xb8;
	[tilespmem:$0x7010] =	vst v63  }
0x42: {  	s1 =	simm.s32 $0x5600  }
0x43: {  	[tilespmem:s1], [sflag:$0x1] =	stream.indirect.gather [hbm4b:s4+s19], $0x10, s26, s19, $0xb8;
	[tilespmem:$0x7010] =	vst v63  }
0x44: {  	s7 =	simm.s32 $0x6700  }
0x45: {  	[tilespmem:s7], [sflag:$0x1] =	stream.indirect.gather [hbm4b:s5+s19], $0x1, s20, s19, $0xb8;
	[tilespmem:$0x7010] =	vst v63  }
0x46: {  	s1 =	simm.s32 $0x6900  }
0x47: {  	[tilespmem:s1], [sflag:$0x1] =	stream.indirect.gather [hbm4b:s6+s19], $0x1, s24, s19, $0xb8;
	[tilespmem:$0x7010] =	vst v63  }
0x48: {  	s7 =	simm.s32 $0x6B00  }
0x49: {  	[tilespmem:s7], [sflag:$0x1] =	stream.indirect.gather [hbm4b:s6+s19], $0x1, s26, s19, $0xb8;
	[tilespmem:$0x7010] =	vst v63  }
0x4a: {  	s1 =	simm.s32 $0x1E00  }
0x4b: {  	[tilespmem:s1], [sflag:$0x1] =	stream.indirect.gather [hbm4b:s3+s19], $0x10, s18, s19, $0xb8;
	[tilespmem:$0x7010] =	vst v63  }
0x4c: {  	s7 =	simm.s32 $0x3E00  }
0x4d: {  	[tilespmem:s7], [sflag:$0x1] =	stream.indirect.gather [hbm4b:s4+s19], $0x10, s25, s19, $0xb8;
	[tilespmem:$0x7010] =	vst v63  }
0x4e: {  	s1 =	simm.s32 $0x5E00  }
0x4f: {  	[tilespmem:s1], [sflag:$0x1] =	stream.indirect.gather [hbm4b:s4+s19], $0x10, s31, s19, $0xb8;
	[tilespmem:$0x7010] =	vst v63  }
0x50: {  	s7 =	simm.s32 $0x6780  }
0x51: {  	[tilespmem:s7], [sflag:$0x1] =	stream.indirect.gather [hbm4b:s5+s19], $0x1, s18, s19, $0xb8;
	[tilespmem:$0x7010] =	vst v63  }
0x52: {  	s1 =	simm.s32 $0x6980  }
0x53: {  	[tilespmem:s1], [sflag:$0x1] =	stream.indirect.gather [hbm4b:s6+s19], $0x1, s25, s19, $0xb8;
	[tilespmem:$0x7010] =	vst v63  }
0x54: {  	s7 =	simm.s32 $0x6B80  }
0x55: {  	[tilespmem:s7], [sflag:$0x1] =	stream.indirect.gather [hbm4b:s6+s19], $0x1, s31, s19, $0xb8;
	[tilespmem:$0x7010] =	vst v63  }
0x56: {  	_ =	swait.ge [sflag:s8], $0x800  }
0x57: {  	[sflag:s8] =	ssyncset.done $0x0  }
0x58: {  	[sflag:s8] =	ssyncadd.s32 $0xFFFFF800  }
0x59: {  	_ =	swait.ge [sflag:s8], $0x800  }
0x5a: {  	[sflag:s8] =	ssyncset.done $0x0  }
0x5b: {  	[sflag:s8] =	ssyncadd.s32 $0xFFFFF800  }
0x5c: {  	_ =	swait.ge [sflag:s8], $0x800  }
0x5d: {  	[sflag:s8] =	ssyncset.done $0x0  }
0x5e: {  	[sflag:s8] =	ssyncadd.s32 $0xFFFFF800  }
0x5f: {  	_ =	swait.ge [sflag:s8], $0x80  }
0x60: {  	[sflag:s8] =	ssyncset.done $0x0  }
0x61: {  	[sflag:s8] =	ssyncadd.s32 $0xFFFFFF80  }
0x62: {  	_ =	swait.ge [sflag:s8], $0x80  }
0x63: {  	[sflag:s8] =	ssyncset.done $0x0  }
0x64: {  	[sflag:s8] =	ssyncadd.s32 $0xFFFFFF80  }
0x65: {  	_ =	swait.ge [sflag:s8], $0x80  }
0x66: {  	[sflag:s8] =	ssyncset.done $0x0  }
0x67: {  	[sflag:s8] =	ssyncadd.s32 $0xFFFFFF80  }
0x68: {  	_ =	swait.ge [sflag:s8], $0x800  }
0x69: {  	[sflag:s8] =	ssyncset.done $0x0  }
0x6a: {  	[sflag:s8] =	ssyncadd.s32 $0xFFFFF800  }
0x6b: {  	_ =	swait.ge [sflag:s8], $0x800  }
0x6c: {  	[sflag:s8] =	ssyncset.done $0x0  }
0x6d: {  	[sflag:s8] =	ssyncadd.s32 $0xFFFFF800  }
0x6e: {  	_ =	swait.ge [sflag:s8], $0x800  }
0x6f: {  	[sflag:s8] =	ssyncset.done $0x0  }
0x70: {  	[sflag:s8] =	ssyncadd.s32 $0xFFFFF800  }
0x71: {  	_ =	swait.ge [sflag:s8], $0x80  }
0x72: {  	[sflag:s8] =	ssyncset.done $0x0  }
0x73: {  	[sflag:s8] =	ssyncadd.s32 $0xFFFFFF80  }
0x74: {  	_ =	swait.ge [sflag:s8], $0x80  }
0x75: {  	[sflag:s8] =	ssyncset.done $0x0  }
0x76: {  	[sflag:s8] =	ssyncadd.s32 $0xFFFFFF80  }
0x77: {  	_ =	swait.ge [sflag:s8], $0x80  }
0x78: {  	[sflag:s8] =	ssyncset.done $0x0  }
0x79: {  	[sflag:s8] =	ssyncadd.s32 $0xFFFFFF80  }
0x7a: {  	_ =	swait.ge [sflag:s8], $0x800  }
0x7b: {  	[sflag:s8] =	ssyncset.done $0x0  }
0x7c: {  	[sflag:s8] =	ssyncadd.s32 $0xFFFFF800  }
0x7d: {  	_ =	swait.ge [sflag:s8], $0x800  }
0x7e: {  	[sflag:s8] =	ssyncset.done $0x0  }
0x7f: {  	[sflag:s8] =	ssyncadd.s32 $0xFFFFF800  }
0x80: {  	_ =	swait.ge [sflag:s8], $0x800  }
0x81: {  	[sflag:s8] =	ssyncset.done $0x0  }
0x82: {  	[sflag:s8] =	ssyncadd.s32 $0xFFFFF800  }
0x83: {  	_ =	swait.ge [sflag:s8], $0x80  }
0x84: {  	[sflag:s8] =	ssyncset.done $0x0  }
0x85: {  	[sflag:s8] =	ssyncadd.s32 $0xFFFFFF80  }
0x86: {  	_ =	swait.ge [sflag:s8], $0x80  }
0x87: {  	[sflag:s8] =	ssyncset.done $0x0  }
0x88: {  	[sflag:s8] =	ssyncadd.s32 $0xFFFFFF80  }
0x89: {  	_ =	swait.ge [sflag:s8], $0x80  }
0x8a: {  	[sflag:s8] =	ssyncset.done $0x0  }
0x8b: {  	[sflag:s8] =	ssyncadd.s32 $0xFFFFFF80  }
0x8c: {  	_ =	swait.ge [sflag:s8], $0x800  }
0x8d: {  	[sflag:s8] =	ssyncset.done $0x0  }
0x8e: {  	[sflag:s8] =	ssyncadd.s32 $0xFFFFF800  }
0x8f: {  	_ =	swait.ge [sflag:s8], $0x800  }
0x90: {  	[sflag:s8] =	ssyncset.done $0x0  }
0x91: {  	[sflag:s8] =	ssyncadd.s32 $0xFFFFF800  }
0x92: {  	_ =	swait.ge [sflag:s8], $0x800  }
0x93: {  	[sflag:s8] =	ssyncset.done $0x0  }
0x94: {  	[sflag:s8] =	ssyncadd.s32 $0xFFFFF800  }
0x95: {  	_ =	swait.ge [sflag:s8], $0x80  }
0x96: {  	[sflag:s8] =	ssyncset.done $0x0  }
0x97: {  	[sflag:s8] =	ssyncadd.s32 $0xFFFFFF80  }
0x98: {  	_ =	swait.ge [sflag:s8], $0x80  }
0x99: {  	[sflag:s8] =	ssyncset.done $0x0  }
0x9a: {  	[sflag:s8] =	ssyncadd.s32 $0xFFFFFF80  }
0x9b: {  	_ =	swait.ge [sflag:s8], $0x80  }
0x9c: {  	[sflag:s8] =	ssyncset.done $0x0  }
0x9d: {  	s29 =	simm.s32 $0x0;
	[sflag:s8] =	ssyncadd.s32 $0xFFFFFF80  }
0x9e: {  	v33 =	vld [tilespmem:s29+$0x2650]  }
0x9f: {  	v34 =	vld [tilespmem:s29+$0x650]  }
0xa0: {  	v35 =	vld [tilespmem:s29+$0x4650];
	_ =	sdelay $0x2  }
0xa1: {  	v32 =	vld [tilespmem:s29+$0x620]  }
0xa2: {  	v36 =	vld [tilespmem:s29+$0x4620];
	v33 =	vmul.f32 v33, v34  }
0xa3: {  	v37 =	vld [tilespmem:s29+$0x2610];
	v34 =	vmul.f32 v35, v34  }
0xa4: {  	v57 =	vld [tilespmem:s29+$0x610];
	(xrf2) =	vadd.scan.msk.f32 $0xffff, v33  }
0xa5: {  	v58 =	vld [tilespmem:s29+$0x2620];
	(xrf2) =	vadd.scan.msk.f32 $0xffff, v34  }
0xa6: {  	v59 =	vld [tilespmem:s29+$0x4610]  }
0xa7: {  	v60 =	vld [tilespmem:s29+$0x2630]  }
0xa8: {  	v40 =	vld [tilespmem:s29+$0x630]  }
0xa9: {  	v36 =	vmul.f32 v36, v32  }
0xaa: {  	v37 =	vmul.f32 v37, v57  }
0xab: {  	v32 =	vmul.f32 v58, v32;
	(xrf2) =	vadd.scan.msk.f32 $0xffff, v36  }
0xac: {  	v61 =	vmul.f32 v59, v57;
	(xrf2) =	vadd.scan.msk.f32 $0xffff, v37  }
0xad: {  	v38 =	vld [tilespmem:s29+$0x4640];
	v36 =	vmul.f32 v60, v40;
	(xrf2) =	vadd.scan.msk.f32 $0xffff, v32  }
0xae: {  	v39 =	vld [tilespmem:s29+$0x640];
	v48, _, _ =	vpop (xrf2);
	(xrf2) =	vadd.scan.msk.f32 $0xffff, v61  }
0xaf: {  	v49, _, _ =	vpop (xrf2);
	(xrf2) =	vadd.scan.msk.f32 $0xffff, v36;
	_ =	sdelay $0x1  }
0xb0: {  	v62 =	vld [tilespmem:s29+$0x670]  }
0xb1: {  	v63 =	vld [tilespmem:s29+$0x4670]  }
0xb2: {  	v52 =	vmul.f32 v38, v39;
	_ =	sdelay $0x1  }
0xb3: {  	v41 =	vld [tilespmem:s29+$0x660];
	v50, _, _ =	vpop (xrf2);
	(xrf2) =	vadd.scan.msk.f32 $0xffff, v52  }
0xb4: {  	v42 =	vld [tilespmem:s29+$0x2670];
	v44, _, _ =	vpop (xrf2)  }
0xb5: {  	v51 =	vld [tilespmem:s29+$0x2660];
	v34 =	vmul.f32 v63, v62;
	v54, _, _ =	vpop (xrf2)  }
0xb6: {  	v53 =	vld [tilespmem:s29+$0x2640];
	[tilespmem:s29+$0x2650] =	vst v48;
	v55, _, _ =	vpop (xrf2)  }
0xb7: {  	v43 =	vld [tilespmem:s29+$0x4660];
	[tilespmem:s29+$0x4650] =	vst v49;
	v57, _, _ =	vpop (xrf2);
	(xrf2) =	vadd.scan.msk.f32 $0xffff, v34  }
0xb8: {  	v45 =	vld [tilespmem:s29+$0x4630];
	[tilespmem:s29+$0x4620] =	vst v50  }
0xb9: {  	v56 =	vld [tilespmem:s29+$0x2600];
	[tilespmem:s29+$0x2610] =	vst v44  }
0xba: {  	v33 =	vmul.f32 v51, v41;
	v37 =	vld [tilespmem:s29+$0x600];
	[tilespmem:s29+$0x2620] =	vst v54  }
0xbb: {  	s1 =	simm.s32 $0x80;
	v58 =	vmul.f32 v53, v39;
	v50 =	vld [tilespmem:s29+$0x4600];
	[tilespmem:s29+$0x4610] =	vst v55  }
0xbc: {  	v35 =	vld [tilespmem:s1+$0x620];
	(xrf2) =	vadd.scan.msk.f32 $0xffff, v33  }
0xbd: {  	v46 =	vld [tilespmem:s1+$0x4610];
	v60, _, _ =	vpop (xrf2);
	(xrf2) =	vadd.scan.msk.f32 $0xffff, v58  }
0xbe: {  	v32 =	vmul.f32 v42, v62;
	v47 =	vld [tilespmem:s1+$0x2650];
	[tilespmem:s29+$0x2630] =	vst v57  }
0xbf: {  	v40 =	vmul.f32 v45, v40;
	v59 =	vld [tilespmem:s1+$0x4650]  }
0xc0: {  	v61 =	vld [tilespmem:s1+$0x2610];
	[tilespmem:s29+$0x4640] =	vst v60;
	(xrf2) =	vadd.scan.msk.f32 $0xffff, v32  }
0xc1: {  	v48 =	vld [tilespmem:s1+$0x2630];
	v51, _, _ =	vpop (xrf2);
	(xrf2) =	vadd.scan.msk.f32 $0xffff, v40  }
0xc2: {  	v43 =	vmul.f32 v43, v41;
	v36 =	vld [tilespmem:s1+$0x4640]  }
0xc3: {  	v62 =	vld [tilespmem:s1+$0x650]  }
0xc4: {  	v49 =	vld [tilespmem:s1+$0x610];
	(xrf2) =	vadd.scan.msk.f32 $0xffff, v43  }
0xc5: {  	v44 =	vmul.f32 v56, v37;
	v32 =	vld [tilespmem:s1+$0x630]  }
0xc6: {  	v33 =	vld [tilespmem:s1+$0x640];
	v40, _, _ =	vpop (xrf2)  }
0xc7: {  	v41 =	vld [tilespmem:s1+$0x2620];
	v52, _, _ =	vpop (xrf2);
	(xrf2) =	vadd.scan.msk.f32 $0xffff, v44  }
0xc8: {  	v63 =	vmul.f32 v50, v37;
	v45 =	vld [tilespmem:s1+$0x4620];
	v42 =	vmul.f32 v59, v62  }
0xc9: {  	v34 =	vld [tilespmem:s1+$0x660];
	v38 =	vmul.f32 v46, v49;
	v39 =	vmul.f32 v61, v49;
	[tilespmem:s29+$0x4670] =	vst v51  }
0xca: {  	s0 =	simm.s32 $0x400;
	v37 =	vmul.f32 v48, v32;
	v43 =	vmul.f32 v47, v62;
	[tilespmem:s29+$0x2640] =	vst v52;
	v44, _, _ =	vpop (xrf2);
	(xrf2) =	vadd.scan.msk.f32 $0xffff, v63  }
.LBB2_2:
0xcb: {  	p0 =	sne.s32 s0, $0x7E00;
	v36 =	vmul.f32 v36, v33;
	[tilespmem:s29+$0x2660] =	vst v40;
	v40, _, _ =	vpop (xrf2);
	s7 =	smov.u32 s0;
	s0 =	sadd.s32 $0x200, s0  }
0xcc: {  	v41 =	vmul.f32 v41, v35;
	[tilespmem:s29+$0x4630] =	vst v40  }
0xcd: {  	v35 =	vmul.f32 v45, v35;
	(xrf2) =	vadd.scan.msk.f32 $0xffff, v43;
	[tilespmem:s29+$0x2670] =	vst v44  }
0xce: {  	v40, _, _ =	vpop (xrf2)  }
0xcf: {  	[tilespmem:s29+$0x4660] =	vst v40  }
0xd0: {  	(xrf2) =	vadd.scan.msk.f32 $0xffff, v42  }
0xd1: {  	v40, _, _ =	vpop (xrf2)  }
0xd2: {  	v44 =	vld [tilespmem:s1+$0x600]  }
0xd3: {  	v42 =	vld [tilespmem:s1+$0x670];
	(xrf2) =	vadd.scan.msk.f32 $0xffff, v35  }
0xd4: {  	[tilespmem:s29+$0x2600] =	vst v40;
	v35, _, _ =	vpop (xrf2);
	_ =	sdelay $0x1  }
0xd5: {  	v40 =	vld [tilespmem:s1+$0x4670];
	(xrf2) =	vadd.scan.msk.f32 $0xffff, v39  }
0xd6: {  	v39, _, _ =	vpop (xrf2);
	[tilespmem:s29+$0x4600] =	vst v35;
	s29 =	smov.u32 s1;
	_ =	sdelay $0x1  }
0xd7: {  	(xrf2) =	vadd.scan.msk.f32 $0xffff, v41  }
0xd8: {  	v35 =	vld [tilespmem:s29+$0x2670];
	v41, _, _ =	vpop (xrf2)  }
0xd9: {  	v40 =	vmul.f32 v40, v42  }
0xda: {  	(xrf2) =	vadd.scan.msk.f32 $0xffff, v38  }
0xdb: {  	[tilespmem:s29+$0x4650] =	vst v41;
	v38, _, _ =	vpop (xrf2)  }
0xdc: {  	[tilespmem:s29+$0x4620] =	vst v38;
	v38 =	vld [tilespmem:s29+$0x2660]  }
0xdd: {  	v41 =	vmul.f32 v35, v42;
	(xrf2) =	vadd.scan.msk.f32 $0xffff, v37  }
0xde: {  	v35 =	vld [tilespmem:s29+$0x4660];
	v37, _, _ =	vpop (xrf2);
	_ =	sdelay $0x1  }
0xdf: {  	v42 =	vld [tilespmem:s29+$0x2640];
	(xrf2) =	vadd.scan.msk.f32 $0xffff, v36  }
0xe0: {  	v36 =	vld [tilespmem:s29+$0x4630];
	[tilespmem:s29+$0x2650] =	vst v39;
	v38 =	vmul.f32 v38, v34;
	v39, _, _ =	vpop (xrf2)  }
0xe1: {  	[tilespmem:s29+$0x2620] =	vst v39  }
0xe2: {  	[tilespmem:s29+$0x2610] =	vst v37;
	v34 =	vmul.f32 v35, v34;
	(xrf2) =	vadd.scan.msk.f32 $0xffff, v40  }
0xe3: {  	v35, _, _ =	vpop (xrf2)  }
0xe4: {  	[tilespmem:s29+$0x4610] =	vst v35;
	v33 =	vmul.f32 v42, v33  }
0xe5: {  	s1 =	sshra.s32 s7, $0x2;
	v37 =	vld [tilespmem:s29+$0x2600];
	v32 =	vmul.f32 v36, v32;
	(xrf2) =	vadd.scan.msk.f32 $0xffff, v38  }
0xe6: {  	v35 =	vld [tilespmem:s1+$0x620];
	v36, _, _ =	vpop (xrf2)  }
0xe7: {  	v38 =	vld [tilespmem:s1+$0x4610]  }
0xe8: {  	v39 =	vld [tilespmem:s1+$0x2650];
	[tilespmem:s29+$0x2630] =	vst v36;
	(xrf2) =	vadd.scan.msk.f32 $0xffff, v33  }
0xe9: {  	v42 =	vld [tilespmem:s1+$0x4650];
	v33, _, _ =	vpop (xrf2)  }
0xea: {  	v46 =	vld [tilespmem:s1+$0x2610];
	v37 =	vmul.f32 v37, v44;
	[tilespmem:s29+$0x4640] =	vst v33  }
0xeb: {  	v47 =	vld [tilespmem:s1+$0x2630];
	(xrf2) =	vadd.scan.msk.f32 $0xffff, v41  }
0xec: {  	v36 =	vld [tilespmem:s1+$0x4640];
	v48, _, _ =	vpop (xrf2)  }
0xed: {  	v45 =	vld [tilespmem:s1+$0x650]  }
0xee: {  	v49 =	vld [tilespmem:s1+$0x610];
	(xrf2) =	vadd.scan.msk.f32 $0xffff, v32  }
0xef: {  	v33 =	vld [tilespmem:s1+$0x640];
	v40, _, _ =	vpop (xrf2)  }
0xf0: {  	v50 =	vld [tilespmem:s29+$0x4600]  }
0xf1: {  	(xrf2) =	vadd.scan.msk.f32 $0xffff, v34  }
0xf2: {  	v32 =	vld [tilespmem:s1+$0x630];
	v51, _, _ =	vpop (xrf2)  }
.Ltmp0:
0xf3: {  	v34 =	vld [tilespmem:s1+$0x660];
	(pc) =	sbr.rel @p0 .LBB2_2-.Ltmp0, $4  }
0xf4: {  	v43 =	vmul.f32 v39, v45;
	v42 =	vmul.f32 v42, v45;
	v41 =	vld [tilespmem:s1+$0x2620];
	(xrf2) =	vadd.scan.msk.f32 $0xffff, v37  }
0xf5: {  	v38 =	vmul.f32 v38, v49;
	v45 =	vld [tilespmem:s1+$0x4620];
	v50 =	vmul.f32 v50, v44;
	v44, _, _ =	vpop (xrf2)  }
0xf6: {  	v39 =	vmul.f32 v46, v49;
	[tilespmem:s29+$0x2640] =	vst v51  }
0xf7: {  	v37 =	vmul.f32 v47, v32;
	[tilespmem:s29+$0x4670] =	vst v48;
	(xrf2) =	vadd.scan.msk.f32 $0xffff, v50  }
0xf8: {  	_ = 	snop  }
0xf9: {  	(xrf2) =	vadd.scan.msk.f32 $0xffff, v43  }
0xfa: {  	v45 =	vmul.f32 v45, v35  }
0xfb: {  	(xrf2) =	vadd.scan.msk.f32 $0xffff, v42  }
0xfc: {  	[tilespmem:s29+$0x2660] =	vst v40;
	(xrf2) =	vadd.scan.msk.f32 $0xffff, v45  }
0xfd: {  	v58, _, _ =	vpop (xrf2);
	[tilespmem:s29+$0x2670] =	vst v44  }
0xfe: {  	[tilespmem:s29+$0x4630] =	vst v58;
	v59, _, _ =	vpop (xrf2)  }
0xff: {  	v60 =	vmul.f32 v41, v35;
	[tilespmem:s29+$0x4660] =	vst v59;
	(xrf2) =	vadd.scan.msk.f32 $0xffff, v39  }
0x100: {  	v40 =	vld [tilespmem:s1+$0x600];
	v61, _, _ =	vpop (xrf2)  }
0x101: {  	v42 =	vld [tilespmem:s1+$0x670];
	(xrf2) =	vadd.scan.msk.f32 $0xffff, v60;
	[tilespmem:s29+$0x2600] =	vst v61;
	v62, _, _ =	vpop (xrf2)  }
0x102: {  	v63 =	vld [tilespmem:s1+$0x4670];
	[tilespmem:s29+$0x4600] =	vst v62  }
0x103: {  	v48, _, _ =	vpop (xrf2);
	(xrf2) =	vadd.scan.msk.f32 $0xffff, v38;
	v53 =	vld [tilespmem:s1+$0x2660]  }
0x104: {  	v49 =	vmul.f32 v36, v33;
	v55 =	vld [tilespmem:s1+$0x2640]  }
0x105: {  	v50 =	vld [tilespmem:s1+$0x2670];
	v51, _, _ =	vpop (xrf2);
	(xrf2) =	vadd.scan.msk.f32 $0xffff, v37  }
0x106: {  	v44 =	vld [tilespmem:s1+$0x4630];
	v52, _, _ =	vpop (xrf2);
	(xrf2) =	vadd.scan.msk.f32 $0xffff, v49  }
0x107: {  	v54 =	vld [tilespmem:s1+$0x4660];
	v39 =	vmul.f32 v63, v42  }
0x108: {  	v59 =	vld [tilespmem:s1+$0x2600];
	v35 =	vmul.f32 v53, v34  }
0x109: {  	v36 =	vld [tilespmem:s1+$0x4600];
	v56, _, _ =	vpop (xrf2);
	(xrf2) =	vadd.scan.msk.f32 $0xffff, v39;
	v61 =	vmul.f32 v55, v33  }
0x10a: {  	v63 =	vmul.f32 v50, v42;
	(xrf2) =	vadd.scan.msk.f32 $0xffff, v35  }
0x10b: {  	v57, _, _ =	vpop (xrf2);
	v32 =	vmul.f32 v44, v32;
	(xrf2) =	vadd.scan.msk.f32 $0xffff, v61  }
0x10c: {  	[tilespmem:s1+$0x2650] =	vst v48;
	v38 =	vmul.f32 v54, v34;
	(xrf2) =	vadd.scan.msk.f32 $0xffff, v63  }
0x10d: {  	[tilespmem:s1+$0x4650] =	vst v51;
	v39 =	vmul.f32 v59, v40;
	v58, _, _ =	vpop (xrf2);
	(xrf2) =	vadd.scan.msk.f32 $0xffff, v32  }
0x10e: {  	[tilespmem:s1+$0x4620] =	vst v52;
	v33 =	vmul.f32 v36, v40;
	(xrf2) =	vadd.scan.msk.f32 $0xffff, v38  }
0x10f: {  	[tilespmem:s1+$0x2610] =	vst v56;
	v60, _, _ =	vpop (xrf2);
	(xrf2) =	vadd.scan.msk.f32 $0xffff, v39  }
0x110: {  	[tilespmem:s1+$0x2620] =	vst v57;
	v62, _, _ =	vpop (xrf2);
	(xrf2) =	vadd.scan.msk.f32 $0xffff, v33  }
0x111: {  	[tilespmem:s1+$0x4610] =	vst v58  }
0x112: {  	[tilespmem:s1+$0x2630] =	vst v60  }
0x113: {  	[tilespmem:s1+$0x4640] =	vst v62;
	v41, _, _ =	vpop (xrf2)  }
0x114: {  	[tilespmem:s1+$0x4670] =	vst v41;
	v42, _, _ =	vpop (xrf2)  }
0x115: {  	v43, _, _ =	vpop (xrf2);
	[tilespmem:s1+$0x2660] =	vst v42  }
0x116: {  	[tilespmem:s1+$0x2640] =	vst v43;
	v44, _, _ =	vpop (xrf2)  }
0x117: {  	v45, _, _ =	vpop (xrf2);
	[tilespmem:s1+$0x2670] =	vst v44  }
0x118: {  	[tilespmem:s1+$0x4630] =	vst v45;
	v46, _, _ =	vpop (xrf2)  }
0x119: {  	[tilespmem:s1+$0x4660] =	vst v46;
	v47, _, _ =	vpop (xrf2)  }
0x11a: {  	[tilespmem:s1+$0x2600] =	vst v47;
	v48, _, _ =	vpop (xrf2)  }
0x11b: {  	[tilespmem:s1+$0x4600] =	vst v48  }
0x11c: {  	v32 =	vld [tilespmem:$0x6C00]  }
0x11d: {  	v33 =	vld [tilespmem:$0x6600];
	_ =	sdelay $0x1  }
0x11e: {  	v34 =	vld [tilespmem:$0x6800]  }
0x11f: {  	v49 =	vld [tilespmem:$0x6A00]  }
0x120: {  	v50 =	vld.idx.msk [tilespmem:v0+s21+$0x0], $0xffff  }
0x121: {  	v51 =	vld.idx.msk [tilespmem:v0+s22+$0x0], $0xffff;
	v33 =	vadd.f32 v33, v32;
	_ =	sdelay $0x1  }
0x122: {  	v34 =	vadd.f32 v34, v33  }
0x123: {  	v33 =	vadd.f32 v49, v33  }
0x124: {  	v52 =	vld [tilespmem:$0x6610];
	v34 =	vadd.f32 v34, v50  }
0x125: {  	v33 =	vadd.f32 v33, v51  }
0x126: {  	v53 =	vld [tilespmem:$0x6810];
	[tilespmem:$0x6C10] =	vst v34  }
0x127: {  	v54 =	vld [tilespmem:$0x6A10];
	[tilespmem:$0x6E10] =	vst v33  }
0x128: {  	v55 =	vld.idx.msk [tilespmem:v1+s21+$0x0], $0xffff  }
0x129: {  	v35 =	vadd.f32 v52, v32;
	v56 =	vld.idx.msk [tilespmem:v1+s22+$0x0], $0xffff;
	_ =	sdelay $0x1  }
0x12a: {  	v34 =	vadd.f32 v53, v35  }
0x12b: {  	v33 =	vadd.f32 v54, v35  }
0x12c: {  	v57 =	vld [tilespmem:$0x6620];
	v34 =	vadd.f32 v34, v55  }
0x12d: {  	v33 =	vadd.f32 v33, v56  }
0x12e: {  	v58 =	vld [tilespmem:$0x6820];
	[tilespmem:$0x6C20] =	vst v34  }
0x12f: {  	v59 =	vld [tilespmem:$0x6A20];
	[tilespmem:$0x6E20] =	vst v33  }
0x130: {  	v60 =	vld.idx.msk [tilespmem:v2+s21+$0x0], $0xffff  }
0x131: {  	v35 =	vadd.f32 v57, v32;
	v61 =	vld.idx.msk [tilespmem:v2+s22+$0x0], $0xffff;
	_ =	sdelay $0x1  }
0x132: {  	v34 =	vadd.f32 v58, v35  }
0x133: {  	v33 =	vadd.f32 v59, v35  }
0x134: {  	v62 =	vld [tilespmem:$0x6630];
	v34 =	vadd.f32 v34, v60  }
0x135: {  	v33 =	vadd.f32 v33, v61  }
0x136: {  	v63 =	vld [tilespmem:$0x6830];
	[tilespmem:$0x6C30] =	vst v34  }
0x137: {  	v40 =	vld [tilespmem:$0x6A30];
	[tilespmem:$0x6E30] =	vst v33  }
0x138: {  	v41 =	vld.idx.msk [tilespmem:v3+s21+$0x0], $0xffff  }
0x139: {  	v35 =	vadd.f32 v62, v32;
	v42 =	vld.idx.msk [tilespmem:v3+s22+$0x0], $0xffff;
	_ =	sdelay $0x1  }
0x13a: {  	v34 =	vadd.f32 v63, v35  }
0x13b: {  	v33 =	vadd.f32 v40, v35  }
0x13c: {  	v43 =	vld [tilespmem:$0x6640];
	v34 =	vadd.f32 v34, v41  }
0x13d: {  	v33 =	vadd.f32 v33, v42  }
0x13e: {  	v44 =	vld [tilespmem:$0x6840];
	[tilespmem:$0x6C40] =	vst v34  }
0x13f: {  	v45 =	vld [tilespmem:$0x6A40];
	[tilespmem:$0x6E40] =	vst v33  }
0x140: {  	v46 =	vld.idx.msk [tilespmem:v4+s21+$0x0], $0xffff  }
0x141: {  	v35 =	vadd.f32 v43, v32;
	v47 =	vld.idx.msk [tilespmem:v4+s22+$0x0], $0xffff;
	_ =	sdelay $0x1  }
0x142: {  	v34 =	vadd.f32 v44, v35  }
0x143: {  	v33 =	vadd.f32 v45, v35  }
0x144: {  	v48 =	vld [tilespmem:$0x6650];
	v34 =	vadd.f32 v34, v46  }
0x145: {  	v33 =	vadd.f32 v33, v47  }
0x146: {  	v49 =	vld [tilespmem:$0x6850];
	[tilespmem:$0x6C50] =	vst v34  }
0x147: {  	v50 =	vld [tilespmem:$0x6A50];
	[tilespmem:$0x6E50] =	vst v33  }
0x148: {  	v51 =	vld.idx.msk [tilespmem:v5+s21+$0x0], $0xffff  }
0x149: {  	v35 =	vadd.f32 v48, v32;
	v52 =	vld.idx.msk [tilespmem:v5+s22+$0x0], $0xffff;
	_ =	sdelay $0x1  }
0x14a: {  	v34 =	vadd.f32 v49, v35  }
0x14b: {  	v33 =	vadd.f32 v50, v35  }
0x14c: {  	v53 =	vld [tilespmem:$0x6660];
	v34 =	vadd.f32 v34, v51  }
0x14d: {  	v33 =	vadd.f32 v33, v52  }
0x14e: {  	v54 =	vld [tilespmem:$0x6860];
	[tilespmem:$0x6C60] =	vst v34  }
0x14f: {  	v55 =	vld [tilespmem:$0x6A60];
	[tilespmem:$0x6E60] =	vst v33  }
0x150: {  	v56 =	vld.idx.msk [tilespmem:v6+s21+$0x0], $0xffff  }
0x151: {  	v35 =	vadd.f32 v53, v32;
	v57 =	vld.idx.msk [tilespmem:v6+s22+$0x0], $0xffff;
	_ =	sdelay $0x1  }
0x152: {  	v34 =	vadd.f32 v54, v35  }
0x153: {  	v33 =	vadd.f32 v55, v35  }
0x154: {  	v58 =	vld [tilespmem:$0x6670];
	v34 =	vadd.f32 v34, v56  }
0x155: {  	v33 =	vadd.f32 v33, v57  }
0x156: {  	v59 =	vld [tilespmem:$0x6870];
	[tilespmem:$0x6C70] =	vst v34  }
0x157: {  	v60 =	vld [tilespmem:$0x6A70];
	[tilespmem:$0x6E70] =	vst v33  }
0x158: {  	v61 =	vld.idx.msk [tilespmem:v7+s21+$0x0], $0xffff  }
0x159: {  	v35 =	vadd.f32 v58, v32;
	v62 =	vld.idx.msk [tilespmem:v7+s22+$0x0], $0xffff;
	_ =	sdelay $0x1  }
0x15a: {  	v34 =	vadd.f32 v59, v35  }
0x15b: {  	v33 =	vadd.f32 v60, v35  }
0x15c: {  	v63 =	vld [tilespmem:$0x6680];
	v34 =	vadd.f32 v34, v61  }
0x15d: {  	v33 =	vadd.f32 v33, v62  }
0x15e: {  	v40 =	vld [tilespmem:$0x6880];
	[tilespmem:$0x6C80] =	vst v34  }
0x15f: {  	v41 =	vld [tilespmem:$0x6A80];
	[tilespmem:$0x6E80] =	vst v33  }
0x160: {  	v42 =	vld.idx.msk [tilespmem:v8+s21+$0x0], $0xffff  }
0x161: {  	v35 =	vadd.f32 v63, v32;
	v43 =	vld.idx.msk [tilespmem:v8+s22+$0x0], $0xffff;
	_ =	sdelay $0x1  }
0x162: {  	v34 =	vadd.f32 v40, v35  }
0x163: {  	v33 =	vadd.f32 v41, v35  }
0x164: {  	v44 =	vld [tilespmem:$0x6690];
	v34 =	vadd.f32 v34, v42  }
0x165: {  	v33 =	vadd.f32 v33, v43  }
0x166: {  	v45 =	vld [tilespmem:$0x6890];
	[tilespmem:$0x6C90] =	vst v34  }
0x167: {  	v46 =	vld [tilespmem:$0x6A90];
	[tilespmem:$0x6E90] =	vst v33  }
0x168: {  	v47 =	vld.idx.msk [tilespmem:v9+s21+$0x0], $0xffff  }
0x169: {  	v35 =	vadd.f32 v44, v32;
	v48 =	vld.idx.msk [tilespmem:v9+s22+$0x0], $0xffff;
	_ =	sdelay $0x1  }
0x16a: {  	v34 =	vadd.f32 v45, v35  }
0x16b: {  	v33 =	vadd.f32 v46, v35  }
0x16c: {  	v49 =	vld [tilespmem:$0x66A0];
	v34 =	vadd.f32 v34, v47  }
0x16d: {  	v33 =	vadd.f32 v33, v48  }
0x16e: {  	v50 =	vld [tilespmem:$0x68A0];
	[tilespmem:$0x6CA0] =	vst v34  }
0x16f: {  	v51 =	vld [tilespmem:$0x6AA0];
	[tilespmem:$0x6EA0] =	vst v33  }
0x170: {  	v52 =	vld.idx.msk [tilespmem:v10+s21+$0x0], $0xffff  }
0x171: {  	v35 =	vadd.f32 v49, v32;
	v53 =	vld.idx.msk [tilespmem:v10+s22+$0x0], $0xffff;
	_ =	sdelay $0x1  }
0x172: {  	v34 =	vadd.f32 v50, v35  }
0x173: {  	v33 =	vadd.f32 v51, v35  }
0x174: {  	v54 =	vld [tilespmem:$0x66B0];
	v34 =	vadd.f32 v34, v52  }
0x175: {  	v33 =	vadd.f32 v33, v53  }
0x176: {  	v55 =	vld [tilespmem:$0x68B0];
	[tilespmem:$0x6CB0] =	vst v34  }
0x177: {  	v56 =	vld [tilespmem:$0x6AB0];
	[tilespmem:$0x6EB0] =	vst v33  }
0x178: {  	v57 =	vld.idx.msk [tilespmem:v11+s21+$0x0], $0xffff  }
0x179: {  	v35 =	vadd.f32 v54, v32;
	v58 =	vld.idx.msk [tilespmem:v11+s22+$0x0], $0xffff;
	_ =	sdelay $0x1  }
0x17a: {  	v34 =	vadd.f32 v55, v35  }
0x17b: {  	v33 =	vadd.f32 v56, v35  }
0x17c: {  	v59 =	vld [tilespmem:$0x66C0];
	v34 =	vadd.f32 v34, v57  }
0x17d: {  	v33 =	vadd.f32 v33, v58  }
0x17e: {  	v60 =	vld [tilespmem:$0x68C0];
	[tilespmem:$0x6CC0] =	vst v34  }
0x17f: {  	v61 =	vld [tilespmem:$0x6AC0];
	[tilespmem:$0x6EC0] =	vst v33  }
0x180: {  	v62 =	vld.idx.msk [tilespmem:v12+s21+$0x0], $0xffff  }
0x181: {  	v35 =	vadd.f32 v59, v32;
	v63 =	vld.idx.msk [tilespmem:v12+s22+$0x0], $0xffff;
	_ =	sdelay $0x1  }
0x182: {  	v34 =	vadd.f32 v60, v35  }
0x183: {  	v33 =	vadd.f32 v61, v35  }
0x184: {  	v40 =	vld [tilespmem:$0x66D0];
	v34 =	vadd.f32 v34, v62  }
0x185: {  	v33 =	vadd.f32 v33, v63  }
0x186: {  	v41 =	vld [tilespmem:$0x68D0];
	[tilespmem:$0x6CD0] =	vst v34  }
0x187: {  	v42 =	vld [tilespmem:$0x6AD0];
	[tilespmem:$0x6ED0] =	vst v33  }
0x188: {  	v43 =	vld.idx.msk [tilespmem:v13+s21+$0x0], $0xffff  }
0x189: {  	v35 =	vadd.f32 v40, v32;
	v44 =	vld.idx.msk [tilespmem:v13+s22+$0x0], $0xffff;
	_ =	sdelay $0x1  }
0x18a: {  	v34 =	vadd.f32 v41, v35  }
0x18b: {  	v33 =	vadd.f32 v42, v35  }
0x18c: {  	v45 =	vld [tilespmem:$0x66E0];
	v34 =	vadd.f32 v34, v43  }
0x18d: {  	v33 =	vadd.f32 v33, v44  }
0x18e: {  	v46 =	vld [tilespmem:$0x68E0];
	[tilespmem:$0x6CE0] =	vst v34  }
0x18f: {  	v47 =	vld [tilespmem:$0x6AE0];
	[tilespmem:$0x6EE0] =	vst v33  }
0x190: {  	v48 =	vld.idx.msk [tilespmem:v14+s21+$0x0], $0xffff  }
0x191: {  	v35 =	vadd.f32 v45, v32;
	v49 =	vld.idx.msk [tilespmem:v14+s22+$0x0], $0xffff;
	_ =	sdelay $0x1  }
0x192: {  	v34 =	vadd.f32 v46, v35  }
0x193: {  	v33 =	vadd.f32 v47, v35  }
0x194: {  	v50 =	vld [tilespmem:$0x66F0];
	v34 =	vadd.f32 v34, v48  }
0x195: {  	v33 =	vadd.f32 v33, v49  }
0x196: {  	v51 =	vld [tilespmem:$0x68F0];
	[tilespmem:$0x6CF0] =	vst v34  }
0x197: {  	v52 =	vld [tilespmem:$0x6AF0];
	[tilespmem:$0x6EF0] =	vst v33  }
0x198: {  	v53 =	vld.idx.msk [tilespmem:v15+s21+$0x0], $0xffff  }
0x199: {  	v35 =	vadd.f32 v50, v32;
	v54 =	vld.idx.msk [tilespmem:v15+s22+$0x0], $0xffff;
	_ =	sdelay $0x1  }
0x19a: {  	v34 =	vadd.f32 v51, v35  }
0x19b: {  	v33 =	vadd.f32 v52, v35  }
0x19c: {  	v55 =	vld [tilespmem:$0x6700];
	v34 =	vadd.f32 v34, v53  }
0x19d: {  	v33 =	vadd.f32 v33, v54  }
0x19e: {  	v56 =	vld [tilespmem:$0x6900];
	[tilespmem:$0x6D00] =	vst v34  }
0x19f: {  	v57 =	vld [tilespmem:$0x6B00];
	[tilespmem:$0x6F00] =	vst v33  }
0x1a0: {  	v58 =	vld.idx.msk [tilespmem:v16+s21+$0x0], $0xffff  }
0x1a1: {  	v35 =	vadd.f32 v55, v32;
	v59 =	vld.idx.msk [tilespmem:v16+s22+$0x0], $0xffff;
	_ =	sdelay $0x1  }
0x1a2: {  	v34 =	vadd.f32 v56, v35  }
0x1a3: {  	v33 =	vadd.f32 v57, v35  }
0x1a4: {  	v60 =	vld [tilespmem:$0x6710];
	v34 =	vadd.f32 v34, v58  }
0x1a5: {  	v33 =	vadd.f32 v33, v59  }
0x1a6: {  	v61 =	vld [tilespmem:$0x6910];
	[tilespmem:$0x6D10] =	vst v34  }
0x1a7: {  	v62 =	vld [tilespmem:$0x6B10];
	[tilespmem:$0x6F10] =	vst v33  }
0x1a8: {  	v63 =	vld.idx.msk [tilespmem:v17+s21+$0x0], $0xffff  }
0x1a9: {  	v35 =	vadd.f32 v60, v32;
	v40 =	vld.idx.msk [tilespmem:v17+s22+$0x0], $0xffff;
	_ =	sdelay $0x1  }
0x1aa: {  	v34 =	vadd.f32 v61, v35  }
0x1ab: {  	v33 =	vadd.f32 v62, v35  }
0x1ac: {  	v41 =	vld [tilespmem:$0x6720];
	v34 =	vadd.f32 v34, v63  }
0x1ad: {  	v33 =	vadd.f32 v33, v40  }
0x1ae: {  	v42 =	vld [tilespmem:$0x6920];
	[tilespmem:$0x6D20] =	vst v34  }
0x1af: {  	v43 =	vld [tilespmem:$0x6B20];
	[tilespmem:$0x6F20] =	vst v33  }
0x1b0: {  	v44 =	vld.idx.msk [tilespmem:v18+s21+$0x0], $0xffff  }
0x1b1: {  	v35 =	vadd.f32 v41, v32;
	v45 =	vld.idx.msk [tilespmem:v18+s22+$0x0], $0xffff;
	_ =	sdelay $0x1  }
0x1b2: {  	v34 =	vadd.f32 v42, v35  }
0x1b3: {  	v33 =	vadd.f32 v43, v35  }
0x1b4: {  	v46 =	vld [tilespmem:$0x6730];
	v34 =	vadd.f32 v34, v44  }
0x1b5: {  	v33 =	vadd.f32 v33, v45  }
0x1b6: {  	v47 =	vld [tilespmem:$0x6930];
	[tilespmem:$0x6D30] =	vst v34  }
0x1b7: {  	v48 =	vld [tilespmem:$0x6B30];
	[tilespmem:$0x6F30] =	vst v33  }
0x1b8: {  	v49 =	vld.idx.msk [tilespmem:v19+s21+$0x0], $0xffff  }
0x1b9: {  	v35 =	vadd.f32 v46, v32;
	v50 =	vld.idx.msk [tilespmem:v19+s22+$0x0], $0xffff;
	_ =	sdelay $0x1  }
0x1ba: {  	v34 =	vadd.f32 v47, v35  }
0x1bb: {  	v33 =	vadd.f32 v48, v35  }
0x1bc: {  	v51 =	vld [tilespmem:$0x6740];
	v34 =	vadd.f32 v34, v49  }
0x1bd: {  	v33 =	vadd.f32 v33, v50  }
0x1be: {  	v52 =	vld [tilespmem:$0x6940];
	[tilespmem:$0x6D40] =	vst v34  }
0x1bf: {  	v53 =	vld [tilespmem:$0x6B40];
	[tilespmem:$0x6F40] =	vst v33  }
0x1c0: {  	v54 =	vld.idx.msk [tilespmem:v20+s21+$0x0], $0xffff  }
0x1c1: {  	v35 =	vadd.f32 v51, v32;
	v55 =	vld.idx.msk [tilespmem:v20+s22+$0x0], $0xffff;
	_ =	sdelay $0x1  }
0x1c2: {  	v34 =	vadd.f32 v52, v35  }
0x1c3: {  	v33 =	vadd.f32 v53, v35  }
0x1c4: {  	v56 =	vld [tilespmem:$0x6750];
	v34 =	vadd.f32 v34, v54  }
0x1c5: {  	v33 =	vadd.f32 v33, v55  }
0x1c6: {  	v57 =	vld [tilespmem:$0x6950];
	[tilespmem:$0x6D50] =	vst v34  }
0x1c7: {  	v58 =	vld [tilespmem:$0x6B50];
	[tilespmem:$0x6F50] =	vst v33  }
0x1c8: {  	v59 =	vld.idx.msk [tilespmem:v21+s21+$0x0], $0xffff  }
0x1c9: {  	v35 =	vadd.f32 v56, v32;
	v60 =	vld.idx.msk [tilespmem:v21+s22+$0x0], $0xffff;
	_ =	sdelay $0x1  }
0x1ca: {  	v34 =	vadd.f32 v57, v35  }
0x1cb: {  	v33 =	vadd.f32 v58, v35  }
0x1cc: {  	v61 =	vld [tilespmem:$0x6760];
	v34 =	vadd.f32 v34, v59  }
0x1cd: {  	v33 =	vadd.f32 v33, v60  }
0x1ce: {  	v62 =	vld [tilespmem:$0x6960];
	[tilespmem:$0x6D60] =	vst v34  }
0x1cf: {  	v63 =	vld [tilespmem:$0x6B60];
	[tilespmem:$0x6F60] =	vst v33  }
0x1d0: {  	v40 =	vld.idx.msk [tilespmem:v22+s21+$0x0], $0xffff  }
0x1d1: {  	v35 =	vadd.f32 v61, v32;
	v41 =	vld.idx.msk [tilespmem:v22+s22+$0x0], $0xffff;
	_ =	sdelay $0x1  }
0x1d2: {  	v34 =	vadd.f32 v62, v35  }
0x1d3: {  	v33 =	vadd.f32 v63, v35  }
0x1d4: {  	v42 =	vld [tilespmem:$0x6770];
	v34 =	vadd.f32 v34, v40  }
0x1d5: {  	v33 =	vadd.f32 v33, v41  }
0x1d6: {  	v43 =	vld [tilespmem:$0x6970];
	[tilespmem:$0x6D70] =	vst v34  }
0x1d7: {  	v44 =	vld [tilespmem:$0x6B70];
	[tilespmem:$0x6F70] =	vst v33  }
0x1d8: {  	v45 =	vld.idx.msk [tilespmem:v23+s21+$0x0], $0xffff  }
0x1d9: {  	v35 =	vadd.f32 v42, v32;
	v46 =	vld.idx.msk [tilespmem:v23+s22+$0x0], $0xffff;
	_ =	sdelay $0x1  }
0x1da: {  	v34 =	vadd.f32 v43, v35  }
0x1db: {  	v33 =	vadd.f32 v44, v35  }
0x1dc: {  	v47 =	vld [tilespmem:$0x6780];
	v34 =	vadd.f32 v34, v45  }
0x1dd: {  	v33 =	vadd.f32 v33, v46  }
0x1de: {  	v48 =	vld [tilespmem:$0x6980];
	[tilespmem:$0x6D80] =	vst v34  }
0x1df: {  	v49 =	vld [tilespmem:$0x6B80];
	[tilespmem:$0x6F80] =	vst v33  }
0x1e0: {  	v50 =	vld.idx.msk [tilespmem:v24+s21+$0x0], $0xffff  }
0x1e1: {  	v35 =	vadd.f32 v47, v32;
	v51 =	vld.idx.msk [tilespmem:v24+s22+$0x0], $0xffff;
	_ =	sdelay $0x1  }
0x1e2: {  	v34 =	vadd.f32 v48, v35  }
0x1e3: {  	v33 =	vadd.f32 v49, v35  }
0x1e4: {  	v52 =	vld [tilespmem:$0x6790];
	v34 =	vadd.f32 v34, v50  }
0x1e5: {  	v33 =	vadd.f32 v33, v51  }
0x1e6: {  	v53 =	vld [tilespmem:$0x6990];
	[tilespmem:$0x6D90] =	vst v34  }
0x1e7: {  	v54 =	vld [tilespmem:$0x6B90];
	[tilespmem:$0x6F90] =	vst v33  }
0x1e8: {  	v55 =	vld.idx.msk [tilespmem:v25+s21+$0x0], $0xffff  }
0x1e9: {  	v35 =	vadd.f32 v52, v32;
	v56 =	vld.idx.msk [tilespmem:v25+s22+$0x0], $0xffff;
	_ =	sdelay $0x1  }
0x1ea: {  	v34 =	vadd.f32 v53, v35  }
0x1eb: {  	v33 =	vadd.f32 v54, v35  }
0x1ec: {  	v57 =	vld [tilespmem:$0x67A0];
	v34 =	vadd.f32 v34, v55  }
0x1ed: {  	v33 =	vadd.f32 v33, v56  }
0x1ee: {  	v58 =	vld [tilespmem:$0x69A0];
	[tilespmem:$0x6DA0] =	vst v34  }
0x1ef: {  	v59 =	vld [tilespmem:$0x6BA0];
	[tilespmem:$0x6FA0] =	vst v33  }
0x1f0: {  	v60 =	vld.idx.msk [tilespmem:v26+s21+$0x0], $0xffff  }
0x1f1: {  	v35 =	vadd.f32 v57, v32;
	v61 =	vld.idx.msk [tilespmem:v26+s22+$0x0], $0xffff;
	_ =	sdelay $0x1  }
0x1f2: {  	v34 =	vadd.f32 v58, v35  }
0x1f3: {  	v33 =	vadd.f32 v59, v35  }
0x1f4: {  	v62 =	vld [tilespmem:$0x67B0];
	v34 =	vadd.f32 v34, v60  }
0x1f5: {  	v33 =	vadd.f32 v33, v61  }
0x1f6: {  	v63 =	vld [tilespmem:$0x69B0];
	[tilespmem:$0x6DB0] =	vst v34  }
0x1f7: {  	v40 =	vld [tilespmem:$0x6BB0];
	[tilespmem:$0x6FB0] =	vst v33  }
0x1f8: {  	v41 =	vld.idx.msk [tilespmem:v27+s21+$0x0], $0xffff  }
0x1f9: {  	v35 =	vadd.f32 v62, v32;
	v42 =	vld.idx.msk [tilespmem:v27+s22+$0x0], $0xffff;
	_ =	sdelay $0x1  }
0x1fa: {  	v34 =	vadd.f32 v63, v35  }
0x1fb: {  	v33 =	vadd.f32 v40, v35  }
0x1fc: {  	v43 =	vld [tilespmem:$0x67C0];
	v34 =	vadd.f32 v34, v41  }
0x1fd: {  	v33 =	vadd.f32 v33, v42  }
0x1fe: {  	v44 =	vld [tilespmem:$0x69C0];
	[tilespmem:$0x6DC0] =	vst v34  }
0x1ff: {  	v45 =	vld [tilespmem:$0x6BC0];
	[tilespmem:$0x6FC0] =	vst v33  }
0x200: {  	v46 =	vld.idx.msk [tilespmem:v28+s21+$0x0], $0xffff  }
0x201: {  	v35 =	vadd.f32 v43, v32;
	v47 =	vld.idx.msk [tilespmem:v28+s22+$0x0], $0xffff;
	_ =	sdelay $0x1  }
0x202: {  	v34 =	vadd.f32 v44, v35  }
0x203: {  	v33 =	vadd.f32 v45, v35  }
0x204: {  	v48 =	vld [tilespmem:$0x67D0];
	v34 =	vadd.f32 v34, v46  }
0x205: {  	v33 =	vadd.f32 v33, v47  }
0x206: {  	v49 =	vld [tilespmem:$0x69D0];
	[tilespmem:$0x6DD0] =	vst v34  }
0x207: {  	v50 =	vld [tilespmem:$0x6BD0];
	[tilespmem:$0x6FD0] =	vst v33  }
0x208: {  	v51 =	vld.idx.msk [tilespmem:v29+s21+$0x0], $0xffff  }
0x209: {  	v35 =	vadd.f32 v48, v32;
	v52 =	vld.idx.msk [tilespmem:v29+s22+$0x0], $0xffff;
	_ =	sdelay $0x1  }
0x20a: {  	v34 =	vadd.f32 v49, v35  }
0x20b: {  	v33 =	vadd.f32 v50, v35  }
0x20c: {  	v53 =	vld [tilespmem:$0x67E0];
	v34 =	vadd.f32 v34, v51  }
0x20d: {  	v33 =	vadd.f32 v33, v52  }
0x20e: {  	v54 =	vld [tilespmem:$0x69E0];
	[tilespmem:$0x6DE0] =	vst v34  }
0x20f: {  	v55 =	vld [tilespmem:$0x6BE0];
	[tilespmem:$0x6FE0] =	vst v33  }
0x210: {  	v56 =	vld.idx.msk [tilespmem:v30+s21+$0x0], $0xffff  }
0x211: {  	v35 =	vadd.f32 v53, v32;
	v57 =	vld.idx.msk [tilespmem:v30+s22+$0x0], $0xffff;
	_ =	sdelay $0x1  }
0x212: {  	v34 =	vadd.f32 v54, v35  }
0x213: {  	v33 =	vadd.f32 v55, v35  }
0x214: {  	v58 =	vld [tilespmem:$0x67F0];
	v34 =	vadd.f32 v34, v56  }
0x215: {  	v33 =	vadd.f32 v33, v57  }
0x216: {  	v59 =	vld [tilespmem:$0x69F0];
	[tilespmem:$0x6DF0] =	vst v34  }
0x217: {  	v60 =	vld [tilespmem:$0x6BF0];
	[tilespmem:$0x6FF0] =	vst v33  }
0x218: {  	v61 =	vld.idx.msk [tilespmem:v31+s21+$0x0], $0xffff  }
0x219: {  	v32 =	vadd.f32 v58, v32;
	v62 =	vld.idx.msk [tilespmem:v31+s22+$0x0], $0xffff;
	_ =	sdelay $0x1  }
0x21a: {  	v34 =	vadd.f32 v59, v32  }
0x21b: {  	v32 =	vadd.f32 v60, v32  }
0x21c: {  	v63 =	vadd.f32 v34, v61  }
0x21d: {  	v32 =	vadd.f32 v32, v62  }
0x21e: {  	[tilespmem:$0x6E00] =	vst v63  }
0x21f: {  	s0 =	simm.s32 $0x6C10;
	[tilespmem:$0x7000] =	vst v32  }
0x220: {  	[hbm4b:s12+s2] =	stream.linear.scatter [tilespmem:s0], [sflag:$0x2], $0x200, $0x38;
	[tilespmem:$0x7010] =	vst v63  }
0x221: {  	s23 =	sadd.s32 $0x1, s23;
	_ =	swait.ge [sflag:s15], $0x200  }
0x222: {  	p0 =	sne.s32 s23, s14;
	[sflag:s15] =	ssyncset.done $0x0  }
.Ltmp1:
0x223: {  	s29 =	simm.s32 $0x6E10;
	[sflag:s15] =	ssyncadd.s32 $0xFFFFFE00;
	(pc) =	sbr.rel @p0 .LBB2_1-.Ltmp1, $4  }
0x224: {  	[hbm4b:s13+s2] =	stream.linear.scatter [tilespmem:s29], [sflag:$0x2], $0x200, $0x38;
	[tilespmem:$0x7010] =	vst v63  }
0x225: {  	_ =	swait.ge [sflag:s15], $0x200  }
0x226: {  	[sflag:s15] =	ssyncset.done $0x0  }
0x227: {  	[sflag:s15] =	ssyncadd.s32 $0xFFFFFE00  }
0x228: {  	_ =	sfence.sel $0x180000  }
0x229: {  	[bflag:$0x0] =	sbarrier.arrive $0xFFFF  }
0x22a: {  	_ =	strace $0x90000047  }
0x22b: {  	s0 =	stileid.u32;
	[bflag:$0x2] =	sbarrier.arrive $0xFFFF  }
0x22c: {  	p0 =	sne.s32 s0, $0x0;
	s0 =	rddreg [dreg:$0x6]  }
0x22d: {  	s0 =	sadd.s32 @!p0 $0x100000, s0  }
0x22e: {  	[sflag:s0] =	ssyncadd.tile.s32 @!p0 $0x1;
	_ =	shalt  }
.Lfunc_end2:
_tile_overlayer_lowered:
.L_overlay_start_2:
0x22f: {  	(tag) =	ssettag $0x2  }
0x230: {  	s0 =	rddreg [dreg:$0x0];
	s2 =	stileid.u32  }
0x231: {  	s1 =	rddreg [dreg:$0x1];
	p0 =	sne.s32 s2, $0x0  }
0x232: {  	s3 =	rddreg [dreg:$0x2];
	[bflag:$0x3] =	sbarrier.arrive $0xFFFF;
	s2 =	simm.s32 @!p0 $0x1C02  }
0x233: {  	[timem:s3], [sflag:s2] =	dma.local @!p0 [hbm:s0], s1  }
0x234: {  	s0 =	simm.s32 @!p0 $0x2  }
0x235: {  	_ =	swait.ge @!p0 [sflag:s0], s1  }
0x236: {  	s1 =	ssub.s32 @!p0 $0x0, s1;
	[sflag:s0] =	ssyncset.done @!p0 $0x0  }
0x237: {  	[sflag:s0] =	ssyncadd.s32 @!p0 s1  }
0x238: {  	[bflag:$0x3] =	sbarrier.arrive $0xFFFF  }
0x239: {  	_ =	shalt  }

</sc_bundles>
